<compile_context>
chip_gen: v7x
topology: tpu7x:2x2x1
jax: 0.10.2.dev20260603
libtpu: 0.0.44.dev20260713+nightly
codegen_flags: <defaults>
</compile_context>

<pallas_src>
import functools

import jax
import jax.numpy as jnp
from jax import lax
from jax.experimental import pallas as pl
from jax.experimental.pallas import tpu as pltpu
from jax.experimental.pallas import tpu_sc as plsc

T = 2048
H = 768
E = 64
DFF = 256
B = 112
NB = -(-T * 2 // B) + E - 1
P = NB * B
NW = 32
TPW = T // NW
NCH = 32
CH = T * 2 // NCH


def _stri_lower(n):
    r = lax.broadcasted_iota(jnp.int32, (n, n), 0)
    c = lax.broadcasted_iota(jnp.int32, (n, n), 1)
    return (c < r).astype(jnp.float32)


def _router_body(hid_ref, gw_ref, ids_ref, w_ref, d0_ref, d1_ref, be_ref):
    x = hid_ref[...]
    logits = jnp.dot(x, gw_ref[...], preferred_element_type=jnp.float32)
    m = jnp.max(logits, axis=1, keepdims=True)
    ex = jnp.exp(logits - m)
    s = ex / jnp.sum(ex, axis=1, keepdims=True)

    iota_e = lax.broadcasted_iota(jnp.int32, (T, E), 1)
    big = jnp.int32(E)
    m1 = jnp.max(s, axis=1, keepdims=True)
    i1 = jnp.min(jnp.where(s == m1, iota_e, big), axis=1, keepdims=True)
    s2 = jnp.where(iota_e == i1, jnp.float32(-1.0), s)
    m2 = jnp.max(s2, axis=1, keepdims=True)
    i2 = jnp.min(jnp.where(s2 == m2, iota_e, big), axis=1, keepdims=True)

    wsum = m1 + m2
    ids_ref[...] = jnp.concatenate([i1, i2], axis=1)
    w_ref[...] = jnp.concatenate([m1 / wsum, m2 / wsum] * 8, axis=1)

    o1 = (iota_e == i1).astype(jnp.float32)
    o2 = (iota_e == i2).astype(jnp.float32)
    o = jnp.concatenate([o1, o2], axis=0)

    ls_ch = _stri_lower(CH)
    ranks = []
    sums = []
    for c in range(NCH):
        chunk = o[c * CH:(c + 1) * CH, :]
        ranks.append(jnp.dot(ls_ch, chunk, preferred_element_type=jnp.float32))
        sums.append(jnp.sum(chunk, axis=0, keepdims=True))
    s_mat = jnp.concatenate(sums, axis=0)
    carry = jnp.dot(_stri_lower(NCH), s_mat,
                    preferred_element_type=jnp.float32)
    rank = jnp.concatenate(
        [ranks[c] + carry[c:c + 1, :] for c in range(NCH)], axis=0)

    counts = jnp.sum(s_mat, axis=0, keepdims=True)
    padded = jnp.ceil(counts / B) * B
    base = jnp.dot(_stri_lower(E), padded.reshape(E, 1),
                   preferred_element_type=jnp.float32)
    dest = jnp.sum(o * (rank + base.reshape(1, E)), axis=1)
    d0_ref[...] = dest[:T].astype(jnp.int32)
    d1_ref[...] = dest[T:].astype(jnp.int32)

    base_blk = base.reshape(1, E) / B
    bb = lax.broadcasted_iota(jnp.int32, (NB + 1, E), 0).astype(jnp.float32)
    occ = (base_blk <= bb).astype(jnp.float32)
    be = jnp.clip(jnp.sum(occ, axis=1, keepdims=True) - 1.0, 0, E - 1)
    used = jnp.sum(padded) / B
    be = jnp.where(bb[:, :1] == NB, used, be)
    be_ref[...] = be.astype(jnp.int32).reshape(1, NB + 1)


def _router(hidden, gate_w):
    return pl.pallas_call(
        _router_body,
        out_shape=(
            jax.ShapeDtypeStruct((T, 2), jnp.int32),
            jax.ShapeDtypeStruct((T, 16), jnp.float32),
            jax.ShapeDtypeStruct((T,), jnp.int32),
            jax.ShapeDtypeStruct((T,), jnp.int32),
            jax.ShapeDtypeStruct((1, NB + 1), jnp.int32),
        ),
    )(hidden, gate_w)


_sc_mesh = plsc.VectorSubcoreMesh(core_axis_name="c", subcore_axis_name="s")


@functools.partial(
    pl.kernel,
    out_type=jax.ShapeDtypeStruct((P, H), jnp.float32),
    mesh=_sc_mesh,
    scratch_types=[
        pltpu.VMEM((TPW, H), jnp.float32),
        pltpu.VMEM((TPW,), jnp.int32),
        pltpu.VMEM((TPW,), jnp.int32),
        pltpu.SemaphoreType.DMA,
    ],
)
def _sc_dispatch(hid, d0h, d1h, out, xbuf, d0, d1, sem):
    wid = lax.axis_index("c") * 16 + lax.axis_index("s")
    base = wid * TPW
    pltpu.sync_copy(hid.at[pl.ds(base, TPW)], xbuf)
    pltpu.sync_copy(d0h.at[pl.ds(base, TPW)], d0)
    pltpu.sync_copy(d1h.at[pl.ds(base, TPW)], d1)
    cp0 = pltpu.async_copy(xbuf, out.at[d0], sem)
    cp1 = pltpu.async_copy(xbuf, out.at[d1], sem)
    cp0.wait()
    cp1.wait()


@functools.partial(
    pl.kernel,
    out_type=jax.ShapeDtypeStruct((T, H), jnp.float32),
    mesh=_sc_mesh,
    scratch_types=[
        pltpu.VMEM((TPW, H), jnp.float32),
        pltpu.VMEM((TPW, H), jnp.float32),
        pltpu.VMEM((TPW,), jnp.int32),
        pltpu.VMEM((TPW,), jnp.int32),
        pltpu.VMEM((TPW, 16), jnp.float32),
        pltpu.SemaphoreType.DMA,
    ],
)
def _sc_combine(ys, d0h, d1h, wh, out, buf_a, buf_b, d0, d1, wv, sem):
    wid = lax.axis_index("c") * 16 + lax.axis_index("s")
    base = wid * TPW
    pltpu.sync_copy(d0h.at[pl.ds(base, TPW)], d0)
    pltpu.sync_copy(d1h.at[pl.ds(base, TPW)], d1)
    pltpu.sync_copy(wh.at[pl.ds(base, TPW), :], wv)
    cpa = pltpu.async_copy(ys.at[d0], buf_a, sem)
    cpb = pltpu.async_copy(ys.at[d1], buf_b, sem)
    cpa.wait()
    cpb.wait()

    def body(j, carry):
        wrow = wv[j, pl.ds(0, 16)]
        aw = wrow[0]
        bw = wrow[1]
        for sl in range(H // 16):
            ix = pl.ds(sl * 16, 16)
            buf_a[j, ix] = buf_a[j, ix] * aw + buf_b[j, ix] * bw
        return carry

    lax.fori_loop(0, TPW, body, 0)
    pltpu.sync_copy(buf_a, out.at[pl.ds(base, TPW)])


def _mlp_body(be_ref, x_ref, wg_ref, wu_ref, wd_ref, y_ref):
    @pl.when(pl.program_id(0) < be_ref[NB])
    def _():
        x = x_ref[...]
        fast = lax.Precision.DEFAULT
        g = jnp.dot(x, wg_ref[0], preferred_element_type=jnp.float32,
                    precision=fast)
        u = jnp.dot(x, wu_ref[0], preferred_element_type=jnp.float32,
                    precision=fast)
        h = g * jax.nn.sigmoid(g) * u
        y_ref[...] = jnp.dot(h, wd_ref[0], preferred_element_type=jnp.float32,
                             precision=fast)


def _grouped_mlp(x_sorted, w_gate, w_up, w_down, block_expert):
    grid_spec = pltpu.PrefetchScalarGridSpec(
        num_scalar_prefetch=1,
        grid=(NB,),
        in_specs=[
            pl.BlockSpec((B, H),
                         lambda i, be: (jnp.minimum(i, be[NB] - 1), 0)),
            pl.BlockSpec((1, H, DFF), lambda i, be: (be[i], 0, 0)),
            pl.BlockSpec((1, H, DFF), lambda i, be: (be[i], 0, 0)),
            pl.BlockSpec((1, DFF, H), lambda i, be: (be[i], 0, 0)),
        ],
        out_specs=pl.BlockSpec(
            (B, H), lambda i, be: (jnp.where(i < be[NB], i, NB - 1), 0)),
    )
    return pl.pallas_call(
        _mlp_body,
        grid_spec=grid_spec,
        out_shape=jax.ShapeDtypeStruct((P, H), jnp.float32),
    )(block_expert, x_sorted, w_gate, w_up, w_down)


def kernel(hidden_states, gate_w, w_gate, w_up, w_down):
    topk_ids, topk_w, dest0, dest1, block_expert = _router(
        hidden_states, gate_w)
    x_sorted = _sc_dispatch(hidden_states, dest0, dest1)
    y_sorted = _grouped_mlp(x_sorted, w_gate, w_up, w_down,
                            block_expert.reshape(-1))
    out = _sc_combine(y_sorted, dest0, dest1, topk_w)
    return (out, topk_ids)

# --- scband reference (transcript-rebuilt; emitter-appended) ---
"""Pipeline reference for scband-mi-mo-v2-moe-30133490548817 (READ-ONLY COPY).

The authoritative reference and input builder live on the scoring server;
editing this copy changes nothing except your own understanding.
"""

import jax, jax.numpy as jnp
import numpy as np

T = 2048       # tokens (batch=1, seq_len=2048)
HIDDEN = 768   # d_model
E = 64         # n_routed_experts
K = 2          # num_experts_per_tok
DFF = 256      # moe_intermediate_size


def setup_inputs(seed: int = 0) -> dict:
    key = jax.random.key(seed)
    k1, k2, k3, k4, k5 = jax.random.split(key, 5)
    hidden_states = jax.random.normal(k1, (T, HIDDEN), dtype=jnp.float32)
    # gate (router) weight: hidden -> num_experts logits
    gate_w = jax.random.normal(k2, (HIDDEN, E), dtype=jnp.float32) * 0.02
    # per-expert SwiGLU MLP weights
    w_gate = jax.random.normal(k3, (E, HIDDEN, DFF), dtype=jnp.float32) * 0.02
    w_up = jax.random.normal(k4, (E, HIDDEN, DFF), dtype=jnp.float32) * 0.02
    w_down = jax.random.normal(k5, (E, DFF, HIDDEN), dtype=jnp.float32) * 0.02
    return {
        "hidden_states": hidden_states,
        "gate_w": gate_w,
        "w_gate": w_gate,
        "w_up": w_up,
        "w_down": w_down,
    }


def reference(hidden_states, gate_w, w_gate, w_up, w_down):
    # ---- GateLogit: linear projection + softmax scoring (score_func='softmax') ----
    router_logits = jnp.dot(hidden_states, gate_w)
    scores = jax.nn.softmax(router_logits.astype(jnp.float32), axis=-1)

    # ---- TopK (greedy, no correction bias) with renormalization ----
    topk_weights, topk_ids = jax.lax.top_k(scores, K)
    topk_weights = topk_weights / jnp.sum(topk_weights, axis=-1, keepdims=True)

    # ---- EPMoE (dropless): dense-equivalent combine via scatter of topk weights ----
    n_tok = hidden_states.shape[0]
    combine = jnp.zeros((n_tok, E), dtype=jnp.float32).at[
        jnp.arange(n_tok)[:, None], topk_ids
    ].add(topk_weights)

    # per-expert SwiGLU MLP, combined with routing weights
    g = jnp.einsum("td,edf->tef", hidden_states, w_gate)
    u = jnp.einsum("td,edf->tef", hidden_states, w_up)
    h = jax.nn.silu(g) * u
    h = h * combine[:, :, None]
    mlp_output = jnp.einsum("tef,efd->td", h, w_down)

    return (mlp_output, topk_ids)

if __name__ == "__main__":
    import jax
    _d = setup_inputs()
    print(jax.jit(kernel)(*tuple(_d.values())))

</pallas_src>

<mosaic_0001>
#map = affine_map<(d0, d1) -> (0, 0)>
#map1 = affine_map<(d0, d1) -> (0)>
module attributes {stable_mosaic.version = 14 : i64} {
  func.func @_sc_combine(%arg0: i32, %arg1: i32, %arg2: memref<11200x768xf32, #tpu.memory_space<hbm>>, %arg3: memref<2048xi32, #tpu.memory_space<hbm>>, %arg4: memref<2048xi32, #tpu.memory_space<hbm>>, %arg5: memref<2048x16xf32, #tpu.memory_space<hbm>>, %arg6: memref<2048x768xf32, #tpu.memory_space<hbm>>, %arg7: memref<64x768xf32, #tpu.memory_space<vmem>>, %arg8: memref<64x768xf32, #tpu.memory_space<vmem>>, %arg9: memref<64xi32, #tpu.memory_space<vmem>>, %arg10: memref<64xi32, #tpu.memory_space<vmem>>, %arg11: memref<64x16xf32, #tpu.memory_space<vmem>>, %arg12: memref<!tpu.dma_semaphore, #tpu.memory_space<semaphore_mem>>) attributes {dimension_semantics = [#tpu.dimension_semantics<core_parallel>, #tpu.dimension_semantics<subcore_parallel>], iteration_bounds = array<i64: 2, 16>, scalar_prefetch = 0 : i64, scratch_operands = 6 : i64, tpu.core_type = #tpu.core_type<sc_vector_subcore>, window_params = [{transform_indices = #map}, {transform_indices = #map1}, {transform_indices = #map1}, {transform_indices = #map}, {transform_indices = #map}]} {
    %mul3A = arith.constant 16 : i32
    %mul3A_0 = arith.muli %arg0, %mul3A : i32
    %add3A = arith.addi %mul3A_0, %arg1 : i32
    %mul3A_1 = arith.constant 64 : i32
    %mul3A_2 = arith.muli %add3A, %mul3A_1 : i32
    "tpu.region"() ({
      %run_scoped3A = tpu.sem_alloc : memref<!tpu.dma_semaphore, #tpu.memory_space<semaphore_mem>>
      %dma_start3A_18 = tpu.memref_slice %arg3[%mul3A_2] : memref<2048xi32, #tpu.memory_space<hbm>> -> memref<64xi32, #tpu.memory_space<hbm>>
      %dma_start3A_19 = tpu.memref_slice %arg3[%mul3A_2] : memref<2048xi32, #tpu.memory_space<hbm>> -> memref<64xi32, #tpu.memory_space<hbm>>
      tpu.enqueue_dma source(%dma_start3A_19 : memref<64xi32, #tpu.memory_space<hbm>>) target(%arg9 : memref<64xi32, #tpu.memory_space<vmem>>) target_semaphore(%run_scoped3A : memref<!tpu.dma_semaphore, #tpu.memory_space<semaphore_mem>>)
      %dma_wait3A_20 = tpu.memref_slice %arg3[%mul3A_2] : memref<2048xi32, #tpu.memory_space<hbm>> -> memref<64xi32, #tpu.memory_space<hbm>>
      %dma_wait3A_21 = tpu.memref_slice %arg3[%mul3A_2] : memref<2048xi32, #tpu.memory_space<hbm>> -> memref<64xi32, #tpu.memory_space<hbm>>
      tpu.wait_dma2 semaphore(%run_scoped3A : memref<!tpu.dma_semaphore, #tpu.memory_space<semaphore_mem>>) src(%dma_wait3A_21 : memref<64xi32, #tpu.memory_space<hbm>>) dst(%arg9 : memref<64xi32, #tpu.memory_space<vmem>>)
      tpu.yield
    }) : () -> ()
    "tpu.region"() ({
      %run_scoped3A = tpu.sem_alloc : memref<!tpu.dma_semaphore, #tpu.memory_space<semaphore_mem>>
      %dma_start3A_18 = tpu.memref_slice %arg4[%mul3A_2] : memref<2048xi32, #tpu.memory_space<hbm>> -> memref<64xi32, #tpu.memory_space<hbm>>
      %dma_start3A_19 = tpu.memref_slice %arg4[%mul3A_2] : memref<2048xi32, #tpu.memory_space<hbm>> -> memref<64xi32, #tpu.memory_space<hbm>>
      tpu.enqueue_dma source(%dma_start3A_19 : memref<64xi32, #tpu.memory_space<hbm>>) target(%arg10 : memref<64xi32, #tpu.memory_space<vmem>>) target_semaphore(%run_scoped3A : memref<!tpu.dma_semaphore, #tpu.memory_space<semaphore_mem>>)
      %dma_wait3A_20 = tpu.memref_slice %arg4[%mul3A_2] : memref<2048xi32, #tpu.memory_space<hbm>> -> memref<64xi32, #tpu.memory_space<hbm>>
      %dma_wait3A_21 = tpu.memref_slice %arg4[%mul3A_2] : memref<2048xi32, #tpu.memory_space<hbm>> -> memref<64xi32, #tpu.memory_space<hbm>>
      tpu.wait_dma2 semaphore(%run_scoped3A : memref<!tpu.dma_semaphore, #tpu.memory_space<semaphore_mem>>) src(%dma_wait3A_21 : memref<64xi32, #tpu.memory_space<hbm>>) dst(%arg10 : memref<64xi32, #tpu.memory_space<vmem>>)
      tpu.yield
    }) : () -> ()
    "tpu.region"() ({
      %run_scoped3A = tpu.sem_alloc : memref<!tpu.dma_semaphore, #tpu.memory_space<semaphore_mem>>
      %dma_start3A_18 = arith.constant 0 : i32
      %dma_start3A_19 = tpu.memref_slice %arg5[%mul3A_2, %dma_start3A_18] : memref<2048x16xf32, #tpu.memory_space<hbm>> -> memref<64x16xf32, #tpu.memory_space<hbm>>
      %dma_start3A_20 = arith.constant 0 : i32
      %dma_start3A_21 = tpu.memref_slice %arg5[%mul3A_2, %dma_start3A_20] : memref<2048x16xf32, #tpu.memory_space<hbm>> -> memref<64x16xf32, #tpu.memory_space<hbm>>
      tpu.enqueue_dma source(%dma_start3A_21 : memref<64x16xf32, #tpu.memory_space<hbm>>) target(%arg11 : memref<64x16xf32, #tpu.memory_space<vmem>>) target_semaphore(%run_scoped3A : memref<!tpu.dma_semaphore, #tpu.memory_space<semaphore_mem>>)
      %dma_wait3A_22 = arith.constant 0 : i32
      %dma_wait3A_23 = tpu.memref_slice %arg5[%mul3A_2, %dma_wait3A_22] : memref<2048x16xf32, #tpu.memory_space<hbm>> -> memref<64x16xf32, #tpu.memory_space<hbm>>
      %dma_wait3A_24 = arith.constant 0 : i32
      %dma_wait3A_25 = tpu.memref_slice %arg5[%mul3A_2, %dma_wait3A_24] : memref<2048x16xf32, #tpu.memory_space<hbm>> -> memref<64x16xf32, #tpu.memory_space<hbm>>
      tpu.wait_dma2 semaphore(%run_scoped3A : memref<!tpu.dma_semaphore, #tpu.memory_space<semaphore_mem>>) src(%dma_wait3A_25 : memref<64x16xf32, #tpu.memory_space<hbm>>) dst(%arg11 : memref<64x16xf32, #tpu.memory_space<vmem>>)
      tpu.yield
    }) : () -> ()
    %dma_start3A = arith.constant 0 : i32
    %dma_start3A_3 = arith.constant 0 : i32
    %dma_start3A_4 = tpu.memref_slice %arg2[%dma_start3A, %dma_start3A_3] : memref<11200x768xf32, #tpu.memory_space<hbm>> -> memref<11200x768xf32, #tpu.memory_space<hbm>>
    tpu.enqueue_indirect_dma source(%dma_start3A_4 : memref<11200x768xf32, #tpu.memory_space<hbm>>) target(%arg7 : memref<64x768xf32, #tpu.memory_space<vmem>>) offsets(%arg9 : memref<64xi32, #tpu.memory_space<vmem>>) semaphore(%arg12 : memref<!tpu.dma_semaphore, #tpu.memory_space<semaphore_mem>>)
    %dma_start3A_5 = arith.constant 0 : i32
    %dma_start3A_6 = arith.constant 0 : i32
    %dma_start3A_7 = tpu.memref_slice %arg2[%dma_start3A_5, %dma_start3A_6] : memref<11200x768xf32, #tpu.memory_space<hbm>> -> memref<11200x768xf32, #tpu.memory_space<hbm>>
    tpu.enqueue_indirect_dma source(%dma_start3A_7 : memref<11200x768xf32, #tpu.memory_space<hbm>>) target(%arg8 : memref<64x768xf32, #tpu.memory_space<vmem>>) offsets(%arg10 : memref<64xi32, #tpu.memory_space<vmem>>) semaphore(%arg12 : memref<!tpu.dma_semaphore, #tpu.memory_space<semaphore_mem>>)
    %dma_wait3A = arith.constant 0 : i32
    %dma_wait3A_8 = arith.constant 0 : i32
    %dma_wait3A_9 = tpu.memref_slice %arg2[%dma_wait3A, %dma_wait3A_8] : memref<11200x768xf32, #tpu.memory_space<hbm>> -> memref<11200x768xf32, #tpu.memory_space<hbm>>
    tpu.wait_indirect_dma semaphore(%arg12 : memref<!tpu.dma_semaphore, #tpu.memory_space<semaphore_mem>>) src(%dma_wait3A_9 : memref<11200x768xf32, #tpu.memory_space<hbm>>) dst(%arg7 : memref<64x768xf32, #tpu.memory_space<vmem>>)
    %dma_wait3A_10 = arith.constant 0 : i32
    %dma_wait3A_11 = arith.constant 0 : i32
    %dma_wait3A_12 = tpu.memref_slice %arg2[%dma_wait3A_10, %dma_wait3A_11] : memref<11200x768xf32, #tpu.memory_space<hbm>> -> memref<11200x768xf32, #tpu.memory_space<hbm>>
    tpu.wait_indirect_dma semaphore(%arg12 : memref<!tpu.dma_semaphore, #tpu.memory_space<semaphore_mem>>) src(%dma_wait3A_12 : memref<11200x768xf32, #tpu.memory_space<hbm>>) dst(%arg8 : memref<64x768xf32, #tpu.memory_space<vmem>>)
    %scan3A = arith.constant 0 : i32
    %scan3A_13 = arith.constant 0 : i32
    %scan3A_14 = arith.constant 64 : i32
    %scan3A_15 = arith.addi %scan3A_13, %scan3A_14 : i32
    %scan3A_16 = arith.constant 1 : i32
    scf.for %scan3A_18 = %scan3A_13 to %scan3A_15 step %scan3A_16  : i32 {
      %get3A = arith.index_cast %scan3A_18 : i32 to index
      %get3A_19 = arith.constant 0 : index
      %get3A_20 = tpu.vector_load %arg11[%get3A, %get3A_19] {strides = array<i32>} : memref<64x16xf32, #tpu.memory_space<vmem>>, vector<1x16xf32>,
      %get3A_21 = vector.shape_cast %get3A_20 : vector<1x16xf32> to vector<16xf32>
      %slice3A = vector.extract_strided_slice %get3A_21 {offsets = [0], sizes = [1], strides = [1]} : vector<16xf32> to vector<1xf32>
      %squeeze3A = vector.extract %slice3A[0] : f32 from vector<1xf32>
      %slice3A_22 = vector.extract_strided_slice %get3A_21 {offsets = [1], sizes = [1], strides = [1]} : vector<16xf32> to vector<1xf32>
      %squeeze3A_23 = vector.extract %slice3A_22[0] : f32 from vector<1xf32>
      %get3A_24 = arith.index_cast %scan3A_18 : i32 to index
      %get3A_25 = arith.constant 0 : index
      %get3A_26 = tpu.vector_load %arg7[%get3A_24, %get3A_25] {strides = array<i32>} : memref<64x768xf32, #tpu.memory_space<vmem>>, vector<1x16xf32>,
      %get3A_27 = vector.shape_cast %get3A_26 : vector<1x16xf32> to vector<16xf32>
      %mul3A_28 = vector.broadcast %squeeze3A : f32 to vector<16xf32>
      %mul3A_29 = arith.mulf %get3A_27, %mul3A_28 : vector<16xf32>
      %get3A_30 = arith.index_cast %scan3A_18 : i32 to index
      %get3A_31 = arith.constant 0 : index
      %get3A_32 = tpu.vector_load %arg8[%get3A_30, %get3A_31] {strides = array<i32>} : memref<64x768xf32, #tpu.memory_space<vmem>>, vector<1x16xf32>,
      %get3A_33 = vector.shape_cast %get3A_32 : vector<1x16xf32> to vector<16xf32>
      %mul3A_34 = vector.broadcast %squeeze3A_23 : f32 to vector<16xf32>
      %mul3A_35 = arith.mulf %get3A_33, %mul3A_34 : vector<16xf32>
      %add3A_36 = arith.addf %mul3A_29, %mul3A_35 : vector<16xf32>
      %swap3A = arith.index_cast %scan3A_18 : i32 to index
      %swap3A_37 = arith.constant 0 : index
      %swap3A_38 = tpu.vector_load %arg7[%swap3A, %swap3A_37] {strides = array<i32>} : memref<64x768xf32, #tpu.memory_space<vmem>>, vector<1x16xf32>,
      %swap3A_39 = vector.shape_cast %swap3A_38 : vector<1x16xf32> to vector<16xf32>
      %swap3A_40 = vector.shape_cast %add3A_36 : vector<16xf32> to vector<1x16xf32>
      tpu.vector_store %arg7[%swap3A, %swap3A_37], %swap3A_40 {strides = array<i32>} : memref<64x768xf32, #tpu.memory_space<vmem>>, vector<1x16xf32>,
      %get3A_41 = arith.index_cast %scan3A_18 : i32 to index
      %get3A_42 = arith.constant 16 : index
      %get3A_43 = tpu.vector_load %arg7[%get3A_41, %get3A_42] {strides = array<i32>} : memref<64x768xf32, #tpu.memory_space<vmem>>, vector<1x16xf32>,
      %get3A_44 = vector.shape_cast %get3A_43 : vector<1x16xf32> to vector<16xf32>
      %mul3A_45 = vector.broadcast %squeeze3A : f32 to vector<16xf32>
      %mul3A_46 = arith.mulf %get3A_44, %mul3A_45 : vector<16xf32>
      %get3A_47 = arith.index_cast %scan3A_18 : i32 to index
      %get3A_48 = arith.constant 16 : index
      %get3A_49 = tpu.vector_load %arg8[%get3A_47, %get3A_48] {strides = array<i32>} : memref<64x768xf32, #tpu.memory_space<vmem>>, vector<1x16xf32>,
      %get3A_50 = vector.shape_cast %get3A_49 : vector<1x16xf32> to vector<16xf32>
      %mul3A_51 = vector.broadcast %squeeze3A_23 : f32 to vector<16xf32>
      %mul3A_52 = arith.mulf %get3A_50, %mul3A_51 : vector<16xf32>
      %add3A_53 = arith.addf %mul3A_46, %mul3A_52 : vector<16xf32>
      %swap3A_54 = arith.index_cast %scan3A_18 : i32 to index
      %swap3A_55 = arith.constant 16 : index
      %swap3A_56 = tpu.vector_load %arg7[%swap3A_54, %swap3A_55] {strides = array<i32>} : memref<64x768xf32, #tpu.memory_space<vmem>>, vector<1x16xf32>,
      %swap3A_57 = vector.shape_cast %swap3A_56 : vector<1x16xf32> to vector<16xf32>
      %swap3A_58 = vector.shape_cast %add3A_53 : vector<16xf32> to vector<1x16xf32>
      tpu.vector_store %arg7[%swap3A_54, %swap3A_55], %swap3A_58 {strides = array<i32>} : memref<64x768xf32, #tpu.memory_space<vmem>>, vector<1x16xf32>,
      %get3A_59 = arith.index_cast %scan3A_18 : i32 to index
      %get3A_60 = arith.constant 32 : index
      %get3A_61 = tpu.vector_load %arg7[%get3A_59, %get3A_60] {strides = array<i32>} : memref<64x768xf32, #tpu.memory_space<vmem>>, vector<1x16xf32>,
      %get3A_62 = vector.shape_cast %get3A_61 : vector<1x16xf32> to vector<16xf32>
      %mul3A_63 = vector.broadcast %squeeze3A : f32 to vector<16xf32>
      %mul3A_64 = arith.mulf %get3A_62, %mul3A_63 : vector<16xf32>
      %get3A_65 = arith.index_cast %scan3A_18 : i32 to index
      %get3A_66 = arith.constant 32 : index
      %get3A_67 = tpu.vector_load %arg8[%get3A_65, %get3A_66] {strides = array<i32>} : memref<64x768xf32, #tpu.memory_space<vmem>>, vector<1x16xf32>,
      %get3A_68 = vector.shape_cast %get3A_67 : vector<1x16xf32> to vector<16xf32>
      %mul3A_69 = vector.broadcast %squeeze3A_23 : f32 to vector<16xf32>
      %mul3A_70 = arith.mulf %get3A_68, %mul3A_69 : vector<16xf32>
      %add3A_71 = arith.addf %mul3A_64, %mul3A_70 : vector<16xf32>
      %swap3A_72 = arith.index_cast %scan3A_18 : i32 to index
      %swap3A_73 = arith.constant 32 : index
      %swap3A_74 = tpu.vector_load %arg7[%swap3A_72, %swap3A_73] {strides = array<i32>} : memref<64x768xf32, #tpu.memory_space<vmem>>, vector<1x16xf32>,
      %swap3A_75 = vector.shape_cast %swap3A_74 : vector<1x16xf32> to vector<16xf32>
      %swap3A_76 = vector.shape_cast %add3A_71 : vector<16xf32> to vector<1x16xf32>
      tpu.vector_store %arg7[%swap3A_72, %swap3A_73], %swap3A_76 {strides = array<i32>} : memref<64x768xf32, #tpu.memory_space<vmem>>, vector<1x16xf32>,
      %get3A_77 = arith.index_cast %scan3A_18 : i32 to index
      %get3A_78 = arith.constant 48 : index
      %get3A_79 = tpu.vector_load %arg7[%get3A_77, %get3A_78] {strides = array<i32>} : memref<64x768xf32, #tpu.memory_space<vmem>>, vector<1x16xf32>,
      %get3A_80 = vector.shape_cast %get3A_79 : vector<1x16xf32> to vector<16xf32>
      %mul3A_81 = vector.broadcast %squeeze3A : f32 to vector<16xf32>
      %mul3A_82 = arith.mulf %get3A_80, %mul3A_81 : vector<16xf32>
      %get3A_83 = arith.index_cast %scan3A_18 : i32 to index
      %get3A_84 = arith.constant 48 : index
      %get3A_85 = tpu.vector_load %arg8[%get3A_83, %get3A_84] {strides = array<i32>} : memref<64x768xf32, #tpu.memory_space<vmem>>, vector<1x16xf32>,
      %get3A_86 = vector.shape_cast %get3A_85 : vector<1x16xf32> to vector<16xf32>
      %mul3A_87 = vector.broadcast %squeeze3A_23 : f32 to vector<16xf32>
      %mul3A_88 = arith.mulf %get3A_86, %mul3A_87 : vector<16xf32>
      %add3A_89 = arith.addf %mul3A_82, %mul3A_88 : vector<16xf32>
      %swap3A_90 = arith.index_cast %scan3A_18 : i32 to index
      %swap3A_91 = arith.constant 48 : index
      %swap3A_92 = tpu.vector_load %arg7[%swap3A_90, %swap3A_91] {strides = array<i32>} : memref<64x768xf32, #tpu.memory_space<vmem>>, vector<1x16xf32>,
      %swap3A_93 = vector.shape_cast %swap3A_92 : vector<1x16xf32> to vector<16xf32>
      %swap3A_94 = vector.shape_cast %add3A_89 : vector<16xf32> to vector<1x16xf32>
      tpu.vector_store %arg7[%swap3A_90, %swap3A_91], %swap3A_94 {strides = array<i32>} : memref<64x768xf32, #tpu.memory_space<vmem>>, vector<1x16xf32>,
      %get3A_95 = arith.index_cast %scan3A_18 : i32 to index
      %get3A_96 = arith.constant 64 : index
      %get3A_97 = tpu.vector_load %arg7[%get3A_95, %get3A_96] {strides = array<i32>} : memref<64x768xf32, #tpu.memory_space<vmem>>, vector<1x16xf32>,
      %get3A_98 = vector.shape_cast %get3A_97 : vector<1x16xf32> to vector<16xf32>
      %mul3A_99 = vector.broadcast %squeeze3A : f32 to vector<16xf32>
      %mul3A_100 = arith.mulf %get3A_98, %mul3A_99 : vector<16xf32>
      %get3A_101 = arith.index_cast %scan3A_18 : i32 to index
      %get3A_102 = arith.constant 64 : index
      %get3A_103 = tpu.vector_load %arg8[%get3A_101, %get3A_102] {strides = array<i32>} : memref<64x768xf32, #tpu.memory_space<vmem>>, vector<1x16xf32>,
      %get3A_104 = vector.shape_cast %get3A_103 : vector<1x16xf32> to vector<16xf32>
      %mul3A_105 = vector.broadcast %squeeze3A_23 : f32 to vector<16xf32>
      %mul3A_106 = arith.mulf %get3A_104, %mul3A_105 : vector<16xf32>
      %add3A_107 = arith.addf %mul3A_100, %mul3A_106 : vector<16xf32>
      %swap3A_108 = arith.index_cast %scan3A_18 : i32 to index
      %swap3A_109 = arith.constant 64 : index
      %swap3A_110 = tpu.vector_load %arg7[%swap3A_108, %swap3A_109] {strides = array<i32>} : memref<64x768xf32, #tpu.memory_space<vmem>>, vector<1x16xf32>,
      %swap3A_111 = vector.shape_cast %swap3A_110 : vector<1x16xf32> to vector<16xf32>
      %swap3A_112 = vector.shape_cast %add3A_107 : vector<16xf32> to vector<1x16xf32>
      tpu.vector_store %arg7[%swap3A_108, %swap3A_109], %swap3A_112 {strides = array<i32>} : memref<64x768xf32, #tpu.memory_space<vmem>>, vector<1x16xf32>,
      %get3A_113 = arith.index_cast %scan3A_18 : i32 to index
      %get3A_114 = arith.constant 80 : index
      %get3A_115 = tpu.vector_load %arg7[%get3A_113, %get3A_114] {strides = array<i32>} : memref<64x768xf32, #tpu.memory_space<vmem>>, vector<1x16xf32>,
      %get3A_116 = vector.shape_cast %get3A_115 : vector<1x16xf32> to vector<16xf32>
      %mul3A_117 = vector.broadcast %squeeze3A : f32 to vector<16xf32>
      %mul3A_118 = arith.mulf %get3A_116, %mul3A_117 : vector<16xf32>
      %get3A_119 = arith.index_cast %scan3A_18 : i32 to index
      %get3A_120 = arith.constant 80 : index
      %get3A_121 = tpu.vector_load %arg8[%get3A_119, %get3A_120] {strides = array<i32>} : memref<64x768xf32, #tpu.memory_space<vmem>>, vector<1x16xf32>,
      %get3A_122 = vector.shape_cast %get3A_121 : vector<1x16xf32> to vector<16xf32>
      %mul3A_123 = vector.broadcast %squeeze3A_23 : f32 to vector<16xf32>
      %mul3A_124 = arith.mulf %get3A_122, %mul3A_123 : vector<16xf32>
      %add3A_125 = arith.addf %mul3A_118, %mul3A_124 : vector<16xf32>
      %swap3A_126 = arith.index_cast %scan3A_18 : i32 to index
      %swap3A_127 = arith.constant 80 : index
      %swap3A_128 = tpu.vector_load %arg7[%swap3A_126, %swap3A_127] {strides = array<i32>} : memref<64x768xf32, #tpu.memory_space<vmem>>, vector<1x16xf32>,
      %swap3A_129 = vector.shape_cast %swap3A_128 : vector<1x16xf32> to vector<16xf32>
      %swap3A_130 = vector.shape_cast %add3A_125 : vector<16xf32> to vector<1x16xf32>
      tpu.vector_store %arg7[%swap3A_126, %swap3A_127], %swap3A_130 {strides = array<i32>} : memref<64x768xf32, #tpu.memory_space<vmem>>, vector<1x16xf32>,
      %get3A_131 = arith.index_cast %scan3A_18 : i32 to index
      %get3A_132 = arith.constant 96 : index
      %get3A_133 = tpu.vector_load %arg7[%get3A_131, %get3A_132] {strides = array<i32>} : memref<64x768xf32, #tpu.memory_space<vmem>>, vector<1x16xf32>,
      %get3A_134 = vector.shape_cast %get3A_133 : vector<1x16xf32> to vector<16xf32>
      %mul3A_135 = vector.broadcast %squeeze3A : f32 to vector<16xf32>
      %mul3A_136 = arith.mulf %get3A_134, %mul3A_135 : vector<16xf32>
      %get3A_137 = arith.index_cast %scan3A_18 : i32 to index
      %get3A_138 = arith.constant 96 : index
      %get3A_139 = tpu.vector_load %arg8[%get3A_137, %get3A_138] {strides = array<i32>} : memref<64x768xf32, #tpu.memory_space<vmem>>, vector<1x16xf32>,
      %get3A_140 = vector.shape_cast %get3A_139 : vector<1x16xf32> to vector<16xf32>
      %mul3A_141 = vector.broadcast %squeeze3A_23 : f32 to vector<16xf32>
      %mul3A_142 = arith.mulf %get3A_140, %mul3A_141 : vector<16xf32>
      %add3A_143 = arith.addf %mul3A_136, %mul3A_142 : vector<16xf32>
      %swap3A_144 = arith.index_cast %scan3A_18 : i32 to index
      %swap3A_145 = arith.constant 96 : index
      %swap3A_146 = tpu.vector_load %arg7[%swap3A_144, %swap3A_145] {strides = array<i32>} : memref<64x768xf32, #tpu.memory_space<vmem>>, vector<1x16xf32>,
      %swap3A_147 = vector.shape_cast %swap3A_146 : vector<1x16xf32> to vector<16xf32>
      %swap3A_148 = vector.shape_cast %add3A_143 : vector<16xf32> to vector<1x16xf32>
      tpu.vector_store %arg7[%swap3A_144, %swap3A_145], %swap3A_148 {strides = array<i32>} : memref<64x768xf32, #tpu.memory_space<vmem>>, vector<1x16xf32>,
      %get3A_149 = arith.index_cast %scan3A_18 : i32 to index
      %get3A_150 = arith.constant 112 : index
      %get3A_151 = tpu.vector_load %arg7[%get3A_149, %get3A_150] {strides = array<i32>} : memref<64x768xf32, #tpu.memory_space<vmem>>, vector<1x16xf32>,
      %get3A_152 = vector.shape_cast %get3A_151 : vector<1x16xf32> to vector<16xf32>
      %mul3A_153 = vector.broadcast %squeeze3A : f32 to vector<16xf32>
      %mul3A_154 = arith.mulf %get3A_152, %mul3A_153 : vector<16xf32>
      %get3A_155 = arith.index_cast %scan3A_18 : i32 to index
      %get3A_156 = arith.constant 112 : index
      %get3A_157 = tpu.vector_load %arg8[%get3A_155, %get3A_156] {strides = array<i32>} : memref<64x768xf32, #tpu.memory_space<vmem>>, vector<1x16xf32>,
      %get3A_158 = vector.shape_cast %get3A_157 : vector<1x16xf32> to vector<16xf32>
      %mul3A_159 = vector.broadcast %squeeze3A_23 : f32 to vector<16xf32>
      %mul3A_160 = arith.mulf %get3A_158, %mul3A_159 : vector<16xf32>
      %add3A_161 = arith.addf %mul3A_154, %mul3A_160 : vector<16xf32>
      %swap3A_162 = arith.index_cast %scan3A_18 : i32 to index
      %swap3A_163 = arith.constant 112 : index
      %swap3A_164 = tpu.vector_load %arg7[%swap3A_162, %swap3A_163] {strides = array<i32>} : memref<64x768xf32, #tpu.memory_space<vmem>>, vector<1x16xf32>,
      %swap3A_165 = vector.shape_cast %swap3A_164 : vector<1x16xf32> to vector<16xf32>
      %swap3A_166 = vector.shape_cast %add3A_161 : vector<16xf32> to vector<1x16xf32>
      tpu.vector_store %arg7[%swap3A_162, %swap3A_163], %swap3A_166 {strides = array<i32>} : memref<64x768xf32, #tpu.memory_space<vmem>>, vector<1x16xf32>,
      %get3A_167 = arith.index_cast %scan3A_18 : i32 to index
      %get3A_168 = arith.constant 128 : index
      %get3A_169 = tpu.vector_load %arg7[%get3A_167, %get3A_168] {strides = array<i32>} : memref<64x768xf32, #tpu.memory_space<vmem>>, vector<1x16xf32>,
      %get3A_170 = vector.shape_cast %get3A_169 : vector<1x16xf32> to vector<16xf32>
      %mul3A_171 = vector.broadcast %squeeze3A : f32 to vector<16xf32>
      %mul3A_172 = arith.mulf %get3A_170, %mul3A_171 : vector<16xf32>
      %get3A_173 = arith.index_cast %scan3A_18 : i32 to index
      %get3A_174 = arith.constant 128 : index
      %get3A_175 = tpu.vector_load %arg8[%get3A_173, %get3A_174] {strides = array<i32>} : memref<64x768xf32, #tpu.memory_space<vmem>>, vector<1x16xf32>,
      %get3A_176 = vector.shape_cast %get3A_175 : vector<1x16xf32> to vector<16xf32>
      %mul3A_177 = vector.broadcast %squeeze3A_23 : f32 to vector<16xf32>
      %mul3A_178 = arith.mulf %get3A_176, %mul3A_177 : vector<16xf32>
      %add3A_179 = arith.addf %mul3A_172, %mul3A_178 : vector<16xf32>
      %swap3A_180 = arith.index_cast %scan3A_18 : i32 to index
      %swap3A_181 = arith.constant 128 : index
      %swap3A_182 = tpu.vector_load %arg7[%swap3A_180, %swap3A_181] {strides = array<i32>} : memref<64x768xf32, #tpu.memory_space<vmem>>, vector<1x16xf32>,
      %swap3A_183 = vector.shape_cast %swap3A_182 : vector<1x16xf32> to vector<16xf32>
      %swap3A_184 = vector.shape_cast %add3A_179 : vector<16xf32> to vector<1x16xf32>
      tpu.vector_store %arg7[%swap3A_180, %swap3A_181], %swap3A_184 {strides = array<i32>} : memref<64x768xf32, #tpu.memory_space<vmem>>, vector<1x16xf32>,
      %get3A_185 = arith.index_cast %scan3A_18 : i32 to index
      %get3A_186 = arith.constant 144 : index
      %get3A_187 = tpu.vector_load %arg7[%get3A_185, %get3A_186] {strides = array<i32>} : memref<64x768xf32, #tpu.memory_space<vmem>>, vector<1x16xf32>,
      %get3A_188 = vector.shape_cast %get3A_187 : vector<1x16xf32> to vector<16xf32>
      %mul3A_189 = vector.broadcast %squeeze3A : f32 to vector<16xf32>
      %mul3A_190 = arith.mulf %get3A_188, %mul3A_189 : vector<16xf32>
      %get3A_191 = arith.index_cast %scan3A_18 : i32 to index
      %get3A_192 = arith.constant 144 : index
      %get3A_193 = tpu.vector_load %arg8[%get3A_191, %get3A_192] {strides = array<i32>} : memref<64x768xf32, #tpu.memory_space<vmem>>, vector<1x16xf32>,
      %get3A_194 = vector.shape_cast %get3A_193 : vector<1x16xf32> to vector<16xf32>
      %mul3A_195 = vector.broadcast %squeeze3A_23 : f32 to vector<16xf32>
      %mul3A_196 = arith.mulf %get3A_194, %mul3A_195 : vector<16xf32>
      %add3A_197 = arith.addf %mul3A_190, %mul3A_196 : vector<16xf32>
      %swap3A_198 = arith.index_cast %scan3A_18 : i32 to index
      %swap3A_199 = arith.constant 144 : index
      %swap3A_200 = tpu.vector_load %arg7[%swap3A_198, %swap3A_199] {strides = array<i32>} : memref<64x768xf32, #tpu.memory_space<vmem>>, vector<1x16xf32>,
      %swap3A_201 = vector.shape_cast %swap3A_200 : vector<1x16xf32> to vector<16xf32>
      %swap3A_202 = vector.shape_cast %add3A_197 : vector<16xf32> to vector<1x16xf32>
      tpu.vector_store %arg7[%swap3A_198, %swap3A_199], %swap3A_202 {strides = array<i32>} : memref<64x768xf32, #tpu.memory_space<vmem>>, vector<1x16xf32>,
      %get3A_203 = arith.index_cast %scan3A_18 : i32 to index
      %get3A_204 = arith.constant 160 : index
      %get3A_205 = tpu.vector_load %arg7[%get3A_203, %get3A_204] {strides = array<i32>} : memref<64x768xf32, #tpu.memory_space<vmem>>, vector<1x16xf32>,
      %get3A_206 = vector.shape_cast %get3A_205 : vector<1x16xf32> to vector<16xf32>
      %mul3A_207 = vector.broadcast %squeeze3A : f32 to vector<16xf32>
      %mul3A_208 = arith.mulf %get3A_206, %mul3A_207 : vector<16xf32>
      %get3A_209 = arith.index_cast %scan3A_18 : i32 to index
      %get3A_210 = arith.constant 160 : index
      %get3A_211 = tpu.vector_load %arg8[%get3A_209, %get3A_210] {strides = array<i32>} : memref<64x768xf32, #tpu.memory_space<vmem>>, vector<1x16xf32>,
      %get3A_212 = vector.shape_cast %get3A_211 : vector<1x16xf32> to vector<16xf32>
      %mul3A_213 = vector.broadcast %squeeze3A_23 : f32 to vector<16xf32>
      %mul3A_214 = arith.mulf %get3A_212, %mul3A_213 : vector<16xf32>
      %add3A_215 = arith.addf %mul3A_208, %mul3A_214 : vector<16xf32>
      %swap3A_216 = arith.index_cast %scan3A_18 : i32 to index
      %swap3A_217 = arith.constant 160 : index
      %swap3A_218 = tpu.vector_load %arg7[%swap3A_216, %swap3A_217] {strides = array<i32>} : memref<64x768xf32, #tpu.memory_space<vmem>>, vector<1x16xf32>,
      %swap3A_219 = vector.shape_cast %swap3A_218 : vector<1x16xf32> to vector<16xf32>
      %swap3A_220 = vector.shape_cast %add3A_215 : vector<16xf32> to vector<1x16xf32>
      tpu.vector_store %arg7[%swap3A_216, %swap3A_217], %swap3A_220 {strides = array<i32>} : memref<64x768xf32, #tpu.memory_space<vmem>>, vector<1x16xf32>,
      %get3A_221 = arith.index_cast %scan3A_18 : i32 to index
      %get3A_222 = arith.constant 176 : index
      %get3A_223 = tpu.vector_load %arg7[%get3A_221, %get3A_222] {strides = array<i32>} : memref<64x768xf32, #tpu.memory_space<vmem>>, vector<1x16xf32>,
      %get3A_224 = vector.shape_cast %get3A_223 : vector<1x16xf32> to vector<16xf32>
      %mul3A_225 = vector.broadcast %squeeze3A : f32 to vector<16xf32>
      %mul3A_226 = arith.mulf %get3A_224, %mul3A_225 : vector<16xf32>
      %get3A_227 = arith.index_cast %scan3A_18 : i32 to index
      %get3A_228 = arith.constant 176 : index
      %get3A_229 = tpu.vector_load %arg8[%get3A_227, %get3A_228] {strides = array<i32>} : memref<64x768xf32, #tpu.memory_space<vmem>>, vector<1x16xf32>,
      %get3A_230 = vector.shape_cast %get3A_229 : vector<1x16xf32> to vector<16xf32>
      %mul3A_231 = vector.broadcast %squeeze3A_23 : f32 to vector<16xf32>
      %mul3A_232 = arith.mulf %get3A_230, %mul3A_231 : vector<16xf32>
      %add3A_233 = arith.addf %mul3A_226, %mul3A_232 : vector<16xf32>
      %swap3A_234 = arith.index_cast %scan3A_18 : i32 to index
      %swap3A_235 = arith.constant 176 : index
      %swap3A_236 = tpu.vector_load %arg7[%swap3A_234, %swap3A_235] {strides = array<i32>} : memref<64x768xf32, #tpu.memory_space<vmem>>, vector<1x16xf32>,
      %swap3A_237 = vector.shape_cast %swap3A_236 : vector<1x16xf32> to vector<16xf32>
      %swap3A_238 = vector.shape_cast %add3A_233 : vector<16xf32> to vector<1x16xf32>
      tpu.vector_store %arg7[%swap3A_234, %swap3A_235], %swap3A_238 {strides = array<i32>} : memref<64x768xf32, #tpu.memory_space<vmem>>, vector<1x16xf32>,
      %get3A_239 = arith.index_cast %scan3A_18 : i32 to index
      %get3A_240 = arith.constant 192 : index
      %get3A_241 = tpu.vector_load %arg7[%get3A_239, %get3A_240] {strides = array<i32>} : memref<64x768xf32, #tpu.memory_space<vmem>>, vector<1x16xf32>,
      %get3A_242 = vector.shape_cast %get3A_241 : vector<1x16xf32> to vector<16xf32>
      %mul3A_243 = vector.broadcast %squeeze3A : f32 to vector<16xf32>
      %mul3A_244 = arith.mulf %get3A_242, %mul3A_243 : vector<16xf32>
      %get3A_245 = arith.index_cast %scan3A_18 : i32 to index
      %get3A_246 = arith.constant 192 : index
      %get3A_247 = tpu.vector_load %arg8[%get3A_245, %get3A_246] {strides = array<i32>} : memref<64x768xf32, #tpu.memory_space<vmem>>, vector<1x16xf32>,
      %get3A_248 = vector.shape_cast %get3A_247 : vector<1x16xf32> to vector<16xf32>
      %mul3A_249 = vector.broadcast %squeeze3A_23 : f32 to vector<16xf32>
      %mul3A_250 = arith.mulf %get3A_248, %mul3A_249 : vector<16xf32>
      %add3A_251 = arith.addf %mul3A_244, %mul3A_250 : vector<16xf32>
      %swap3A_252 = arith.index_cast %scan3A_18 : i32 to index
      %swap3A_253 = arith.constant 192 : index
      %swap3A_254 = tpu.vector_load %arg7[%swap3A_252, %swap3A_253] {strides = array<i32>} : memref<64x768xf32, #tpu.memory_space<vmem>>, vector<1x16xf32>,
      %swap3A_255 = vector.shape_cast %swap3A_254 : vector<1x16xf32> to vector<16xf32>
      %swap3A_256 = vector.shape_cast %add3A_251 : vector<16xf32> to vector<1x16xf32>
      tpu.vector_store %arg7[%swap3A_252, %swap3A_253], %swap3A_256 {strides = array<i32>} : memref<64x768xf32, #tpu.memory_space<vmem>>, vector<1x16xf32>,
      %get3A_257 = arith.index_cast %scan3A_18 : i32 to index
      %get3A_258 = arith.constant 208 : index
      %get3A_259 = tpu.vector_load %arg7[%get3A_257, %get3A_258] {strides = array<i32>} : memref<64x768xf32, #tpu.memory_space<vmem>>, vector<1x16xf32>,
      %get3A_260 = vector.shape_cast %get3A_259 : vector<1x16xf32> to vector<16xf32>
      %mul3A_261 = vector.broadcast %squeeze3A : f32 to vector<16xf32>
      %mul3A_262 = arith.mulf %get3A_260, %mul3A_261 : vector<16xf32>
      %get3A_263 = arith.index_cast %scan3A_18 : i32 to index
      %get3A_264 = arith.constant 208 : index
      %get3A_265 = tpu.vector_load %arg8[%get3A_263, %get3A_264] {strides = array<i32>} : memref<64x768xf32, #tpu.memory_space<vmem>>, vector<1x16xf32>,
      %get3A_266 = vector.shape_cast %get3A_265 : vector<1x16xf32> to vector<16xf32>
      %mul3A_267 = vector.broadcast %squeeze3A_23 : f32 to vector<16xf32>
      %mul3A_268 = arith.mulf %get3A_266, %mul3A_267 : vector<16xf32>
      %add3A_269 = arith.addf %mul3A_262, %mul3A_268 : vector<16xf32>
      %swap3A_270 = arith.index_cast %scan3A_18 : i32 to index
      %swap3A_271 = arith.constant 208 : index
      %swap3A_272 = tpu.vector_load %arg7[%swap3A_270, %swap3A_271] {strides = array<i32>} : memref<64x768xf32, #tpu.memory_space<vmem>>, vector<1x16xf32>,
      %swap3A_273 = vector.shape_cast %swap3A_272 : vector<1x16xf32> to vector<16xf32>
      %swap3A_274 = vector.shape_cast %add3A_269 : vector<16xf32> to vector<1x16xf32>
      tpu.vector_store %arg7[%swap3A_270, %swap3A_271], %swap3A_274 {strides = array<i32>} : memref<64x768xf32, #tpu.memory_space<vmem>>, vector<1x16xf32>,
      %get3A_275 = arith.index_cast %scan3A_18 : i32 to index
      %get3A_276 = arith.constant 224 : index
      %get3A_277 = tpu.vector_load %arg7[%get3A_275, %get3A_276] {strides = array<i32>} : memref<64x768xf32, #tpu.memory_space<vmem>>, vector<1x16xf32>,
      %get3A_278 = vector.shape_cast %get3A_277 : vector<1x16xf32> to vector<16xf32>
      %mul3A_279 = vector.broadcast %squeeze3A : f32 to vector<16xf32>
      %mul3A_280 = arith.mulf %get3A_278, %mul3A_279 : vector<16xf32>
      %get3A_281 = arith.index_cast %scan3A_18 : i32 to index
      %get3A_282 = arith.constant 224 : index
      %get3A_283 = tpu.vector_load %arg8[%get3A_281, %get3A_282] {strides = array<i32>} : memref<64x768xf32, #tpu.memory_space<vmem>>, vector<1x16xf32>,
      %get3A_284 = vector.shape_cast %get3A_283 : vector<1x16xf32> to vector<16xf32>
      %mul3A_285 = vector.broadcast %squeeze3A_23 : f32 to vector<16xf32>
      %mul3A_286 = arith.mulf %get3A_284, %mul3A_285 : vector<16xf32>
      %add3A_287 = arith.addf %mul3A_280, %mul3A_286 : vector<16xf32>
      %swap3A_288 = arith.index_cast %scan3A_18 : i32 to index
      %swap3A_289 = arith.constant 224 : index
      %swap3A_290 = tpu.vector_load %arg7[%swap3A_288, %swap3A_289] {strides = array<i32>} : memref<64x768xf32, #tpu.memory_space<vmem>>, vector<1x16xf32>,
      %swap3A_291 = vector.shape_cast %swap3A_290 : vector<1x16xf32> to vector<16xf32>
      %swap3A_292 = vector.shape_cast %add3A_287 : vector<16xf32> to vector<1x16xf32>
      tpu.vector_store %arg7[%swap3A_288, %swap3A_289], %swap3A_292 {strides = array<i32>} : memref<64x768xf32, #tpu.memory_space<vmem>>, vector<1x16xf32>,
      %get3A_293 = arith.index_cast %scan3A_18 : i32 to index
      %get3A_294 = arith.constant 240 : index
      %get3A_295 = tpu.vector_load %arg7[%get3A_293, %get3A_294] {strides = array<i32>} : memref<64x768xf32, #tpu.memory_space<vmem>>, vector<1x16xf32>,
      %get3A_296 = vector.shape_cast %get3A_295 : vector<1x16xf32> to vector<16xf32>
      %mul3A_297 = vector.broadcast %squeeze3A : f32 to vector<16xf32>
      %mul3A_298 = arith.mulf %get3A_296, %mul3A_297 : vector<16xf32>
      %get3A_299 = arith.index_cast %scan3A_18 : i32 to index
      %get3A_300 = arith.constant 240 : index
      %get3A_301 = tpu.vector_load %arg8[%get3A_299, %get3A_300] {strides = array<i32>} : memref<64x768xf32, #tpu.memory_space<vmem>>, vector<1x16xf32>,
      %get3A_302 = vector.shape_cast %get3A_301 : vector<1x16xf32> to vector<16xf32>
      %mul3A_303 = vector.broadcast %squeeze3A_23 : f32 to vector<16xf32>
      %mul3A_304 = arith.mulf %get3A_302, %mul3A_303 : vector<16xf32>
      %add3A_305 = arith.addf %mul3A_298, %mul3A_304 : vector<16xf32>
      %swap3A_306 = arith.index_cast %scan3A_18 : i32 to index
      %swap3A_307 = arith.constant 240 : index
      %swap3A_308 = tpu.vector_load %arg7[%swap3A_306, %swap3A_307] {strides = array<i32>} : memref<64x768xf32, #tpu.memory_space<vmem>>, vector<1x16xf32>,
      %swap3A_309 = vector.shape_cast %swap3A_308 : vector<1x16xf32> to vector<16xf32>
      %swap3A_310 = vector.shape_cast %add3A_305 : vector<16xf32> to vector<1x16xf32>
      tpu.vector_store %arg7[%swap3A_306, %swap3A_307], %swap3A_310 {strides = array<i32>} : memref<64x768xf32, #tpu.memory_space<vmem>>, vector<1x16xf32>,
      %get3A_311 = arith.index_cast %scan3A_18 : i32 to index
      %get3A_312 = arith.constant 256 : index
      %get3A_313 = tpu.vector_load %arg7[%get3A_311, %get3A_312] {strides = array<i32>} : memref<64x768xf32, #tpu.memory_space<vmem>>, vector<1x16xf32>,
      %get3A_314 = vector.shape_cast %get3A_313 : vector<1x16xf32> to vector<16xf32>
      %mul3A_315 = vector.broadcast %squeeze3A : f32 to vector<16xf32>
      %mul3A_316 = arith.mulf %get3A_314, %mul3A_315 : vector<16xf32>
      %get3A_317 = arith.index_cast %scan3A_18 : i32 to index
      %get3A_318 = arith.constant 256 : index
      %get3A_319 = tpu.vector_load %arg8[%get3A_317, %get3A_318] {strides = array<i32>} : memref<64x768xf32, #tpu.memory_space<vmem>>, vector<1x16xf32>,
      %get3A_320 = vector.shape_cast %get3A_319 : vector<1x16xf32> to vector<16xf32>
      %mul3A_321 = vector.broadcast %squeeze3A_23 : f32 to vector<16xf32>
      %mul3A_322 = arith.mulf %get3A_320, %mul3A_321 : vector<16xf32>
      %add3A_323 = arith.addf %mul3A_316, %mul3A_322 : vector<16xf32>
      %swap3A_324 = arith.index_cast %scan3A_18 : i32 to index
      %swap3A_325 = arith.constant 256 : index
      %swap3A_326 = tpu.vector_load %arg7[%swap3A_324, %swap3A_325] {strides = array<i32>} : memref<64x768xf32, #tpu.memory_space<vmem>>, vector<1x16xf32>,
      %swap3A_327 = vector.shape_cast %swap3A_326 : vector<1x16xf32> to vector<16xf32>
      %swap3A_328 = vector.shape_cast %add3A_323 : vector<16xf32> to vector<1x16xf32>
      tpu.vector_store %arg7[%swap3A_324, %swap3A_325], %swap3A_328 {strides = array<i32>} : memref<64x768xf32, #tpu.memory_space<vmem>>, vector<1x16xf32>,
      %get3A_329 = arith.index_cast %scan3A_18 : i32 to index
      %get3A_330 = arith.constant 272 : index
      %get3A_331 = tpu.vector_load %arg7[%get3A_329, %get3A_330] {strides = array<i32>} : memref<64x768xf32, #tpu.memory_space<vmem>>, vector<1x16xf32>,
      %get3A_332 = vector.shape_cast %get3A_331 : vector<1x16xf32> to vector<16xf32>
      %mul3A_333 = vector.broadcast %squeeze3A : f32 to vector<16xf32>
      %mul3A_334 = arith.mulf %get3A_332, %mul3A_333 : vector<16xf32>
      %get3A_335 = arith.index_cast %scan3A_18 : i32 to index
      %get3A_336 = arith.constant 272 : index
      %get3A_337 = tpu.vector_load %arg8[%get3A_335, %get3A_336] {strides = array<i32>} : memref<64x768xf32, #tpu.memory_space<vmem>>, vector<1x16xf32>,
      %get3A_338 = vector.shape_cast %get3A_337 : vector<1x16xf32> to vector<16xf32>
      %mul3A_339 = vector.broadcast %squeeze3A_23 : f32 to vector<16xf32>
      %mul3A_340 = arith.mulf %get3A_338, %mul3A_339 : vector<16xf32>
      %add3A_341 = arith.addf %mul3A_334, %mul3A_340 : vector<16xf32>
      %swap3A_342 = arith.index_cast %scan3A_18 : i32 to index
      %swap3A_343 = arith.constant 272 : index
      %swap3A_344 = tpu.vector_load %arg7[%swap3A_342, %swap3A_343] {strides = array<i32>} : memref<64x768xf32, #tpu.memory_space<vmem>>, vector<1x16xf32>,
      %swap3A_345 = vector.shape_cast %swap3A_344 : vector<1x16xf32> to vector<16xf32>
      %swap3A_346 = vector.shape_cast %add3A_341 : vector<16xf32> to vector<1x16xf32>
      tpu.vector_store %arg7[%swap3A_342, %swap3A_343], %swap3A_346 {strides = array<i32>} : memref<64x768xf32, #tpu.memory_space<vmem>>, vector<1x16xf32>,
      %get3A_347 = arith.index_cast %scan3A_18 : i32 to index
      %get3A_348 = arith.constant 288 : index
      %get3A_349 = tpu.vector_load %arg7[%get3A_347, %get3A_348] {strides = array<i32>} : memref<64x768xf32, #tpu.memory_space<vmem>>, vector<1x16xf32>,
      %get3A_350 = vector.shape_cast %get3A_349 : vector<1x16xf32> to vector<16xf32>
      %mul3A_351 = vector.broadcast %squeeze3A : f32 to vector<16xf32>
      %mul3A_352 = arith.mulf %get3A_350, %mul3A_351 : vector<16xf32>
      %get3A_353 = arith.index_cast %scan3A_18 : i32 to index
      %get3A_354 = arith.constant 288 : index
      %get3A_355 = tpu.vector_load %arg8[%get3A_353, %get3A_354] {strides = array<i32>} : memref<64x768xf32, #tpu.memory_space<vmem>>, vector<1x16xf32>,
      %get3A_356 = vector.shape_cast %get3A_355 : vector<1x16xf32> to vector<16xf32>
      %mul3A_357 = vector.broadcast %squeeze3A_23 : f32 to vector<16xf32>
      %mul3A_358 = arith.mulf %get3A_356, %mul3A_357 : vector<16xf32>
      %add3A_359 = arith.addf %mul3A_352, %mul3A_358 : vector<16xf32>
      %swap3A_360 = arith.index_cast %scan3A_18 : i32 to index
      %swap3A_361 = arith.constant 288 : index
      %swap3A_362 = tpu.vector_load %arg7[%swap3A_360, %swap3A_361] {strides = array<i32>} : memref<64x768xf32, #tpu.memory_space<vmem>>, vector<1x16xf32>,
      %swap3A_363 = vector.shape_cast %swap3A_362 : vector<1x16xf32> to vector<16xf32>
      %swap3A_364 = vector.shape_cast %add3A_359 : vector<16xf32> to vector<1x16xf32>
      tpu.vector_store %arg7[%swap3A_360, %swap3A_361], %swap3A_364 {strides = array<i32>} : memref<64x768xf32, #tpu.memory_space<vmem>>, vector<1x16xf32>,
      %get3A_365 = arith.index_cast %scan3A_18 : i32 to index
      %get3A_366 = arith.constant 304 : index
      %get3A_367 = tpu.vector_load %arg7[%get3A_365, %get3A_366] {strides = array<i32>} : memref<64x768xf32, #tpu.memory_space<vmem>>, vector<1x16xf32>,
      %get3A_368 = vector.shape_cast %get3A_367 : vector<1x16xf32> to vector<16xf32>
      %mul3A_369 = vector.broadcast %squeeze3A : f32 to vector<16xf32>
      %mul3A_370 = arith.mulf %get3A_368, %mul3A_369 : vector<16xf32>
      %get3A_371 = arith.index_cast %scan3A_18 : i32 to index
      %get3A_372 = arith.constant 304 : index
      %get3A_373 = tpu.vector_load %arg8[%get3A_371, %get3A_372] {strides = array<i32>} : memref<64x768xf32, #tpu.memory_space<vmem>>, vector<1x16xf32>,
      %get3A_374 = vector.shape_cast %get3A_373 : vector<1x16xf32> to vector<16xf32>
      %mul3A_375 = vector.broadcast %squeeze3A_23 : f32 to vector<16xf32>
      %mul3A_376 = arith.mulf %get3A_374, %mul3A_375 : vector<16xf32>
      %add3A_377 = arith.addf %mul3A_370, %mul3A_376 : vector<16xf32>
      %swap3A_378 = arith.index_cast %scan3A_18 : i32 to index
      %swap3A_379 = arith.constant 304 : index
      %swap3A_380 = tpu.vector_load %arg7[%swap3A_378, %swap3A_379] {strides = array<i32>} : memref<64x768xf32, #tpu.memory_space<vmem>>, vector<1x16xf32>,
      %swap3A_381 = vector.shape_cast %swap3A_380 : vector<1x16xf32> to vector<16xf32>
      %swap3A_382 = vector.shape_cast %add3A_377 : vector<16xf32> to vector<1x16xf32>
      tpu.vector_store %arg7[%swap3A_378, %swap3A_379], %swap3A_382 {strides = array<i32>} : memref<64x768xf32, #tpu.memory_space<vmem>>, vector<1x16xf32>,
      %get3A_383 = arith.index_cast %scan3A_18 : i32 to index
      %get3A_384 = arith.constant 320 : index
      %get3A_385 = tpu.vector_load %arg7[%get3A_383, %get3A_384] {strides = array<i32>} : memref<64x768xf32, #tpu.memory_space<vmem>>, vector<1x16xf32>,
      %get3A_386 = vector.shape_cast %get3A_385 : vector<1x16xf32> to vector<16xf32>
      %mul3A_387 = vector.broadcast %squeeze3A : f32 to vector<16xf32>
      %mul3A_388 = arith.mulf %get3A_386, %mul3A_387 : vector<16xf32>
      %get3A_389 = arith.index_cast %scan3A_18 : i32 to index
      %get3A_390 = arith.constant 320 : index
      %get3A_391 = tpu.vector_load %arg8[%get3A_389, %get3A_390] {strides = array<i32>} : memref<64x768xf32, #tpu.memory_space<vmem>>, vector<1x16xf32>,
      %get3A_392 = vector.shape_cast %get3A_391 : vector<1x16xf32> to vector<16xf32>
      %mul3A_393 = vector.broadcast %squeeze3A_23 : f32 to vector<16xf32>
      %mul3A_394 = arith.mulf %get3A_392, %mul3A_393 : vector<16xf32>
      %add3A_395 = arith.addf %mul3A_388, %mul3A_394 : vector<16xf32>
      %swap3A_396 = arith.index_cast %scan3A_18 : i32 to index
      %swap3A_397 = arith.constant 320 : index
      %swap3A_398 = tpu.vector_load %arg7[%swap3A_396, %swap3A_397] {strides = array<i32>} : memref<64x768xf32, #tpu.memory_space<vmem>>, vector<1x16xf32>,
      %swap3A_399 = vector.shape_cast %swap3A_398 : vector<1x16xf32> to vector<16xf32>
      %swap3A_400 = vector.shape_cast %add3A_395 : vector<16xf32> to vector<1x16xf32>
      tpu.vector_store %arg7[%swap3A_396, %swap3A_397], %swap3A_400 {strides = array<i32>} : memref<64x768xf32, #tpu.memory_space<vmem>>, vector<1x16xf32>,
      %get3A_401 = arith.index_cast %scan3A_18 : i32 to index
      %get3A_402 = arith.constant 336 : index
      %get3A_403 = tpu.vector_load %arg7[%get3A_401, %get3A_402] {strides = array<i32>} : memref<64x768xf32, #tpu.memory_space<vmem>>, vector<1x16xf32>,
      %get3A_404 = vector.shape_cast %get3A_403 : vector<1x16xf32> to vector<16xf32>
      %mul3A_405 = vector.broadcast %squeeze3A : f32 to vector<16xf32>
      %mul3A_406 = arith.mulf %get3A_404, %mul3A_405 : vector<16xf32>
      %get3A_407 = arith.index_cast %scan3A_18 : i32 to index
      %get3A_408 = arith.constant 336 : index
      %get3A_409 = tpu.vector_load %arg8[%get3A_407, %get3A_408] {strides = array<i32>} : memref<64x768xf32, #tpu.memory_space<vmem>>, vector<1x16xf32>,
      %get3A_410 = vector.shape_cast %get3A_409 : vector<1x16xf32> to vector<16xf32>
      %mul3A_411 = vector.broadcast %squeeze3A_23 : f32 to vector<16xf32>
      %mul3A_412 = arith.mulf %get3A_410, %mul3A_411 : vector<16xf32>
      %add3A_413 = arith.addf %mul3A_406, %mul3A_412 : vector<16xf32>
      %swap3A_414 = arith.index_cast %scan3A_18 : i32 to index
      %swap3A_415 = arith.constant 336 : index
      %swap3A_416 = tpu.vector_load %arg7[%swap3A_414, %swap3A_415] {strides = array<i32>} : memref<64x768xf32, #tpu.memory_space<vmem>>, vector<1x16xf32>,
      %swap3A_417 = vector.shape_cast %swap3A_416 : vector<1x16xf32> to vector<16xf32>
      %swap3A_418 = vector.shape_cast %add3A_413 : vector<16xf32> to vector<1x16xf32>
      tpu.vector_store %arg7[%swap3A_414, %swap3A_415], %swap3A_418 {strides = array<i32>} : memref<64x768xf32, #tpu.memory_space<vmem>>, vector<1x16xf32>,
      %get3A_419 = arith.index_cast %scan3A_18 : i32 to index
      %get3A_420 = arith.constant 352 : index
      %get3A_421 = tpu.vector_load %arg7[%get3A_419, %get3A_420] {strides = array<i32>} : memref<64x768xf32, #tpu.memory_space<vmem>>, vector<1x16xf32>,
      %get3A_422 = vector.shape_cast %get3A_421 : vector<1x16xf32> to vector<16xf32>
      %mul3A_423 = vector.broadcast %squeeze3A : f32 to vector<16xf32>
      %mul3A_424 = arith.mulf %get3A_422, %mul3A_423 : vector<16xf32>
      %get3A_425 = arith.index_cast %scan3A_18 : i32 to index
      %get3A_426 = arith.constant 352 : index
      %get3A_427 = tpu.vector_load %arg8[%get3A_425, %get3A_426] {strides = array<i32>} : memref<64x768xf32, #tpu.memory_space<vmem>>, vector<1x16xf32>,
      %get3A_428 = vector.shape_cast %get3A_427 : vector<1x16xf32> to vector<16xf32>
      %mul3A_429 = vector.broadcast %squeeze3A_23 : f32 to vector<16xf32>
      %mul3A_430 = arith.mulf %get3A_428, %mul3A_429 : vector<16xf32>
      %add3A_431 = arith.addf %mul3A_424, %mul3A_430 : vector<16xf32>
      %swap3A_432 = arith.index_cast %scan3A_18 : i32 to index
      %swap3A_433 = arith.constant 352 : index
      %swap3A_434 = tpu.vector_load %arg7[%swap3A_432, %swap3A_433] {strides = array<i32>} : memref<64x768xf32, #tpu.memory_space<vmem>>, vector<1x16xf32>,
      %swap3A_435 = vector.shape_cast %swap3A_434 : vector<1x16xf32> to vector<16xf32>
      %swap3A_436 = vector.shape_cast %add3A_431 : vector<16xf32> to vector<1x16xf32>
      tpu.vector_store %arg7[%swap3A_432, %swap3A_433], %swap3A_436 {strides = array<i32>} : memref<64x768xf32, #tpu.memory_space<vmem>>, vector<1x16xf32>,
      %get3A_437 = arith.index_cast %scan3A_18 : i32 to index
      %get3A_438 = arith.constant 368 : index
      %get3A_439 = tpu.vector_load %arg7[%get3A_437, %get3A_438] {strides = array<i32>} : memref<64x768xf32, #tpu.memory_space<vmem>>, vector<1x16xf32>,
      %get3A_440 = vector.shape_cast %get3A_439 : vector<1x16xf32> to vector<16xf32>
      %mul3A_441 = vector.broadcast %squeeze3A : f32 to vector<16xf32>
      %mul3A_442 = arith.mulf %get3A_440, %mul3A_441 : vector<16xf32>
      %get3A_443 = arith.index_cast %scan3A_18 : i32 to index
      %get3A_444 = arith.constant 368 : index
      %get3A_445 = tpu.vector_load %arg8[%get3A_443, %get3A_444] {strides = array<i32>} : memref<64x768xf32, #tpu.memory_space<vmem>>, vector<1x16xf32>,
      %get3A_446 = vector.shape_cast %get3A_445 : vector<1x16xf32> to vector<16xf32>
      %mul3A_447 = vector.broadcast %squeeze3A_23 : f32 to vector<16xf32>
      %mul3A_448 = arith.mulf %get3A_446, %mul3A_447 : vector<16xf32>
      %add3A_449 = arith.addf %mul3A_442, %mul3A_448 : vector<16xf32>
      %swap3A_450 = arith.index_cast %scan3A_18 : i32 to index
      %swap3A_451 = arith.constant 368 : index
      %swap3A_452 = tpu.vector_load %arg7[%swap3A_450, %swap3A_451] {strides = array<i32>} : memref<64x768xf32, #tpu.memory_space<vmem>>, vector<1x16xf32>,
      %swap3A_453 = vector.shape_cast %swap3A_452 : vector<1x16xf32> to vector<16xf32>
      %swap3A_454 = vector.shape_cast %add3A_449 : vector<16xf32> to vector<1x16xf32>
      tpu.vector_store %arg7[%swap3A_450, %swap3A_451], %swap3A_454 {strides = array<i32>} : memref<64x768xf32, #tpu.memory_space<vmem>>, vector<1x16xf32>,
      %get3A_455 = arith.index_cast %scan3A_18 : i32 to index
      %get3A_456 = arith.constant 384 : index
      %get3A_457 = tpu.vector_load %arg7[%get3A_455, %get3A_456] {strides = array<i32>} : memref<64x768xf32, #tpu.memory_space<vmem>>, vector<1x16xf32>,
      %get3A_458 = vector.shape_cast %get3A_457 : vector<1x16xf32> to vector<16xf32>
      %mul3A_459 = vector.broadcast %squeeze3A : f32 to vector<16xf32>
      %mul3A_460 = arith.mulf %get3A_458, %mul3A_459 : vector<16xf32>
      %get3A_461 = arith.index_cast %scan3A_18 : i32 to index
      %get3A_462 = arith.constant 384 : index
      %get3A_463 = tpu.vector_load %arg8[%get3A_461, %get3A_462] {strides = array<i32>} : memref<64x768xf32, #tpu.memory_space<vmem>>, vector<1x16xf32>,
      %get3A_464 = vector.shape_cast %get3A_463 : vector<1x16xf32> to vector<16xf32>
      %mul3A_465 = vector.broadcast %squeeze3A_23 : f32 to vector<16xf32>
      %mul3A_466 = arith.mulf %get3A_464, %mul3A_465 : vector<16xf32>
      %add3A_467 = arith.addf %mul3A_460, %mul3A_466 : vector<16xf32>
      %swap3A_468 = arith.index_cast %scan3A_18 : i32 to index
      %swap3A_469 = arith.constant 384 : index
      %swap3A_470 = tpu.vector_load %arg7[%swap3A_468, %swap3A_469] {strides = array<i32>} : memref<64x768xf32, #tpu.memory_space<vmem>>, vector<1x16xf32>,
      %swap3A_471 = vector.shape_cast %swap3A_470 : vector<1x16xf32> to vector<16xf32>
      %swap3A_472 = vector.shape_cast %add3A_467 : vector<16xf32> to vector<1x16xf32>
      tpu.vector_store %arg7[%swap3A_468, %swap3A_469], %swap3A_472 {strides = array<i32>} : memref<64x768xf32, #tpu.memory_space<vmem>>, vector<1x16xf32>,
      %get3A_473 = arith.index_cast %scan3A_18 : i32 to index
      %get3A_474 = arith.constant 400 : index
      %get3A_475 = tpu.vector_load %arg7[%get3A_473, %get3A_474] {strides = array<i32>} : memref<64x768xf32, #tpu.memory_space<vmem>>, vector<1x16xf32>,
      %get3A_476 = vector.shape_cast %get3A_475 : vector<1x16xf32> to vector<16xf32>
      %mul3A_477 = vector.broadcast %squeeze3A : f32 to vector<16xf32>
      %mul3A_478 = arith.mulf %get3A_476, %mul3A_477 : vector<16xf32>
      %get3A_479 = arith.index_cast %scan3A_18 : i32 to index
      %get3A_480 = arith.constant 400 : index
      %get3A_481 = tpu.vector_load %arg8[%get3A_479, %get3A_480] {strides = array<i32>} : memref<64x768xf32, #tpu.memory_space<vmem>>, vector<1x16xf32>,
      %get3A_482 = vector.shape_cast %get3A_481 : vector<1x16xf32> to vector<16xf32>
      %mul3A_483 = vector.broadcast %squeeze3A_23 : f32 to vector<16xf32>
      %mul3A_484 = arith.mulf %get3A_482, %mul3A_483 : vector<16xf32>
      %add3A_485 = arith.addf %mul3A_478, %mul3A_484 : vector<16xf32>
      %swap3A_486 = arith.index_cast %scan3A_18 : i32 to index
      %swap3A_487 = arith.constant 400 : index
      %swap3A_488 = tpu.vector_load %arg7[%swap3A_486, %swap3A_487] {strides = array<i32>} : memref<64x768xf32, #tpu.memory_space<vmem>>, vector<1x16xf32>,
      %swap3A_489 = vector.shape_cast %swap3A_488 : vector<1x16xf32> to vector<16xf32>
      %swap3A_490 = vector.shape_cast %add3A_485 : vector<16xf32> to vector<1x16xf32>
      tpu.vector_store %arg7[%swap3A_486, %swap3A_487], %swap3A_490 {strides = array<i32>} : memref<64x768xf32, #tpu.memory_space<vmem>>, vector<1x16xf32>,
      %get3A_491 = arith.index_cast %scan3A_18 : i32 to index
      %get3A_492 = arith.constant 416 : index
      %get3A_493 = tpu.vector_load %arg7[%get3A_491, %get3A_492] {strides = array<i32>} : memref<64x768xf32, #tpu.memory_space<vmem>>, vector<1x16xf32>,
      %get3A_494 = vector.shape_cast %get3A_493 : vector<1x16xf32> to vector<16xf32>
      %mul3A_495 = vector.broadcast %squeeze3A : f32 to vector<16xf32>
      %mul3A_496 = arith.mulf %get3A_494, %mul3A_495 : vector<16xf32>
      %get3A_497 = arith.index_cast %scan3A_18 : i32 to index
      %get3A_498 = arith.constant 416 : index
      %get3A_499 = tpu.vector_load %arg8[%get3A_497, %get3A_498] {strides = array<i32>} : memref<64x768xf32, #tpu.memory_space<vmem>>, vector<1x16xf32>,
      %get3A_500 = vector.shape_cast %get3A_499 : vector<1x16xf32> to vector<16xf32>
      %mul3A_501 = vector.broadcast %squeeze3A_23 : f32 to vector<16xf32>
      %mul3A_502 = arith.mulf %get3A_500, %mul3A_501 : vector<16xf32>
      %add3A_503 = arith.addf %mul3A_496, %mul3A_502 : vector<16xf32>
      %swap3A_504 = arith.index_cast %scan3A_18 : i32 to index
      %swap3A_505 = arith.constant 416 : index
      %swap3A_506 = tpu.vector_load %arg7[%swap3A_504, %swap3A_505] {strides = array<i32>} : memref<64x768xf32, #tpu.memory_space<vmem>>, vector<1x16xf32>,
      %swap3A_507 = vector.shape_cast %swap3A_506 : vector<1x16xf32> to vector<16xf32>
      %swap3A_508 = vector.shape_cast %add3A_503 : vector<16xf32> to vector<1x16xf32>
      tpu.vector_store %arg7[%swap3A_504, %swap3A_505], %swap3A_508 {strides = array<i32>} : memref<64x768xf32, #tpu.memory_space<vmem>>, vector<1x16xf32>,
      %get3A_509 = arith.index_cast %scan3A_18 : i32 to index
      %get3A_510 = arith.constant 432 : index
      %get3A_511 = tpu.vector_load %arg7[%get3A_509, %get3A_510] {strides = array<i32>} : memref<64x768xf32, #tpu.memory_space<vmem>>, vector<1x16xf32>,
      %get3A_512 = vector.shape_cast %get3A_511 : vector<1x16xf32> to vector<16xf32>
      %mul3A_513 = vector.broadcast %squeeze3A : f32 to vector<16xf32>
      %mul3A_514 = arith.mulf %get3A_512, %mul3A_513 : vector<16xf32>
      %get3A_515 = arith.index_cast %scan3A_18 : i32 to index
      %get3A_516 = arith.constant 432 : index
      %get3A_517 = tpu.vector_load %arg8[%get3A_515, %get3A_516] {strides = array<i32>} : memref<64x768xf32, #tpu.memory_space<vmem>>, vector<1x16xf32>,
      %get3A_518 = vector.shape_cast %get3A_517 : vector<1x16xf32> to vector<16xf32>
      %mul3A_519 = vector.broadcast %squeeze3A_23 : f32 to vector<16xf32>
      %mul3A_520 = arith.mulf %get3A_518, %mul3A_519 : vector<16xf32>
      %add3A_521 = arith.addf %mul3A_514, %mul3A_520 : vector<16xf32>
      %swap3A_522 = arith.index_cast %scan3A_18 : i32 to index
      %swap3A_523 = arith.constant 432 : index
      %swap3A_524 = tpu.vector_load %arg7[%swap3A_522, %swap3A_523] {strides = array<i32>} : memref<64x768xf32, #tpu.memory_space<vmem>>, vector<1x16xf32>,
      %swap3A_525 = vector.shape_cast %swap3A_524 : vector<1x16xf32> to vector<16xf32>
      %swap3A_526 = vector.shape_cast %add3A_521 : vector<16xf32> to vector<1x16xf32>
      tpu.vector_store %arg7[%swap3A_522, %swap3A_523], %swap3A_526 {strides = array<i32>} : memref<64x768xf32, #tpu.memory_space<vmem>>, vector<1x16xf32>,
      %get3A_527 = arith.index_cast %scan3A_18 : i32 to index
      %get3A_528 = arith.constant 448 : index
      %get3A_529 = tpu.vector_load %arg7[%get3A_527, %get3A_528] {strides = array<i32>} : memref<64x768xf32, #tpu.memory_space<vmem>>, vector<1x16xf32>,
      %get3A_530 = vector.shape_cast %get3A_529 : vector<1x16xf32> to vector<16xf32>
      %mul3A_531 = vector.broadcast %squeeze3A : f32 to vector<16xf32>
      %mul3A_532 = arith.mulf %get3A_530, %mul3A_531 : vector<16xf32>
      %get3A_533 = arith.index_cast %scan3A_18 : i32 to index
      %get3A_534 = arith.constant 448 : index
      %get3A_535 = tpu.vector_load %arg8[%get3A_533, %get3A_534] {strides = array<i32>} : memref<64x768xf32, #tpu.memory_space<vmem>>, vector<1x16xf32>,
      %get3A_536 = vector.shape_cast %get3A_535 : vector<1x16xf32> to vector<16xf32>
      %mul3A_537 = vector.broadcast %squeeze3A_23 : f32 to vector<16xf32>
      %mul3A_538 = arith.mulf %get3A_536, %mul3A_537 : vector<16xf32>
      %add3A_539 = arith.addf %mul3A_532, %mul3A_538 : vector<16xf32>
      %swap3A_540 = arith.index_cast %scan3A_18 : i32 to index
      %swap3A_541 = arith.constant 448 : index
      %swap3A_542 = tpu.vector_load %arg7[%swap3A_540, %swap3A_541] {strides = array<i32>} : memref<64x768xf32, #tpu.memory_space<vmem>>, vector<1x16xf32>,
      %swap3A_543 = vector.shape_cast %swap3A_542 : vector<1x16xf32> to vector<16xf32>
      %swap3A_544 = vector.shape_cast %add3A_539 : vector<16xf32> to vector<1x16xf32>
      tpu.vector_store %arg7[%swap3A_540, %swap3A_541], %swap3A_544 {strides = array<i32>} : memref<64x768xf32, #tpu.memory_space<vmem>>, vector<1x16xf32>,
      %get3A_545 = arith.index_cast %scan3A_18 : i32 to index
      %get3A_546 = arith.constant 464 : index
      %get3A_547 = tpu.vector_load %arg7[%get3A_545, %get3A_546] {strides = array<i32>} : memref<64x768xf32, #tpu.memory_space<vmem>>, vector<1x16xf32>,
      %get3A_548 = vector.shape_cast %get3A_547 : vector<1x16xf32> to vector<16xf32>
      %mul3A_549 = vector.broadcast %squeeze3A : f32 to vector<16xf32>
      %mul3A_550 = arith.mulf %get3A_548, %mul3A_549 : vector<16xf32>
      %get3A_551 = arith.index_cast %scan3A_18 : i32 to index
      %get3A_552 = arith.constant 464 : index
      %get3A_553 = tpu.vector_load %arg8[%get3A_551, %get3A_552] {strides = array<i32>} : memref<64x768xf32, #tpu.memory_space<vmem>>, vector<1x16xf32>,
      %get3A_554 = vector.shape_cast %get3A_553 : vector<1x16xf32> to vector<16xf32>
      %mul3A_555 = vector.broadcast %squeeze3A_23 : f32 to vector<16xf32>
      %mul3A_556 = arith.mulf %get3A_554, %mul3A_555 : vector<16xf32>
      %add3A_557 = arith.addf %mul3A_550, %mul3A_556 : vector<16xf32>
      %swap3A_558 = arith.index_cast %scan3A_18 : i32 to index
      %swap3A_559 = arith.constant 464 : index
      %swap3A_560 = tpu.vector_load %arg7[%swap3A_558, %swap3A_559] {strides = array<i32>} : memref<64x768xf32, #tpu.memory_space<vmem>>, vector<1x16xf32>,
      %swap3A_561 = vector.shape_cast %swap3A_560 : vector<1x16xf32> to vector<16xf32>
      %swap3A_562 = vector.shape_cast %add3A_557 : vector<16xf32> to vector<1x16xf32>
      tpu.vector_store %arg7[%swap3A_558, %swap3A_559], %swap3A_562 {strides = array<i32>} : memref<64x768xf32, #tpu.memory_space<vmem>>, vector<1x16xf32>,
      %get3A_563 = arith.index_cast %scan3A_18 : i32 to index
      %get3A_564 = arith.constant 480 : index
      %get3A_565 = tpu.vector_load %arg7[%get3A_563, %get3A_564] {strides = array<i32>} : memref<64x768xf32, #tpu.memory_space<vmem>>, vector<1x16xf32>,
      %get3A_566 = vector.shape_cast %get3A_565 : vector<1x16xf32> to vector<16xf32>
      %mul3A_567 = vector.broadcast %squeeze3A : f32 to vector<16xf32>
      %mul3A_568 = arith.mulf %get3A_566, %mul3A_567 : vector<16xf32>
      %get3A_569 = arith.index_cast %scan3A_18 : i32 to index
      %get3A_570 = arith.constant 480 : index
      %get3A_571 = tpu.vector_load %arg8[%get3A_569, %get3A_570] {strides = array<i32>} : memref<64x768xf32, #tpu.memory_space<vmem>>, vector<1x16xf32>,
      %get3A_572 = vector.shape_cast %get3A_571 : vector<1x16xf32> to vector<16xf32>
      %mul3A_573 = vector.broadcast %squeeze3A_23 : f32 to vector<16xf32>
      %mul3A_574 = arith.mulf %get3A_572, %mul3A_573 : vector<16xf32>
      %add3A_575 = arith.addf %mul3A_568, %mul3A_574 : vector<16xf32>
      %swap3A_576 = arith.index_cast %scan3A_18 : i32 to index
      %swap3A_577 = arith.constant 480 : index
      %swap3A_578 = tpu.vector_load %arg7[%swap3A_576, %swap3A_577] {strides = array<i32>} : memref<64x768xf32, #tpu.memory_space<vmem>>, vector<1x16xf32>,
      %swap3A_579 = vector.shape_cast %swap3A_578 : vector<1x16xf32> to vector<16xf32>
      %swap3A_580 = vector.shape_cast %add3A_575 : vector<16xf32> to vector<1x16xf32>
      tpu.vector_store %arg7[%swap3A_576, %swap3A_577], %swap3A_580 {strides = array<i32>} : memref<64x768xf32, #tpu.memory_space<vmem>>, vector<1x16xf32>,
      %get3A_581 = arith.index_cast %scan3A_18 : i32 to index
      %get3A_582 = arith.constant 496 : index
      %get3A_583 = tpu.vector_load %arg7[%get3A_581, %get3A_582] {strides = array<i32>} : memref<64x768xf32, #tpu.memory_space<vmem>>, vector<1x16xf32>,
      %get3A_584 = vector.shape_cast %get3A_583 : vector<1x16xf32> to vector<16xf32>
      %mul3A_585 = vector.broadcast %squeeze3A : f32 to vector<16xf32>
      %mul3A_586 = arith.mulf %get3A_584, %mul3A_585 : vector<16xf32>
      %get3A_587 = arith.index_cast %scan3A_18 : i32 to index
      %get3A_588 = arith.constant 496 : index
      %get3A_589 = tpu.vector_load %arg8[%get3A_587, %get3A_588] {strides = array<i32>} : memref<64x768xf32, #tpu.memory_space<vmem>>, vector<1x16xf32>,
      %get3A_590 = vector.shape_cast %get3A_589 : vector<1x16xf32> to vector<16xf32>
      %mul3A_591 = vector.broadcast %squeeze3A_23 : f32 to vector<16xf32>
      %mul3A_592 = arith.mulf %get3A_590, %mul3A_591 : vector<16xf32>
      %add3A_593 = arith.addf %mul3A_586, %mul3A_592 : vector<16xf32>
      %swap3A_594 = arith.index_cast %scan3A_18 : i32 to index
      %swap3A_595 = arith.constant 496 : index
      %swap3A_596 = tpu.vector_load %arg7[%swap3A_594, %swap3A_595] {strides = array<i32>} : memref<64x768xf32, #tpu.memory_space<vmem>>, vector<1x16xf32>,
      %swap3A_597 = vector.shape_cast %swap3A_596 : vector<1x16xf32> to vector<16xf32>
      %swap3A_598 = vector.shape_cast %add3A_593 : vector<16xf32> to vector<1x16xf32>
      tpu.vector_store %arg7[%swap3A_594, %swap3A_595], %swap3A_598 {strides = array<i32>} : memref<64x768xf32, #tpu.memory_space<vmem>>, vector<1x16xf32>,
      %get3A_599 = arith.index_cast %scan3A_18 : i32 to index
      %get3A_600 = arith.constant 512 : index
      %get3A_601 = tpu.vector_load %arg7[%get3A_599, %get3A_600] {strides = array<i32>} : memref<64x768xf32, #tpu.memory_space<vmem>>, vector<1x16xf32>,
      %get3A_602 = vector.shape_cast %get3A_601 : vector<1x16xf32> to vector<16xf32>
      %mul3A_603 = vector.broadcast %squeeze3A : f32 to vector<16xf32>
      %mul3A_604 = arith.mulf %get3A_602, %mul3A_603 : vector<16xf32>
      %get3A_605 = arith.index_cast %scan3A_18 : i32 to index
      %get3A_606 = arith.constant 512 : index
      %get3A_607 = tpu.vector_load %arg8[%get3A_605, %get3A_606] {strides = array<i32>} : memref<64x768xf32, #tpu.memory_space<vmem>>, vector<1x16xf32>,
      %get3A_608 = vector.shape_cast %get3A_607 : vector<1x16xf32> to vector<16xf32>
      %mul3A_609 = vector.broadcast %squeeze3A_23 : f32 to vector<16xf32>
      %mul3A_610 = arith.mulf %get3A_608, %mul3A_609 : vector<16xf32>
      %add3A_611 = arith.addf %mul3A_604, %mul3A_610 : vector<16xf32>
      %swap3A_612 = arith.index_cast %scan3A_18 : i32 to index
      %swap3A_613 = arith.constant 512 : index
      %swap3A_614 = tpu.vector_load %arg7[%swap3A_612, %swap3A_613] {strides = array<i32>} : memref<64x768xf32, #tpu.memory_space<vmem>>, vector<1x16xf32>,
      %swap3A_615 = vector.shape_cast %swap3A_614 : vector<1x16xf32> to vector<16xf32>
      %swap3A_616 = vector.shape_cast %add3A_611 : vector<16xf32> to vector<1x16xf32>
      tpu.vector_store %arg7[%swap3A_612, %swap3A_613], %swap3A_616 {strides = array<i32>} : memref<64x768xf32, #tpu.memory_space<vmem>>, vector<1x16xf32>,
      %get3A_617 = arith.index_cast %scan3A_18 : i32 to index
      %get3A_618 = arith.constant 528 : index
      %get3A_619 = tpu.vector_load %arg7[%get3A_617, %get3A_618] {strides = array<i32>} : memref<64x768xf32, #tpu.memory_space<vmem>>, vector<1x16xf32>,
      %get3A_620 = vector.shape_cast %get3A_619 : vector<1x16xf32> to vector<16xf32>
      %mul3A_621 = vector.broadcast %squeeze3A : f32 to vector<16xf32>
      %mul3A_622 = arith.mulf %get3A_620, %mul3A_621 : vector<16xf32>
      %get3A_623 = arith.index_cast %scan3A_18 : i32 to index
      %get3A_624 = arith.constant 528 : index
      %get3A_625 = tpu.vector_load %arg8[%get3A_623, %get3A_624] {strides = array<i32>} : memref<64x768xf32, #tpu.memory_space<vmem>>, vector<1x16xf32>,
      %get3A_626 = vector.shape_cast %get3A_625 : vector<1x16xf32> to vector<16xf32>
      %mul3A_627 = vector.broadcast %squeeze3A_23 : f32 to vector<16xf32>
      %mul3A_628 = arith.mulf %get3A_626, %mul3A_627 : vector<16xf32>
      %add3A_629 = arith.addf %mul3A_622, %mul3A_628 : vector<16xf32>
      %swap3A_630 = arith.index_cast %scan3A_18 : i32 to index
      %swap3A_631 = arith.constant 528 : index
      %swap3A_632 = tpu.vector_load %arg7[%swap3A_630, %swap3A_631] {strides = array<i32>} : memref<64x768xf32, #tpu.memory_space<vmem>>, vector<1x16xf32>,
      %swap3A_633 = vector.shape_cast %swap3A_632 : vector<1x16xf32> to vector<16xf32>
      %swap3A_634 = vector.shape_cast %add3A_629 : vector<16xf32> to vector<1x16xf32>
      tpu.vector_store %arg7[%swap3A_630, %swap3A_631], %swap3A_634 {strides = array<i32>} : memref<64x768xf32, #tpu.memory_space<vmem>>, vector<1x16xf32>,
      %get3A_635 = arith.index_cast %scan3A_18 : i32 to index
      %get3A_636 = arith.constant 544 : index
      %get3A_637 = tpu.vector_load %arg7[%get3A_635, %get3A_636] {strides = array<i32>} : memref<64x768xf32, #tpu.memory_space<vmem>>, vector<1x16xf32>,
      %get3A_638 = vector.shape_cast %get3A_637 : vector<1x16xf32> to vector<16xf32>
      %mul3A_639 = vector.broadcast %squeeze3A : f32 to vector<16xf32>
      %mul3A_640 = arith.mulf %get3A_638, %mul3A_639 : vector<16xf32>
      %get3A_641 = arith.index_cast %scan3A_18 : i32 to index
      %get3A_642 = arith.constant 544 : index
      %get3A_643 = tpu.vector_load %arg8[%get3A_641, %get3A_642] {strides = array<i32>} : memref<64x768xf32, #tpu.memory_space<vmem>>, vector<1x16xf32>,
      %get3A_644 = vector.shape_cast %get3A_643 : vector<1x16xf32> to vector<16xf32>
      %mul3A_645 = vector.broadcast %squeeze3A_23 : f32 to vector<16xf32>
      %mul3A_646 = arith.mulf %get3A_644, %mul3A_645 : vector<16xf32>
      %add3A_647 = arith.addf %mul3A_640, %mul3A_646 : vector<16xf32>
      %swap3A_648 = arith.index_cast %scan3A_18 : i32 to index
      %swap3A_649 = arith.constant 544 : index
      %swap3A_650 = tpu.vector_load %arg7[%swap3A_648, %swap3A_649] {strides = array<i32>} : memref<64x768xf32, #tpu.memory_space<vmem>>, vector<1x16xf32>,
      %swap3A_651 = vector.shape_cast %swap3A_650 : vector<1x16xf32> to vector<16xf32>
      %swap3A_652 = vector.shape_cast %add3A_647 : vector<16xf32> to vector<1x16xf32>
      tpu.vector_store %arg7[%swap3A_648, %swap3A_649], %swap3A_652 {strides = array<i32>} : memref<64x768xf32, #tpu.memory_space<vmem>>, vector<1x16xf32>,
      %get3A_653 = arith.index_cast %scan3A_18 : i32 to index
      %get3A_654 = arith.constant 560 : index
      %get3A_655 = tpu.vector_load %arg7[%get3A_653, %get3A_654] {strides = array<i32>} : memref<64x768xf32, #tpu.memory_space<vmem>>, vector<1x16xf32>,
      %get3A_656 = vector.shape_cast %get3A_655 : vector<1x16xf32> to vector<16xf32>
      %mul3A_657 = vector.broadcast %squeeze3A : f32 to vector<16xf32>
      %mul3A_658 = arith.mulf %get3A_656, %mul3A_657 : vector<16xf32>
      %get3A_659 = arith.index_cast %scan3A_18 : i32 to index
      %get3A_660 = arith.constant 560 : index
      %get3A_661 = tpu.vector_load %arg8[%get3A_659, %get3A_660] {strides = array<i32>} : memref<64x768xf32, #tpu.memory_space<vmem>>, vector<1x16xf32>,
      %get3A_662 = vector.shape_cast %get3A_661 : vector<1x16xf32> to vector<16xf32>
      %mul3A_663 = vector.broadcast %squeeze3A_23 : f32 to vector<16xf32>
      %mul3A_664 = arith.mulf %get3A_662, %mul3A_663 : vector<16xf32>
      %add3A_665 = arith.addf %mul3A_658, %mul3A_664 : vector<16xf32>
      %swap3A_666 = arith.index_cast %scan3A_18 : i32 to index
      %swap3A_667 = arith.constant 560 : index
      %swap3A_668 = tpu.vector_load %arg7[%swap3A_666, %swap3A_667] {strides = array<i32>} : memref<64x768xf32, #tpu.memory_space<vmem>>, vector<1x16xf32>,
      %swap3A_669 = vector.shape_cast %swap3A_668 : vector<1x16xf32> to vector<16xf32>
      %swap3A_670 = vector.shape_cast %add3A_665 : vector<16xf32> to vector<1x16xf32>
      tpu.vector_store %arg7[%swap3A_666, %swap3A_667], %swap3A_670 {strides = array<i32>} : memref<64x768xf32, #tpu.memory_space<vmem>>, vector<1x16xf32>,
      %get3A_671 = arith.index_cast %scan3A_18 : i32 to index
      %get3A_672 = arith.constant 576 : index
      %get3A_673 = tpu.vector_load %arg7[%get3A_671, %get3A_672] {strides = array<i32>} : memref<64x768xf32, #tpu.memory_space<vmem>>, vector<1x16xf32>,
      %get3A_674 = vector.shape_cast %get3A_673 : vector<1x16xf32> to vector<16xf32>
      %mul3A_675 = vector.broadcast %squeeze3A : f32 to vector<16xf32>
      %mul3A_676 = arith.mulf %get3A_674, %mul3A_675 : vector<16xf32>
      %get3A_677 = arith.index_cast %scan3A_18 : i32 to index
      %get3A_678 = arith.constant 576 : index
      %get3A_679 = tpu.vector_load %arg8[%get3A_677, %get3A_678] {strides = array<i32>} : memref<64x768xf32, #tpu.memory_space<vmem>>, vector<1x16xf32>,
      %get3A_680 = vector.shape_cast %get3A_679 : vector<1x16xf32> to vector<16xf32>
      %mul3A_681 = vector.broadcast %squeeze3A_23 : f32 to vector<16xf32>
      %mul3A_682 = arith.mulf %get3A_680, %mul3A_681 : vector<16xf32>
      %add3A_683 = arith.addf %mul3A_676, %mul3A_682 : vector<16xf32>
      %swap3A_684 = arith.index_cast %scan3A_18 : i32 to index
      %swap3A_685 = arith.constant 576 : index
      %swap3A_686 = tpu.vector_load %arg7[%swap3A_684, %swap3A_685] {strides = array<i32>} : memref<64x768xf32, #tpu.memory_space<vmem>>, vector<1x16xf32>,
      %swap3A_687 = vector.shape_cast %swap3A_686 : vector<1x16xf32> to vector<16xf32>
      %swap3A_688 = vector.shape_cast %add3A_683 : vector<16xf32> to vector<1x16xf32>
      tpu.vector_store %arg7[%swap3A_684, %swap3A_685], %swap3A_688 {strides = array<i32>} : memref<64x768xf32, #tpu.memory_space<vmem>>, vector<1x16xf32>,
      %get3A_689 = arith.index_cast %scan3A_18 : i32 to index
      %get3A_690 = arith.constant 592 : index
      %get3A_691 = tpu.vector_load %arg7[%get3A_689, %get3A_690] {strides = array<i32>} : memref<64x768xf32, #tpu.memory_space<vmem>>, vector<1x16xf32>,
      %get3A_692 = vector.shape_cast %get3A_691 : vector<1x16xf32> to vector<16xf32>
      %mul3A_693 = vector.broadcast %squeeze3A : f32 to vector<16xf32>
      %mul3A_694 = arith.mulf %get3A_692, %mul3A_693 : vector<16xf32>
      %get3A_695 = arith.index_cast %scan3A_18 : i32 to index
      %get3A_696 = arith.constant 592 : index
      %get3A_697 = tpu.vector_load %arg8[%get3A_695, %get3A_696] {strides = array<i32>} : memref<64x768xf32, #tpu.memory_space<vmem>>, vector<1x16xf32>,
      %get3A_698 = vector.shape_cast %get3A_697 : vector<1x16xf32> to vector<16xf32>
      %mul3A_699 = vector.broadcast %squeeze3A_23 : f32 to vector<16xf32>
      %mul3A_700 = arith.mulf %get3A_698, %mul3A_699 : vector<16xf32>
      %add3A_701 = arith.addf %mul3A_694, %mul3A_700 : vector<16xf32>
      %swap3A_702 = arith.index_cast %scan3A_18 : i32 to index
      %swap3A_703 = arith.constant 592 : index
      %swap3A_704 = tpu.vector_load %arg7[%swap3A_702, %swap3A_703] {strides = array<i32>} : memref<64x768xf32, #tpu.memory_space<vmem>>, vector<1x16xf32>,
      %swap3A_705 = vector.shape_cast %swap3A_704 : vector<1x16xf32> to vector<16xf32>
      %swap3A_706 = vector.shape_cast %add3A_701 : vector<16xf32> to vector<1x16xf32>
      tpu.vector_store %arg7[%swap3A_702, %swap3A_703], %swap3A_706 {strides = array<i32>} : memref<64x768xf32, #tpu.memory_space<vmem>>, vector<1x16xf32>,
      %get3A_707 = arith.index_cast %scan3A_18 : i32 to index
      %get3A_708 = arith.constant 608 : index
      %get3A_709 = tpu.vector_load %arg7[%get3A_707, %get3A_708] {strides = array<i32>} : memref<64x768xf32, #tpu.memory_space<vmem>>, vector<1x16xf32>,
      %get3A_710 = vector.shape_cast %get3A_709 : vector<1x16xf32> to vector<16xf32>
      %mul3A_711 = vector.broadcast %squeeze3A : f32 to vector<16xf32>
      %mul3A_712 = arith.mulf %get3A_710, %mul3A_711 : vector<16xf32>
      %get3A_713 = arith.index_cast %scan3A_18 : i32 to index
      %get3A_714 = arith.constant 608 : index
      %get3A_715 = tpu.vector_load %arg8[%get3A_713, %get3A_714] {strides = array<i32>} : memref<64x768xf32, #tpu.memory_space<vmem>>, vector<1x16xf32>,
      %get3A_716 = vector.shape_cast %get3A_715 : vector<1x16xf32> to vector<16xf32>
      %mul3A_717 = vector.broadcast %squeeze3A_23 : f32 to vector<16xf32>
      %mul3A_718 = arith.mulf %get3A_716, %mul3A_717 : vector<16xf32>
      %add3A_719 = arith.addf %mul3A_712, %mul3A_718 : vector<16xf32>
      %swap3A_720 = arith.index_cast %scan3A_18 : i32 to index
      %swap3A_721 = arith.constant 608 : index
      %swap3A_722 = tpu.vector_load %arg7[%swap3A_720, %swap3A_721] {strides = array<i32>} : memref<64x768xf32, #tpu.memory_space<vmem>>, vector<1x16xf32>,
      %swap3A_723 = vector.shape_cast %swap3A_722 : vector<1x16xf32> to vector<16xf32>
      %swap3A_724 = vector.shape_cast %add3A_719 : vector<16xf32> to vector<1x16xf32>
      tpu.vector_store %arg7[%swap3A_720, %swap3A_721], %swap3A_724 {strides = array<i32>} : memref<64x768xf32, #tpu.memory_space<vmem>>, vector<1x16xf32>,
      %get3A_725 = arith.index_cast %scan3A_18 : i32 to index
      %get3A_726 = arith.constant 624 : index
      %get3A_727 = tpu.vector_load %arg7[%get3A_725, %get3A_726] {strides = array<i32>} : memref<64x768xf32, #tpu.memory_space<vmem>>, vector<1x16xf32>,
      %get3A_728 = vector.shape_cast %get3A_727 : vector<1x16xf32> to vector<16xf32>
      %mul3A_729 = vector.broadcast %squeeze3A : f32 to vector<16xf32>
      %mul3A_730 = arith.mulf %get3A_728, %mul3A_729 : vector<16xf32>
      %get3A_731 = arith.index_cast %scan3A_18 : i32 to index
      %get3A_732 = arith.constant 624 : index
      %get3A_733 = tpu.vector_load %arg8[%get3A_731, %get3A_732] {strides = array<i32>} : memref<64x768xf32, #tpu.memory_space<vmem>>, vector<1x16xf32>,
      %get3A_734 = vector.shape_cast %get3A_733 : vector<1x16xf32> to vector<16xf32>
      %mul3A_735 = vector.broadcast %squeeze3A_23 : f32 to vector<16xf32>
      %mul3A_736 = arith.mulf %get3A_734, %mul3A_735 : vector<16xf32>
      %add3A_737 = arith.addf %mul3A_730, %mul3A_736 : vector<16xf32>
      %swap3A_738 = arith.index_cast %scan3A_18 : i32 to index
      %swap3A_739 = arith.constant 624 : index
      %swap3A_740 = tpu.vector_load %arg7[%swap3A_738, %swap3A_739] {strides = array<i32>} : memref<64x768xf32, #tpu.memory_space<vmem>>, vector<1x16xf32>,
      %swap3A_741 = vector.shape_cast %swap3A_740 : vector<1x16xf32> to vector<16xf32>
      %swap3A_742 = vector.shape_cast %add3A_737 : vector<16xf32> to vector<1x16xf32>
      tpu.vector_store %arg7[%swap3A_738, %swap3A_739], %swap3A_742 {strides = array<i32>} : memref<64x768xf32, #tpu.memory_space<vmem>>, vector<1x16xf32>,
      %get3A_743 = arith.index_cast %scan3A_18 : i32 to index
      %get3A_744 = arith.constant 640 : index
      %get3A_745 = tpu.vector_load %arg7[%get3A_743, %get3A_744] {strides = array<i32>} : memref<64x768xf32, #tpu.memory_space<vmem>>, vector<1x16xf32>,
      %get3A_746 = vector.shape_cast %get3A_745 : vector<1x16xf32> to vector<16xf32>
      %mul3A_747 = vector.broadcast %squeeze3A : f32 to vector<16xf32>
      %mul3A_748 = arith.mulf %get3A_746, %mul3A_747 : vector<16xf32>
      %get3A_749 = arith.index_cast %scan3A_18 : i32 to index
      %get3A_750 = arith.constant 640 : index
      %get3A_751 = tpu.vector_load %arg8[%get3A_749, %get3A_750] {strides = array<i32>} : memref<64x768xf32, #tpu.memory_space<vmem>>, vector<1x16xf32>,
      %get3A_752 = vector.shape_cast %get3A_751 : vector<1x16xf32> to vector<16xf32>
      %mul3A_753 = vector.broadcast %squeeze3A_23 : f32 to vector<16xf32>
      %mul3A_754 = arith.mulf %get3A_752, %mul3A_753 : vector<16xf32>
      %add3A_755 = arith.addf %mul3A_748, %mul3A_754 : vector<16xf32>
      %swap3A_756 = arith.index_cast %scan3A_18 : i32 to index
      %swap3A_757 = arith.constant 640 : index
      %swap3A_758 = tpu.vector_load %arg7[%swap3A_756, %swap3A_757] {strides = array<i32>} : memref<64x768xf32, #tpu.memory_space<vmem>>, vector<1x16xf32>,
      %swap3A_759 = vector.shape_cast %swap3A_758 : vector<1x16xf32> to vector<16xf32>
      %swap3A_760 = vector.shape_cast %add3A_755 : vector<16xf32> to vector<1x16xf32>
      tpu.vector_store %arg7[%swap3A_756, %swap3A_757], %swap3A_760 {strides = array<i32>} : memref<64x768xf32, #tpu.memory_space<vmem>>, vector<1x16xf32>,
      %get3A_761 = arith.index_cast %scan3A_18 : i32 to index
      %get3A_762 = arith.constant 656 : index
      %get3A_763 = tpu.vector_load %arg7[%get3A_761, %get3A_762] {strides = array<i32>} : memref<64x768xf32, #tpu.memory_space<vmem>>, vector<1x16xf32>,
      %get3A_764 = vector.shape_cast %get3A_763 : vector<1x16xf32> to vector<16xf32>
      %mul3A_765 = vector.broadcast %squeeze3A : f32 to vector<16xf32>
      %mul3A_766 = arith.mulf %get3A_764, %mul3A_765 : vector<16xf32>
      %get3A_767 = arith.index_cast %scan3A_18 : i32 to index
      %get3A_768 = arith.constant 656 : index
      %get3A_769 = tpu.vector_load %arg8[%get3A_767, %get3A_768] {strides = array<i32>} : memref<64x768xf32, #tpu.memory_space<vmem>>, vector<1x16xf32>,
      %get3A_770 = vector.shape_cast %get3A_769 : vector<1x16xf32> to vector<16xf32>
      %mul3A_771 = vector.broadcast %squeeze3A_23 : f32 to vector<16xf32>
      %mul3A_772 = arith.mulf %get3A_770, %mul3A_771 : vector<16xf32>
      %add3A_773 = arith.addf %mul3A_766, %mul3A_772 : vector<16xf32>
      %swap3A_774 = arith.index_cast %scan3A_18 : i32 to index
      %swap3A_775 = arith.constant 656 : index
      %swap3A_776 = tpu.vector_load %arg7[%swap3A_774, %swap3A_775] {strides = array<i32>} : memref<64x768xf32, #tpu.memory_space<vmem>>, vector<1x16xf32>,
      %swap3A_777 = vector.shape_cast %swap3A_776 : vector<1x16xf32> to vector<16xf32>
      %swap3A_778 = vector.shape_cast %add3A_773 : vector<16xf32> to vector<1x16xf32>
      tpu.vector_store %arg7[%swap3A_774, %swap3A_775], %swap3A_778 {strides = array<i32>} : memref<64x768xf32, #tpu.memory_space<vmem>>, vector<1x16xf32>,
      %get3A_779 = arith.index_cast %scan3A_18 : i32 to index
      %get3A_780 = arith.constant 672 : index
      %get3A_781 = tpu.vector_load %arg7[%get3A_779, %get3A_780] {strides = array<i32>} : memref<64x768xf32, #tpu.memory_space<vmem>>, vector<1x16xf32>,
      %get3A_782 = vector.shape_cast %get3A_781 : vector<1x16xf32> to vector<16xf32>
      %mul3A_783 = vector.broadcast %squeeze3A : f32 to vector<16xf32>
      %mul3A_784 = arith.mulf %get3A_782, %mul3A_783 : vector<16xf32>
      %get3A_785 = arith.index_cast %scan3A_18 : i32 to index
      %get3A_786 = arith.constant 672 : index
      %get3A_787 = tpu.vector_load %arg8[%get3A_785, %get3A_786] {strides = array<i32>} : memref<64x768xf32, #tpu.memory_space<vmem>>, vector<1x16xf32>,
      %get3A_788 = vector.shape_cast %get3A_787 : vector<1x16xf32> to vector<16xf32>
      %mul3A_789 = vector.broadcast %squeeze3A_23 : f32 to vector<16xf32>
      %mul3A_790 = arith.mulf %get3A_788, %mul3A_789 : vector<16xf32>
      %add3A_791 = arith.addf %mul3A_784, %mul3A_790 : vector<16xf32>
      %swap3A_792 = arith.index_cast %scan3A_18 : i32 to index
      %swap3A_793 = arith.constant 672 : index
      %swap3A_794 = tpu.vector_load %arg7[%swap3A_792, %swap3A_793] {strides = array<i32>} : memref<64x768xf32, #tpu.memory_space<vmem>>, vector<1x16xf32>,
      %swap3A_795 = vector.shape_cast %swap3A_794 : vector<1x16xf32> to vector<16xf32>
      %swap3A_796 = vector.shape_cast %add3A_791 : vector<16xf32> to vector<1x16xf32>
      tpu.vector_store %arg7[%swap3A_792, %swap3A_793], %swap3A_796 {strides = array<i32>} : memref<64x768xf32, #tpu.memory_space<vmem>>, vector<1x16xf32>,
      %get3A_797 = arith.index_cast %scan3A_18 : i32 to index
      %get3A_798 = arith.constant 688 : index
      %get3A_799 = tpu.vector_load %arg7[%get3A_797, %get3A_798] {strides = array<i32>} : memref<64x768xf32, #tpu.memory_space<vmem>>, vector<1x16xf32>,
      %get3A_800 = vector.shape_cast %get3A_799 : vector<1x16xf32> to vector<16xf32>
      %mul3A_801 = vector.broadcast %squeeze3A : f32 to vector<16xf32>
      %mul3A_802 = arith.mulf %get3A_800, %mul3A_801 : vector<16xf32>
      %get3A_803 = arith.index_cast %scan3A_18 : i32 to index
      %get3A_804 = arith.constant 688 : index
      %get3A_805 = tpu.vector_load %arg8[%get3A_803, %get3A_804] {strides = array<i32>} : memref<64x768xf32, #tpu.memory_space<vmem>>, vector<1x16xf32>,
      %get3A_806 = vector.shape_cast %get3A_805 : vector<1x16xf32> to vector<16xf32>
      %mul3A_807 = vector.broadcast %squeeze3A_23 : f32 to vector<16xf32>
      %mul3A_808 = arith.mulf %get3A_806, %mul3A_807 : vector<16xf32>
      %add3A_809 = arith.addf %mul3A_802, %mul3A_808 : vector<16xf32>
      %swap3A_810 = arith.index_cast %scan3A_18 : i32 to index
      %swap3A_811 = arith.constant 688 : index
      %swap3A_812 = tpu.vector_load %arg7[%swap3A_810, %swap3A_811] {strides = array<i32>} : memref<64x768xf32, #tpu.memory_space<vmem>>, vector<1x16xf32>,
      %swap3A_813 = vector.shape_cast %swap3A_812 : vector<1x16xf32> to vector<16xf32>
      %swap3A_814 = vector.shape_cast %add3A_809 : vector<16xf32> to vector<1x16xf32>
      tpu.vector_store %arg7[%swap3A_810, %swap3A_811], %swap3A_814 {strides = array<i32>} : memref<64x768xf32, #tpu.memory_space<vmem>>, vector<1x16xf32>,
      %get3A_815 = arith.index_cast %scan3A_18 : i32 to index
      %get3A_816 = arith.constant 704 : index
      %get3A_817 = tpu.vector_load %arg7[%get3A_815, %get3A_816] {strides = array<i32>} : memref<64x768xf32, #tpu.memory_space<vmem>>, vector<1x16xf32>,
      %get3A_818 = vector.shape_cast %get3A_817 : vector<1x16xf32> to vector<16xf32>
      %mul3A_819 = vector.broadcast %squeeze3A : f32 to vector<16xf32>
      %mul3A_820 = arith.mulf %get3A_818, %mul3A_819 : vector<16xf32>
      %get3A_821 = arith.index_cast %scan3A_18 : i32 to index
      %get3A_822 = arith.constant 704 : index
      %get3A_823 = tpu.vector_load %arg8[%get3A_821, %get3A_822] {strides = array<i32>} : memref<64x768xf32, #tpu.memory_space<vmem>>, vector<1x16xf32>,
      %get3A_824 = vector.shape_cast %get3A_823 : vector<1x16xf32> to vector<16xf32>
      %mul3A_825 = vector.broadcast %squeeze3A_23 : f32 to vector<16xf32>
      %mul3A_826 = arith.mulf %get3A_824, %mul3A_825 : vector<16xf32>
      %add3A_827 = arith.addf %mul3A_820, %mul3A_826 : vector<16xf32>
      %swap3A_828 = arith.index_cast %scan3A_18 : i32 to index
      %swap3A_829 = arith.constant 704 : index
      %swap3A_830 = tpu.vector_load %arg7[%swap3A_828, %swap3A_829] {strides = array<i32>} : memref<64x768xf32, #tpu.memory_space<vmem>>, vector<1x16xf32>,
      %swap3A_831 = vector.shape_cast %swap3A_830 : vector<1x16xf32> to vector<16xf32>
      %swap3A_832 = vector.shape_cast %add3A_827 : vector<16xf32> to vector<1x16xf32>
      tpu.vector_store %arg7[%swap3A_828, %swap3A_829], %swap3A_832 {strides = array<i32>} : memref<64x768xf32, #tpu.memory_space<vmem>>, vector<1x16xf32>,
      %get3A_833 = arith.index_cast %scan3A_18 : i32 to index
      %get3A_834 = arith.constant 720 : index
      %get3A_835 = tpu.vector_load %arg7[%get3A_833, %get3A_834] {strides = array<i32>} : memref<64x768xf32, #tpu.memory_space<vmem>>, vector<1x16xf32>,
      %get3A_836 = vector.shape_cast %get3A_835 : vector<1x16xf32> to vector<16xf32>
      %mul3A_837 = vector.broadcast %squeeze3A : f32 to vector<16xf32>
      %mul3A_838 = arith.mulf %get3A_836, %mul3A_837 : vector<16xf32>
      %get3A_839 = arith.index_cast %scan3A_18 : i32 to index
      %get3A_840 = arith.constant 720 : index
      %get3A_841 = tpu.vector_load %arg8[%get3A_839, %get3A_840] {strides = array<i32>} : memref<64x768xf32, #tpu.memory_space<vmem>>, vector<1x16xf32>,
      %get3A_842 = vector.shape_cast %get3A_841 : vector<1x16xf32> to vector<16xf32>
      %mul3A_843 = vector.broadcast %squeeze3A_23 : f32 to vector<16xf32>
      %mul3A_844 = arith.mulf %get3A_842, %mul3A_843 : vector<16xf32>
      %add3A_845 = arith.addf %mul3A_838, %mul3A_844 : vector<16xf32>
      %swap3A_846 = arith.index_cast %scan3A_18 : i32 to index
      %swap3A_847 = arith.constant 720 : index
      %swap3A_848 = tpu.vector_load %arg7[%swap3A_846, %swap3A_847] {strides = array<i32>} : memref<64x768xf32, #tpu.memory_space<vmem>>, vector<1x16xf32>,
      %swap3A_849 = vector.shape_cast %swap3A_848 : vector<1x16xf32> to vector<16xf32>
      %swap3A_850 = vector.shape_cast %add3A_845 : vector<16xf32> to vector<1x16xf32>
      tpu.vector_store %arg7[%swap3A_846, %swap3A_847], %swap3A_850 {strides = array<i32>} : memref<64x768xf32, #tpu.memory_space<vmem>>, vector<1x16xf32>,
      %get3A_851 = arith.index_cast %scan3A_18 : i32 to index
      %get3A_852 = arith.constant 736 : index
      %get3A_853 = tpu.vector_load %arg7[%get3A_851, %get3A_852] {strides = array<i32>} : memref<64x768xf32, #tpu.memory_space<vmem>>, vector<1x16xf32>,
      %get3A_854 = vector.shape_cast %get3A_853 : vector<1x16xf32> to vector<16xf32>
      %mul3A_855 = vector.broadcast %squeeze3A : f32 to vector<16xf32>
      %mul3A_856 = arith.mulf %get3A_854, %mul3A_855 : vector<16xf32>
      %get3A_857 = arith.index_cast %scan3A_18 : i32 to index
      %get3A_858 = arith.constant 736 : index
      %get3A_859 = tpu.vector_load %arg8[%get3A_857, %get3A_858] {strides = array<i32>} : memref<64x768xf32, #tpu.memory_space<vmem>>, vector<1x16xf32>,
      %get3A_860 = vector.shape_cast %get3A_859 : vector<1x16xf32> to vector<16xf32>
      %mul3A_861 = vector.broadcast %squeeze3A_23 : f32 to vector<16xf32>
      %mul3A_862 = arith.mulf %get3A_860, %mul3A_861 : vector<16xf32>
      %add3A_863 = arith.addf %mul3A_856, %mul3A_862 : vector<16xf32>
      %swap3A_864 = arith.index_cast %scan3A_18 : i32 to index
      %swap3A_865 = arith.constant 736 : index
      %swap3A_866 = tpu.vector_load %arg7[%swap3A_864, %swap3A_865] {strides = array<i32>} : memref<64x768xf32, #tpu.memory_space<vmem>>, vector<1x16xf32>,
      %swap3A_867 = vector.shape_cast %swap3A_866 : vector<1x16xf32> to vector<16xf32>
      %swap3A_868 = vector.shape_cast %add3A_863 : vector<16xf32> to vector<1x16xf32>
      tpu.vector_store %arg7[%swap3A_864, %swap3A_865], %swap3A_868 {strides = array<i32>} : memref<64x768xf32, #tpu.memory_space<vmem>>, vector<1x16xf32>,
      %get3A_869 = arith.index_cast %scan3A_18 : i32 to index
      %get3A_870 = arith.constant 752 : index
      %get3A_871 = tpu.vector_load %arg7[%get3A_869, %get3A_870] {strides = array<i32>} : memref<64x768xf32, #tpu.memory_space<vmem>>, vector<1x16xf32>,
      %get3A_872 = vector.shape_cast %get3A_871 : vector<1x16xf32> to vector<16xf32>
      %mul3A_873 = vector.broadcast %squeeze3A : f32 to vector<16xf32>
      %mul3A_874 = arith.mulf %get3A_872, %mul3A_873 : vector<16xf32>
      %get3A_875 = arith.index_cast %scan3A_18 : i32 to index
      %get3A_876 = arith.constant 752 : index
      %get3A_877 = tpu.vector_load %arg8[%get3A_875, %get3A_876] {strides = array<i32>} : memref<64x768xf32, #tpu.memory_space<vmem>>, vector<1x16xf32>,
      %get3A_878 = vector.shape_cast %get3A_877 : vector<1x16xf32> to vector<16xf32>
      %mul3A_879 = vector.broadcast %squeeze3A_23 : f32 to vector<16xf32>
      %mul3A_880 = arith.mulf %get3A_878, %mul3A_879 : vector<16xf32>
      %add3A_881 = arith.addf %mul3A_874, %mul3A_880 : vector<16xf32>
      %swap3A_882 = arith.index_cast %scan3A_18 : i32 to index
      %swap3A_883 = arith.constant 752 : index
      %swap3A_884 = tpu.vector_load %arg7[%swap3A_882, %swap3A_883] {strides = array<i32>} : memref<64x768xf32, #tpu.memory_space<vmem>>, vector<1x16xf32>,
      %swap3A_885 = vector.shape_cast %swap3A_884 : vector<1x16xf32> to vector<16xf32>
      %swap3A_886 = vector.shape_cast %add3A_881 : vector<16xf32> to vector<1x16xf32>
      tpu.vector_store %arg7[%swap3A_882, %swap3A_883], %swap3A_886 {strides = array<i32>} : memref<64x768xf32, #tpu.memory_space<vmem>>, vector<1x16xf32>,
    }
    %scan3A_17 = arith.constant 64 : i32
    "tpu.region"() ({
      %run_scoped3A = tpu.sem_alloc : memref<!tpu.dma_semaphore, #tpu.memory_space<semaphore_mem>>
      %dma_start3A_18 = arith.constant 0 : i32
      %dma_start3A_19 = tpu.memref_slice %arg6[%mul3A_2, %dma_start3A_18] : memref<2048x768xf32, #tpu.memory_space<hbm>> -> memref<64x768xf32, #tpu.memory_space<hbm>>
      %dma_start3A_20 = arith.constant 0 : i32
      %dma_start3A_21 = tpu.memref_slice %arg6[%mul3A_2, %dma_start3A_20] : memref<2048x768xf32, #tpu.memory_space<hbm>> -> memref<64x768xf32, #tpu.memory_space<hbm>>
      tpu.enqueue_dma source(%arg7 : memref<64x768xf32, #tpu.memory_space<vmem>>) target(%dma_start3A_21 : memref<64x768xf32, #tpu.memory_space<hbm>>) target_semaphore(%run_scoped3A : memref<!tpu.dma_semaphore, #tpu.memory_space<semaphore_mem>>)
      %dma_wait3A_22 = arith.constant 0 : i32
      %dma_wait3A_23 = tpu.memref_slice %arg6[%mul3A_2, %dma_wait3A_22] : memref<2048x768xf32, #tpu.memory_space<hbm>> -> memref<64x768xf32, #tpu.memory_space<hbm>>
      %dma_wait3A_24 = arith.constant 0 : i32
      %dma_wait3A_25 = tpu.memref_slice %arg6[%mul3A_2, %dma_wait3A_24] : memref<2048x768xf32, #tpu.memory_space<hbm>> -> memref<64x768xf32, #tpu.memory_space<hbm>>
      tpu.wait_dma2 semaphore(%run_scoped3A : memref<!tpu.dma_semaphore, #tpu.memory_space<semaphore_mem>>) src(%arg7 : memref<64x768xf32, #tpu.memory_space<vmem>>) dst(%dma_wait3A_25 : memref<64x768xf32, #tpu.memory_space<hbm>>)
      tpu.yield
    }) : () -> ()
    return
  }
}

#map = affine_map<(d0, d1) -> (0, 0)>
#map1 = affine_map<(d0, d1) -> (0)>
module attributes {stable_mosaic.version = 14 : i64} {
  func.func @_sc_dispatch(%arg0: i32, %arg1: i32, %arg2: memref<2048x768xf32, #tpu.memory_space<hbm>>, %arg3: memref<2048xi32, #tpu.memory_space<hbm>>, %arg4: memref<2048xi32, #tpu.memory_space<hbm>>, %arg5: memref<11200x768xf32, #tpu.memory_space<hbm>>, %arg6: memref<64x768xf32, #tpu.memory_space<vmem>>, %arg7: memref<64xi32, #tpu.memory_space<vmem>>, %arg8: memref<64xi32, #tpu.memory_space<vmem>>, %arg9: memref<!tpu.dma_semaphore, #tpu.memory_space<semaphore_mem>>) attributes {dimension_semantics = [#tpu.dimension_semantics<core_parallel>, #tpu.dimension_semantics<subcore_parallel>], iteration_bounds = array<i64: 2, 16>, scalar_prefetch = 0 : i64, scratch_operands = 4 : i64, tpu.core_type = #tpu.core_type<sc_vector_subcore>, window_params = [{transform_indices = #map}, {transform_indices = #map1}, {transform_indices = #map1}, {transform_indices = #map}]} {
    %mul3A = arith.constant 16 : i32
    %mul3A_0 = arith.muli %arg0, %mul3A : i32
    %add3A = arith.addi %mul3A_0, %arg1 : i32
    %mul3A_1 = arith.constant 64 : i32
    %mul3A_2 = arith.muli %add3A, %mul3A_1 : i32
    "tpu.region"() ({
      %run_scoped3A = tpu.sem_alloc : memref<!tpu.dma_semaphore, #tpu.memory_space<semaphore_mem>>
      %dma_start3A_13 = arith.constant 0 : i32
      %dma_start3A_14 = tpu.memref_slice %arg2[%mul3A_2, %dma_start3A_13] : memref<2048x768xf32, #tpu.memory_space<hbm>> -> memref<64x768xf32, #tpu.memory_space<hbm>>
      %dma_start3A_15 = arith.constant 0 : i32
      %dma_start3A_16 = tpu.memref_slice %arg2[%mul3A_2, %dma_start3A_15] : memref<2048x768xf32, #tpu.memory_space<hbm>> -> memref<64x768xf32, #tpu.memory_space<hbm>>
      tpu.enqueue_dma source(%dma_start3A_16 : memref<64x768xf32, #tpu.memory_space<hbm>>) target(%arg6 : memref<64x768xf32, #tpu.memory_space<vmem>>) target_semaphore(%run_scoped3A : memref<!tpu.dma_semaphore, #tpu.memory_space<semaphore_mem>>)
      %dma_wait3A_17 = arith.constant 0 : i32
      %dma_wait3A_18 = tpu.memref_slice %arg2[%mul3A_2, %dma_wait3A_17] : memref<2048x768xf32, #tpu.memory_space<hbm>> -> memref<64x768xf32, #tpu.memory_space<hbm>>
      %dma_wait3A_19 = arith.constant 0 : i32
      %dma_wait3A_20 = tpu.memref_slice %arg2[%mul3A_2, %dma_wait3A_19] : memref<2048x768xf32, #tpu.memory_space<hbm>> -> memref<64x768xf32, #tpu.memory_space<hbm>>
      tpu.wait_dma2 semaphore(%run_scoped3A : memref<!tpu.dma_semaphore, #tpu.memory_space<semaphore_mem>>) src(%dma_wait3A_20 : memref<64x768xf32, #tpu.memory_space<hbm>>) dst(%arg6 : memref<64x768xf32, #tpu.memory_space<vmem>>)
      tpu.yield
    }) : () -> ()
    "tpu.region"() ({
      %run_scoped3A = tpu.sem_alloc : memref<!tpu.dma_semaphore, #tpu.memory_space<semaphore_mem>>
      %dma_start3A_13 = tpu.memref_slice %arg3[%mul3A_2] : memref<2048xi32, #tpu.memory_space<hbm>> -> memref<64xi32, #tpu.memory_space<hbm>>
      %dma_start3A_14 = tpu.memref_slice %arg3[%mul3A_2] : memref<2048xi32, #tpu.memory_space<hbm>> -> memref<64xi32, #tpu.memory_space<hbm>>
      tpu.enqueue_dma source(%dma_start3A_14 : memref<64xi32, #tpu.memory_space<hbm>>) target(%arg7 : memref<64xi32, #tpu.memory_space<vmem>>) target_semaphore(%run_scoped3A : memref<!tpu.dma_semaphore, #tpu.memory_space<semaphore_mem>>)
      %dma_wait3A_15 = tpu.memref_slice %arg3[%mul3A_2] : memref<2048xi32, #tpu.memory_space<hbm>> -> memref<64xi32, #tpu.memory_space<hbm>>
      %dma_wait3A_16 = tpu.memref_slice %arg3[%mul3A_2] : memref<2048xi32, #tpu.memory_space<hbm>> -> memref<64xi32, #tpu.memory_space<hbm>>
      tpu.wait_dma2 semaphore(%run_scoped3A : memref<!tpu.dma_semaphore, #tpu.memory_space<semaphore_mem>>) src(%dma_wait3A_16 : memref<64xi32, #tpu.memory_space<hbm>>) dst(%arg7 : memref<64xi32, #tpu.memory_space<vmem>>)
      tpu.yield
    }) : () -> ()
    "tpu.region"() ({
      %run_scoped3A = tpu.sem_alloc : memref<!tpu.dma_semaphore, #tpu.memory_space<semaphore_mem>>
      %dma_start3A_13 = tpu.memref_slice %arg4[%mul3A_2] : memref<2048xi32, #tpu.memory_space<hbm>> -> memref<64xi32, #tpu.memory_space<hbm>>
      %dma_start3A_14 = tpu.memref_slice %arg4[%mul3A_2] : memref<2048xi32, #tpu.memory_space<hbm>> -> memref<64xi32, #tpu.memory_space<hbm>>
      tpu.enqueue_dma source(%dma_start3A_14 : memref<64xi32, #tpu.memory_space<hbm>>) target(%arg8 : memref<64xi32, #tpu.memory_space<vmem>>) target_semaphore(%run_scoped3A : memref<!tpu.dma_semaphore, #tpu.memory_space<semaphore_mem>>)
      %dma_wait3A_15 = tpu.memref_slice %arg4[%mul3A_2] : memref<2048xi32, #tpu.memory_space<hbm>> -> memref<64xi32, #tpu.memory_space<hbm>>
      %dma_wait3A_16 = tpu.memref_slice %arg4[%mul3A_2] : memref<2048xi32, #tpu.memory_space<hbm>> -> memref<64xi32, #tpu.memory_space<hbm>>
      tpu.wait_dma2 semaphore(%run_scoped3A : memref<!tpu.dma_semaphore, #tpu.memory_space<semaphore_mem>>) src(%dma_wait3A_16 : memref<64xi32, #tpu.memory_space<hbm>>) dst(%arg8 : memref<64xi32, #tpu.memory_space<vmem>>)
      tpu.yield
    }) : () -> ()
    %dma_start3A = arith.constant 0 : i32
    %dma_start3A_3 = arith.constant 0 : i32
    %dma_start3A_4 = tpu.memref_slice %arg5[%dma_start3A, %dma_start3A_3] : memref<11200x768xf32, #tpu.memory_space<hbm>> -> memref<11200x768xf32, #tpu.memory_space<hbm>>
    tpu.enqueue_indirect_dma source(%arg6 : memref<64x768xf32, #tpu.memory_space<vmem>>) target(%dma_start3A_4 : memref<11200x768xf32, #tpu.memory_space<hbm>>) offsets(%arg7 : memref<64xi32, #tpu.memory_space<vmem>>) semaphore(%arg9 : memref<!tpu.dma_semaphore, #tpu.memory_space<semaphore_mem>>)
    %dma_start3A_5 = arith.constant 0 : i32
    %dma_start3A_6 = arith.constant 0 : i32
    %dma_start3A_7 = tpu.memref_slice %arg5[%dma_start3A_5, %dma_start3A_6] : memref<11200x768xf32, #tpu.memory_space<hbm>> -> memref<11200x768xf32, #tpu.memory_space<hbm>>
    tpu.enqueue_indirect_dma source(%arg6 : memref<64x768xf32, #tpu.memory_space<vmem>>) target(%dma_start3A_7 : memref<11200x768xf32, #tpu.memory_space<hbm>>) offsets(%arg8 : memref<64xi32, #tpu.memory_space<vmem>>) semaphore(%arg9 : memref<!tpu.dma_semaphore, #tpu.memory_space<semaphore_mem>>)
    %dma_wait3A = arith.constant 0 : i32
    %dma_wait3A_8 = arith.constant 0 : i32
    %dma_wait3A_9 = tpu.memref_slice %arg5[%dma_wait3A, %dma_wait3A_8] : memref<11200x768xf32, #tpu.memory_space<hbm>> -> memref<11200x768xf32, #tpu.memory_space<hbm>>
    tpu.wait_indirect_dma semaphore(%arg9 : memref<!tpu.dma_semaphore, #tpu.memory_space<semaphore_mem>>) src(%arg6 : memref<64x768xf32, #tpu.memory_space<vmem>>) dst(%dma_wait3A_9 : memref<11200x768xf32, #tpu.memory_space<hbm>>)
    %dma_wait3A_10 = arith.constant 0 : i32
    %dma_wait3A_11 = arith.constant 0 : i32
    %dma_wait3A_12 = tpu.memref_slice %arg5[%dma_wait3A_10, %dma_wait3A_11] : memref<11200x768xf32, #tpu.memory_space<hbm>> -> memref<11200x768xf32, #tpu.memory_space<hbm>>
    tpu.wait_indirect_dma semaphore(%arg9 : memref<!tpu.dma_semaphore, #tpu.memory_space<semaphore_mem>>) src(%arg6 : memref<64x768xf32, #tpu.memory_space<vmem>>) dst(%dma_wait3A_12 : memref<11200x768xf32, #tpu.memory_space<hbm>>)
    return
  }
}

module attributes {stable_mosaic.version = 14 : i64} {
  func.func @_mlp_body(%arg0: i32, %arg1: memref<101xi32, #tpu.memory_space<smem>>, %arg2: memref<112x768xf32, #tpu.memory_space<vmem>>, %arg3: memref<1x768x256xf32, #tpu.memory_space<vmem>>, %arg4: memref<1x768x256xf32, #tpu.memory_space<vmem>>, %arg5: memref<1x256x768xf32, #tpu.memory_space<vmem>>, %arg6: memref<112x768xf32, #tpu.memory_space<vmem>>) attributes {dimension_semantics = [#tpu.dimension_semantics<arbitrary>], iteration_bounds = array<i64: 100>, scalar_prefetch = 1 : i64, scratch_operands = 0 : i64, tpu.core_type = #tpu.core_type<tc>, window_params = [{transform_indices = @transform_0, window_bounds = array<i64: 112, 768>}, {transform_indices = @transform_1, window_bounds = array<i64: 1, 768, 256>}, {transform_indices = @transform_2, window_bounds = array<i64: 1, 768, 256>}, {transform_indices = @transform_3, window_bounds = array<i64: 1, 256, 768>}, {transform_indices = @transform_4, window_bounds = array<i64: 112, 768>}]} {
    %get3A = arith.constant 100 : index
    %get3A_0 = memref.load %arg1[%get3A] : memref<101xi32, #tpu.memory_space<smem>>
    %lt3A = arith.cmpi slt, %arg0, %get3A_0 : i32
    %convert_element_type3A = arith.extui %lt3A : i1 to i32
    %cond3A = arith.constant 0 : i32
    %cond3A_1 = arith.cmpi ne, %convert_element_type3A, %cond3A : i32
    scf.if %cond3A_1 {
      %get3A_2 = arith.constant 0 : index
      %get3A_3 = arith.constant 0 : index
      %get3A_4 = vector.load %arg2[%get3A_2, %get3A_3] : memref<112x768xf32, #tpu.memory_space<vmem>>, vector<112x768xf32>
      %get3A_5 = arith.constant 0 : index
      %get3A_6 = arith.constant 0 : index
      %get3A_7 = arith.constant 0 : index
      %get3A_8 = vector.load %arg3[%get3A_5, %get3A_6, %get3A_7] : memref<1x768x256xf32, #tpu.memory_space<vmem>>, vector<1x768x256xf32>
      %get3A_9 = vector.shape_cast %get3A_8 : vector<1x768x256xf32> to vector<768x256xf32>
      %dot_general3A = arith.constant dense<0.000000e+00> : vector<112x256xf32>
      %dot_general3A_10 = tpu.matmul %get3A_4, %get3A_9, %dot_general3A {dimension_numbers = #tpu.dot_dimension_numbers<[1], [0], [0], [1], [0, 0, 1, 1], [], []>, transpose_lhs_hint = false} : vector<112x768xf32>, vector<768x256xf32>, vector<112x256xf32> -> vector<112x256xf32>
      %get3A_11 = arith.constant 0 : index
      %get3A_12 = arith.constant 0 : index
      %get3A_13 = arith.constant 0 : index
      %get3A_14 = vector.load %arg4[%get3A_11, %get3A_12, %get3A_13] : memref<1x768x256xf32, #tpu.memory_space<vmem>>, vector<1x768x256xf32>
      %get3A_15 = vector.shape_cast %get3A_14 : vector<1x768x256xf32> to vector<768x256xf32>
      %dot_general3A_16 = arith.constant dense<0.000000e+00> : vector<112x256xf32>
      %dot_general3A_17 = tpu.matmul %get3A_4, %get3A_15, %dot_general3A_16 {dimension_numbers = #tpu.dot_dimension_numbers<[1], [0], [0], [1], [0, 0, 1, 1], [], []>, transpose_lhs_hint = false} : vector<112x768xf32>, vector<768x256xf32>, vector<112x256xf32> -> vector<112x256xf32>
      %logistic3A = arith.negf %dot_general3A_10 : vector<112x256xf32>
      %logistic3A_18 = math.exp %logistic3A : vector<112x256xf32>
      %logistic3A_19 = arith.constant 1.000000e+00 : f32
      %logistic3A_20 = vector.broadcast %logistic3A_19 : f32 to vector<112x256xf32>
      %logistic3A_21 = arith.addf %logistic3A_20, %logistic3A_18 : vector<112x256xf32>
      %logistic3A_22 = arith.divf %logistic3A_20, %logistic3A_21 : vector<112x256xf32>
      %mul3A = arith.mulf %dot_general3A_10, %logistic3A_22 : vector<112x256xf32>
      %mul3A_23 = arith.mulf %mul3A, %dot_general3A_17 : vector<112x256xf32>
      %get3A_24 = arith.constant 0 : index
      %get3A_25 = arith.constant 0 : index
      %get3A_26 = arith.constant 0 : index
      %get3A_27 = vector.load %arg5[%get3A_24, %get3A_25, %get3A_26] : memref<1x256x768xf32, #tpu.memory_space<vmem>>, vector<1x256x768xf32>
      %get3A_28 = vector.shape_cast %get3A_27 : vector<1x256x768xf32> to vector<256x768xf32>
      %dot_general3A_29 = arith.constant dense<0.000000e+00> : vector<112x768xf32>
      %dot_general3A_30 = tpu.matmul %mul3A_23, %get3A_28, %dot_general3A_29 {dimension_numbers = #tpu.dot_dimension_numbers<[1], [0], [0], [1], [0, 0, 1, 1], [], []>, transpose_lhs_hint = false} : vector<112x256xf32>, vector<256x768xf32>, vector<112x768xf32> -> vector<112x768xf32>
      %swap3A = arith.constant 0 : index
      %swap3A_31 = arith.constant 0 : index
      %swap3A_32 = vector.load %arg6[%swap3A, %swap3A_31] : memref<112x768xf32, #tpu.memory_space<vmem>>, vector<112x768xf32>
      tpu.vector_store %arg6[%swap3A, %swap3A_31], %dot_general3A_30 {strides = array<i32>} : memref<112x768xf32, #tpu.memory_space<vmem>>, vector<112x768xf32>,
    } else {
    }
    return
  }
  func.func @transform_0(%arg0: i32, %arg1: memref<101xi32, #tpu.memory_space<smem>>) -> (i32, i32) {
    %get3A = arith.constant 100 : index
    %get3A_0 = memref.load %arg1[%get3A] : memref<101xi32, #tpu.memory_space<smem>>
    %sub3A = arith.constant 1 : i32
    %sub3A_1 = arith.subi %get3A_0, %sub3A : i32
    %min3A = arith.minsi %arg0, %sub3A_1 : i32
    %c0_i32 = arith.constant 0 : i32
    %c0_i32_2 = arith.constant 0 : i32
    return %min3A, %c0_i32 : i32, i32
  }
  func.func @transform_1(%arg0: i32, %arg1: memref<101xi32, #tpu.memory_space<smem>>) -> (i32, i32, i32) {
    %get3A = arith.index_cast %arg0 : i32 to index
    %get3A_0 = memref.load %arg1[%get3A] : memref<101xi32, #tpu.memory_space<smem>>
    %c0_i32 = arith.constant 0 : i32
    %c0_i32_1 = arith.constant 0 : i32
    %c0_i32_2 = arith.constant 0 : i32
    return %get3A_0, %c0_i32, %c0_i32_1 : i32, i32, i32
  }
  func.func @transform_2(%arg0: i32, %arg1: memref<101xi32, #tpu.memory_space<smem>>) -> (i32, i32, i32) {
    %get3A = arith.index_cast %arg0 : i32 to index
    %get3A_0 = memref.load %arg1[%get3A] : memref<101xi32, #tpu.memory_space<smem>>
    %c0_i32 = arith.constant 0 : i32
    %c0_i32_1 = arith.constant 0 : i32
    %c0_i32_2 = arith.constant 0 : i32
    return %get3A_0, %c0_i32, %c0_i32_1 : i32, i32, i32
  }
  func.func @transform_3(%arg0: i32, %arg1: memref<101xi32, #tpu.memory_space<smem>>) -> (i32, i32, i32) {
    %get3A = arith.index_cast %arg0 : i32 to index
    %get3A_0 = memref.load %arg1[%get3A] : memref<101xi32, #tpu.memory_space<smem>>
    %c0_i32 = arith.constant 0 : i32
    %c0_i32_1 = arith.constant 0 : i32
    %c0_i32_2 = arith.constant 0 : i32
    return %get3A_0, %c0_i32, %c0_i32_1 : i32, i32, i32
  }
  func.func @transform_4(%arg0: i32, %arg1: memref<101xi32, #tpu.memory_space<smem>>) -> (i32, i32) {
    %get3A = arith.constant 100 : index
    %get3A_0 = memref.load %arg1[%get3A] : memref<101xi32, #tpu.memory_space<smem>>
    %lt3A = arith.cmpi slt, %arg0, %get3A_0 : i32
    %jit3A = arith.constant 99 : i32
    %select_n3A = arith.select %lt3A, %arg0, %jit3A : i32
    %c0_i32 = arith.constant 0 : i32
    %c0_i32_1 = arith.constant 0 : i32
    return %select_n3A, %c0_i32 : i32, i32
  }
}

module attributes {stable_mosaic.version = 14 : i64} {
  func.func @_router_body(%arg0: memref<2048x768xf32, #tpu.memory_space<vmem>>, %arg1: memref<768x64xf32, #tpu.memory_space<vmem>>, %arg2: memref<2048x2xi32, #tpu.memory_space<vmem>>, %arg3: memref<2048x16xf32, #tpu.memory_space<vmem>>, %arg4: memref<2048xi32, #tpu.memory_space<vmem>>, %arg5: memref<2048xi32, #tpu.memory_space<vmem>>, %arg6: memref<1x101xi32, #tpu.memory_space<vmem>>) attributes {dimension_semantics = [], scalar_prefetch = 0 : i64, scratch_operands = 0 : i64, tpu.core_type = #tpu.core_type<tc>} {
    %get3A = arith.constant 0 : index
    %get3A_0 = arith.constant 0 : index
    %get3A_1 = vector.load %arg0[%get3A, %get3A_0] : memref<2048x768xf32, #tpu.memory_space<vmem>>, vector<2048x768xf32>
    %get3A_2 = arith.constant 0 : index
    %get3A_3 = arith.constant 0 : index
    %get3A_4 = vector.load %arg1[%get3A_2, %get3A_3] : memref<768x64xf32, #tpu.memory_space<vmem>>, vector<768x64xf32>
    %dot_general3A = arith.constant dense<0.000000e+00> : vector<2048x64xf32>
    %dot_general3A_5 = tpu.matmul %get3A_1, %get3A_4, %dot_general3A {dimension_numbers = #tpu.dot_dimension_numbers<[1], [0], [0], [1], [0, 0, 1, 1], [], []>, transpose_lhs_hint = false} : vector<2048x768xf32>, vector<768x64xf32>, vector<2048x64xf32> -> vector<2048x64xf32>
    %reduce_max3A = arith.constant dense<0xFF800000> : vector<2048xf32>
    %reduce_max3A_6 = vector.multi_reduction <maximumf>, %dot_general3A_5, %reduce_max3A [1] : vector<2048x64xf32> to vector<2048xf32>
    %broadcast_in_dim3A = vector.shape_cast %reduce_max3A_6 : vector<2048xf32> to vector<2048x1xf32>
    %sub3A = vector.broadcast %broadcast_in_dim3A : vector<2048x1xf32> to vector<2048x64xf32>
    %sub3A_7 = arith.subf %dot_general3A_5, %sub3A : vector<2048x64xf32>
    %exp3A = math.exp %sub3A_7 : vector<2048x64xf32>
    %reduce_sum3A = arith.constant dense<0.000000e+00> : vector<2048xf32>
    %reduce_sum3A_8 = vector.multi_reduction <add>, %exp3A, %reduce_sum3A [1] : vector<2048x64xf32> to vector<2048xf32>
    %broadcast_in_dim3A_9 = vector.shape_cast %reduce_sum3A_8 : vector<2048xf32> to vector<2048x1xf32>
    %div3A = vector.broadcast %broadcast_in_dim3A_9 : vector<2048x1xf32> to vector<2048x64xf32>
    %div3A_10 = arith.divf %exp3A, %div3A : vector<2048x64xf32>
    %iota3A = tpu.iota {dimensions = array<i32: 1>} : vector<2048x64xi32>
    %reduce_max3A_11 = arith.constant dense<0xFF800000> : vector<2048xf32>
    %reduce_max3A_12 = vector.multi_reduction <maximumf>, %div3A_10, %reduce_max3A_11 [1] : vector<2048x64xf32> to vector<2048xf32>
    %broadcast_in_dim3A_13 = vector.shape_cast %reduce_max3A_12 : vector<2048xf32> to vector<2048x1xf32>
    %eq3A = vector.broadcast %broadcast_in_dim3A_13 : vector<2048x1xf32> to vector<2048x64xf32>
    %eq3A_14 = arith.cmpf oeq, %div3A_10, %eq3A : vector<2048x64xf32>
    %jit3A = arith.constant 64 : i32
    %broadcast_in_dim3A_15 = vector.broadcast %jit3A : i32 to vector<2048x64xi32>
    %select_n3A = arith.select %eq3A_14, %iota3A, %broadcast_in_dim3A_15 : vector<2048x64xi1>, vector<2048x64xi32>
    %reduce_min3A = arith.constant dense<2147483647> : vector<2048xi32>
    %reduce_min3A_16 = vector.multi_reduction <minsi>, %select_n3A, %reduce_min3A [1] : vector<2048x64xi32> to vector<2048xi32>
    %broadcast_in_dim3A_17 = vector.shape_cast %reduce_min3A_16 : vector<2048xi32> to vector<2048x1xi32>
    %eq3A_18 = vector.broadcast %broadcast_in_dim3A_17 : vector<2048x1xi32> to vector<2048x64xi32>
    %eq3A_19 = arith.cmpi eq, %iota3A, %eq3A_18 : vector<2048x64xi32>
    %jit3A_20 = arith.constant -1.000000e+00 : f32
    %broadcast_in_dim3A_21 = vector.broadcast %jit3A_20 : f32 to vector<2048x64xf32>
    %select_n3A_22 = arith.select %eq3A_19, %broadcast_in_dim3A_21, %div3A_10 : vector<2048x64xi1>, vector<2048x64xf32>
    %reduce_max3A_23 = arith.constant dense<0xFF800000> : vector<2048xf32>
    %reduce_max3A_24 = vector.multi_reduction <maximumf>, %select_n3A_22, %reduce_max3A_23 [1] : vector<2048x64xf32> to vector<2048xf32>
    %broadcast_in_dim3A_25 = vector.shape_cast %reduce_max3A_24 : vector<2048xf32> to vector<2048x1xf32>
    %eq3A_26 = vector.broadcast %broadcast_in_dim3A_25 : vector<2048x1xf32> to vector<2048x64xf32>
    %eq3A_27 = arith.cmpf oeq, %select_n3A_22, %eq3A_26 : vector<2048x64xf32>
    %jit3A_28 = arith.constant 64 : i32
    %broadcast_in_dim3A_29 = vector.broadcast %jit3A_28 : i32 to vector<2048x64xi32>
    %select_n3A_30 = arith.select %eq3A_27, %iota3A, %broadcast_in_dim3A_29 : vector<2048x64xi1>, vector<2048x64xi32>
    %reduce_min3A_31 = arith.constant dense<2147483647> : vector<2048xi32>
    %reduce_min3A_32 = vector.multi_reduction <minsi>, %select_n3A_30, %reduce_min3A_31 [1] : vector<2048x64xi32> to vector<2048xi32>
    %broadcast_in_dim3A_33 = vector.shape_cast %reduce_min3A_32 : vector<2048xi32> to vector<2048x1xi32>
    %add3A = arith.addf %broadcast_in_dim3A_13, %broadcast_in_dim3A_25 : vector<2048x1xf32>
    %concatenate3A = tpu.concatenate %broadcast_in_dim3A_17, %broadcast_in_dim3A_33 in 1 : vector<2048x1xi32>, vector<2048x1xi32> -> vector<2048x2xi32>
    %swap3A = arith.constant 0 : index
    %swap3A_34 = arith.constant 0 : index
    %swap3A_35 = vector.load %arg2[%swap3A, %swap3A_34] : memref<2048x2xi32, #tpu.memory_space<vmem>>, vector<2048x2xi32>
    tpu.vector_store %arg2[%swap3A, %swap3A_34], %concatenate3A {strides = array<i32>} : memref<2048x2xi32, #tpu.memory_space<vmem>>, vector<2048x2xi32>,
    %div3A_36 = arith.divf %broadcast_in_dim3A_13, %add3A : vector<2048x1xf32>
    %div3A_37 = arith.divf %broadcast_in_dim3A_25, %add3A : vector<2048x1xf32>
    %concatenate3A_38 = tpu.concatenate %div3A_36, %div3A_37, %div3A_36, %div3A_37, %div3A_36, %div3A_37, %div3A_36, %div3A_37, %div3A_36, %div3A_37, %div3A_36, %div3A_37, %div3A_36, %div3A_37, %div3A_36, %div3A_37 in 1 : vector<2048x1xf32>, vector<2048x1xf32>, vector<2048x1xf32>, vector<2048x1xf32>, vector<2048x1xf32>, vector<2048x1xf32>, vector<2048x1xf32>, vector<2048x1xf32>, vector<2048x1xf32>, vector<2048x1xf32>, vector<2048x1xf32>, vector<2048x1xf32>, vector<2048x1xf32>, vector<2048x1xf32>, vector<2048x1xf32>, vector<2048x1xf32> -> vector<2048x16xf32>
    %swap3A_39 = arith.constant 0 : index
    %swap3A_40 = arith.constant 0 : index
    %swap3A_41 = vector.load %arg3[%swap3A_39, %swap3A_40] : memref<2048x16xf32, #tpu.memory_space<vmem>>, vector<2048x16xf32>
    tpu.vector_store %arg3[%swap3A_39, %swap3A_40], %concatenate3A_38 {strides = array<i32>} : memref<2048x16xf32, #tpu.memory_space<vmem>>, vector<2048x16xf32>,
    %eq3A_42 = vector.broadcast %broadcast_in_dim3A_17 : vector<2048x1xi32> to vector<2048x64xi32>
    %eq3A_43 = arith.cmpi eq, %iota3A, %eq3A_42 : vector<2048x64xi32>
    %convert_element_type3A = arith.extui %eq3A_43 : vector<2048x64xi1> to vector<2048x64xi32>
    %convert_element_type3A_44 = arith.sitofp %convert_element_type3A : vector<2048x64xi32> to vector<2048x64xf32>
    %eq3A_45 = vector.broadcast %broadcast_in_dim3A_33 : vector<2048x1xi32> to vector<2048x64xi32>
    %eq3A_46 = arith.cmpi eq, %iota3A, %eq3A_45 : vector<2048x64xi32>
    %convert_element_type3A_47 = arith.extui %eq3A_46 : vector<2048x64xi1> to vector<2048x64xi32>
    %convert_element_type3A_48 = arith.sitofp %convert_element_type3A_47 : vector<2048x64xi32> to vector<2048x64xf32>
    %concatenate3A_49 = tpu.concatenate %convert_element_type3A_44, %convert_element_type3A_48 in 0 : vector<2048x64xf32>, vector<2048x64xf32> -> vector<4096x64xf32>
    %iota3A_50 = tpu.iota {dimensions = array<i32: 0>} : vector<128x128xi32>
    %iota3A_51 = tpu.iota {dimensions = array<i32: 1>} : vector<128x128xi32>
    %lt3A = arith.cmpi slt, %iota3A_51, %iota3A_50 : vector<128x128xi32>
    %convert_element_type3A_52 = arith.extui %lt3A : vector<128x128xi1> to vector<128x128xi32>
    %convert_element_type3A_53 = arith.sitofp %convert_element_type3A_52 : vector<128x128xi32> to vector<128x128xf32>
    %slice3A = vector.extract_strided_slice %concatenate3A_49 {offsets = [0, 0], sizes = [128, 64], strides = [1, 1]} : vector<4096x64xf32> to vector<128x64xf32>
    %dot_general3A_54 = arith.constant dense<0.000000e+00> : vector<128x64xf32>
    %dot_general3A_55 = tpu.matmul %convert_element_type3A_53, %slice3A, %dot_general3A_54 {dimension_numbers = #tpu.dot_dimension_numbers<[1], [0], [0], [1], [0, 0, 1, 1], [], []>, transpose_lhs_hint = false} : vector<128x128xf32>, vector<128x64xf32>, vector<128x64xf32> -> vector<128x64xf32>
    %reduce_sum3A_56 = arith.constant dense<0.000000e+00> : vector<64xf32>
    %reduce_sum3A_57 = vector.multi_reduction <add>, %slice3A, %reduce_sum3A_56 [0] : vector<128x64xf32> to vector<64xf32>
    %broadcast_in_dim3A_58 = vector.shape_cast %reduce_sum3A_57 : vector<64xf32> to vector<1x64xf32>
    %slice3A_59 = vector.extract_strided_slice %concatenate3A_49 {offsets = [128, 0], sizes = [128, 64], strides = [1, 1]} : vector<4096x64xf32> to vector<128x64xf32>
    %dot_general3A_60 = arith.constant dense<0.000000e+00> : vector<128x64xf32>
    %dot_general3A_61 = tpu.matmul %convert_element_type3A_53, %slice3A_59, %dot_general3A_60 {dimension_numbers = #tpu.dot_dimension_numbers<[1], [0], [0], [1], [0, 0, 1, 1], [], []>, transpose_lhs_hint = false} : vector<128x128xf32>, vector<128x64xf32>, vector<128x64xf32> -> vector<128x64xf32>
    %reduce_sum3A_62 = arith.constant dense<0.000000e+00> : vector<64xf32>
    %reduce_sum3A_63 = vector.multi_reduction <add>, %slice3A_59, %reduce_sum3A_62 [0] : vector<128x64xf32> to vector<64xf32>
    %broadcast_in_dim3A_64 = vector.shape_cast %reduce_sum3A_63 : vector<64xf32> to vector<1x64xf32>
    %slice3A_65 = vector.extract_strided_slice %concatenate3A_49 {offsets = [256, 0], sizes = [128, 64], strides = [1, 1]} : vector<4096x64xf32> to vector<128x64xf32>
    %dot_general3A_66 = arith.constant dense<0.000000e+00> : vector<128x64xf32>
    %dot_general3A_67 = tpu.matmul %convert_element_type3A_53, %slice3A_65, %dot_general3A_66 {dimension_numbers = #tpu.dot_dimension_numbers<[1], [0], [0], [1], [0, 0, 1, 1], [], []>, transpose_lhs_hint = false} : vector<128x128xf32>, vector<128x64xf32>, vector<128x64xf32> -> vector<128x64xf32>
    %reduce_sum3A_68 = arith.constant dense<0.000000e+00> : vector<64xf32>
    %reduce_sum3A_69 = vector.multi_reduction <add>, %slice3A_65, %reduce_sum3A_68 [0] : vector<128x64xf32> to vector<64xf32>
    %broadcast_in_dim3A_70 = vector.shape_cast %reduce_sum3A_69 : vector<64xf32> to vector<1x64xf32>
    %slice3A_71 = vector.extract_strided_slice %concatenate3A_49 {offsets = [384, 0], sizes = [128, 64], strides = [1, 1]} : vector<4096x64xf32> to vector<128x64xf32>
    %dot_general3A_72 = arith.constant dense<0.000000e+00> : vector<128x64xf32>
    %dot_general3A_73 = tpu.matmul %convert_element_type3A_53, %slice3A_71, %dot_general3A_72 {dimension_numbers = #tpu.dot_dimension_numbers<[1], [0], [0], [1], [0, 0, 1, 1], [], []>, transpose_lhs_hint = false} : vector<128x128xf32>, vector<128x64xf32>, vector<128x64xf32> -> vector<128x64xf32>
    %reduce_sum3A_74 = arith.constant dense<0.000000e+00> : vector<64xf32>
    %reduce_sum3A_75 = vector.multi_reduction <add>, %slice3A_71, %reduce_sum3A_74 [0] : vector<128x64xf32> to vector<64xf32>
    %broadcast_in_dim3A_76 = vector.shape_cast %reduce_sum3A_75 : vector<64xf32> to vector<1x64xf32>
    %slice3A_77 = vector.extract_strided_slice %concatenate3A_49 {offsets = [512, 0], sizes = [128, 64], strides = [1, 1]} : vector<4096x64xf32> to vector<128x64xf32>
    %dot_general3A_78 = arith.constant dense<0.000000e+00> : vector<128x64xf32>
    %dot_general3A_79 = tpu.matmul %convert_element_type3A_53, %slice3A_77, %dot_general3A_78 {dimension_numbers = #tpu.dot_dimension_numbers<[1], [0], [0], [1], [0, 0, 1, 1], [], []>, transpose_lhs_hint = false} : vector<128x128xf32>, vector<128x64xf32>, vector<128x64xf32> -> vector<128x64xf32>
    %reduce_sum3A_80 = arith.constant dense<0.000000e+00> : vector<64xf32>
    %reduce_sum3A_81 = vector.multi_reduction <add>, %slice3A_77, %reduce_sum3A_80 [0] : vector<128x64xf32> to vector<64xf32>
    %broadcast_in_dim3A_82 = vector.shape_cast %reduce_sum3A_81 : vector<64xf32> to vector<1x64xf32>
    %slice3A_83 = vector.extract_strided_slice %concatenate3A_49 {offsets = [640, 0], sizes = [128, 64], strides = [1, 1]} : vector<4096x64xf32> to vector<128x64xf32>
    %dot_general3A_84 = arith.constant dense<0.000000e+00> : vector<128x64xf32>
    %dot_general3A_85 = tpu.matmul %convert_element_type3A_53, %slice3A_83, %dot_general3A_84 {dimension_numbers = #tpu.dot_dimension_numbers<[1], [0], [0], [1], [0, 0, 1, 1], [], []>, transpose_lhs_hint = false} : vector<128x128xf32>, vector<128x64xf32>, vector<128x64xf32> -> vector<128x64xf32>
    %reduce_sum3A_86 = arith.constant dense<0.000000e+00> : vector<64xf32>
    %reduce_sum3A_87 = vector.multi_reduction <add>, %slice3A_83, %reduce_sum3A_86 [0] : vector<128x64xf32> to vector<64xf32>
    %broadcast_in_dim3A_88 = vector.shape_cast %reduce_sum3A_87 : vector<64xf32> to vector<1x64xf32>
    %slice3A_89 = vector.extract_strided_slice %concatenate3A_49 {offsets = [768, 0], sizes = [128, 64], strides = [1, 1]} : vector<4096x64xf32> to vector<128x64xf32>
    %dot_general3A_90 = arith.constant dense<0.000000e+00> : vector<128x64xf32>
    %dot_general3A_91 = tpu.matmul %convert_element_type3A_53, %slice3A_89, %dot_general3A_90 {dimension_numbers = #tpu.dot_dimension_numbers<[1], [0], [0], [1], [0, 0, 1, 1], [], []>, transpose_lhs_hint = false} : vector<128x128xf32>, vector<128x64xf32>, vector<128x64xf32> -> vector<128x64xf32>
    %reduce_sum3A_92 = arith.constant dense<0.000000e+00> : vector<64xf32>
    %reduce_sum3A_93 = vector.multi_reduction <add>, %slice3A_89, %reduce_sum3A_92 [0] : vector<128x64xf32> to vector<64xf32>
    %broadcast_in_dim3A_94 = vector.shape_cast %reduce_sum3A_93 : vector<64xf32> to vector<1x64xf32>
    %slice3A_95 = vector.extract_strided_slice %concatenate3A_49 {offsets = [896, 0], sizes = [128, 64], strides = [1, 1]} : vector<4096x64xf32> to vector<128x64xf32>
    %dot_general3A_96 = arith.constant dense<0.000000e+00> : vector<128x64xf32>
    %dot_general3A_97 = tpu.matmul %convert_element_type3A_53, %slice3A_95, %dot_general3A_96 {dimension_numbers = #tpu.dot_dimension_numbers<[1], [0], [0], [1], [0, 0, 1, 1], [], []>, transpose_lhs_hint = false} : vector<128x128xf32>, vector<128x64xf32>, vector<128x64xf32> -> vector<128x64xf32>
    %reduce_sum3A_98 = arith.constant dense<0.000000e+00> : vector<64xf32>
    %reduce_sum3A_99 = vector.multi_reduction <add>, %slice3A_95, %reduce_sum3A_98 [0] : vector<128x64xf32> to vector<64xf32>
    %broadcast_in_dim3A_100 = vector.shape_cast %reduce_sum3A_99 : vector<64xf32> to vector<1x64xf32>
    %slice3A_101 = vector.extract_strided_slice %concatenate3A_49 {offsets = [1024, 0], sizes = [128, 64], strides = [1, 1]} : vector<4096x64xf32> to vector<128x64xf32>
    %dot_general3A_102 = arith.constant dense<0.000000e+00> : vector<128x64xf32>
    %dot_general3A_103 = tpu.matmul %convert_element_type3A_53, %slice3A_101, %dot_general3A_102 {dimension_numbers = #tpu.dot_dimension_numbers<[1], [0], [0], [1], [0, 0, 1, 1], [], []>, transpose_lhs_hint = false} : vector<128x128xf32>, vector<128x64xf32>, vector<128x64xf32> -> vector<128x64xf32>
    %reduce_sum3A_104 = arith.constant dense<0.000000e+00> : vector<64xf32>
    %reduce_sum3A_105 = vector.multi_reduction <add>, %slice3A_101, %reduce_sum3A_104 [0] : vector<128x64xf32> to vector<64xf32>
    %broadcast_in_dim3A_106 = vector.shape_cast %reduce_sum3A_105 : vector<64xf32> to vector<1x64xf32>
    %slice3A_107 = vector.extract_strided_slice %concatenate3A_49 {offsets = [1152, 0], sizes = [128, 64], strides = [1, 1]} : vector<4096x64xf32> to vector<128x64xf32>
    %dot_general3A_108 = arith.constant dense<0.000000e+00> : vector<128x64xf32>
    %dot_general3A_109 = tpu.matmul %convert_element_type3A_53, %slice3A_107, %dot_general3A_108 {dimension_numbers = #tpu.dot_dimension_numbers<[1], [0], [0], [1], [0, 0, 1, 1], [], []>, transpose_lhs_hint = false} : vector<128x128xf32>, vector<128x64xf32>, vector<128x64xf32> -> vector<128x64xf32>
    %reduce_sum3A_110 = arith.constant dense<0.000000e+00> : vector<64xf32>
    %reduce_sum3A_111 = vector.multi_reduction <add>, %slice3A_107, %reduce_sum3A_110 [0] : vector<128x64xf32> to vector<64xf32>
    %broadcast_in_dim3A_112 = vector.shape_cast %reduce_sum3A_111 : vector<64xf32> to vector<1x64xf32>
    %slice3A_113 = vector.extract_strided_slice %concatenate3A_49 {offsets = [1280, 0], sizes = [128, 64], strides = [1, 1]} : vector<4096x64xf32> to vector<128x64xf32>
    %dot_general3A_114 = arith.constant dense<0.000000e+00> : vector<128x64xf32>
    %dot_general3A_115 = tpu.matmul %convert_element_type3A_53, %slice3A_113, %dot_general3A_114 {dimension_numbers = #tpu.dot_dimension_numbers<[1], [0], [0], [1], [0, 0, 1, 1], [], []>, transpose_lhs_hint = false} : vector<128x128xf32>, vector<128x64xf32>, vector<128x64xf32> -> vector<128x64xf32>
    %reduce_sum3A_116 = arith.constant dense<0.000000e+00> : vector<64xf32>
    %reduce_sum3A_117 = vector.multi_reduction <add>, %slice3A_113, %reduce_sum3A_116 [0] : vector<128x64xf32> to vector<64xf32>
    %broadcast_in_dim3A_118 = vector.shape_cast %reduce_sum3A_117 : vector<64xf32> to vector<1x64xf32>
    %slice3A_119 = vector.extract_strided_slice %concatenate3A_49 {offsets = [1408, 0], sizes = [128, 64], strides = [1, 1]} : vector<4096x64xf32> to vector<128x64xf32>
    %dot_general3A_120 = arith.constant dense<0.000000e+00> : vector<128x64xf32>
    %dot_general3A_121 = tpu.matmul %convert_element_type3A_53, %slice3A_119, %dot_general3A_120 {dimension_numbers = #tpu.dot_dimension_numbers<[1], [0], [0], [1], [0, 0, 1, 1], [], []>, transpose_lhs_hint = false} : vector<128x128xf32>, vector<128x64xf32>, vector<128x64xf32> -> vector<128x64xf32>
    %reduce_sum3A_122 = arith.constant dense<0.000000e+00> : vector<64xf32>
    %reduce_sum3A_123 = vector.multi_reduction <add>, %slice3A_119, %reduce_sum3A_122 [0] : vector<128x64xf32> to vector<64xf32>
    %broadcast_in_dim3A_124 = vector.shape_cast %reduce_sum3A_123 : vector<64xf32> to vector<1x64xf32>
    %slice3A_125 = vector.extract_strided_slice %concatenate3A_49 {offsets = [1536, 0], sizes = [128, 64], strides = [1, 1]} : vector<4096x64xf32> to vector<128x64xf32>
    %dot_general3A_126 = arith.constant dense<0.000000e+00> : vector<128x64xf32>
    %dot_general3A_127 = tpu.matmul %convert_element_type3A_53, %slice3A_125, %dot_general3A_126 {dimension_numbers = #tpu.dot_dimension_numbers<[1], [0], [0], [1], [0, 0, 1, 1], [], []>, transpose_lhs_hint = false} : vector<128x128xf32>, vector<128x64xf32>, vector<128x64xf32> -> vector<128x64xf32>
    %reduce_sum3A_128 = arith.constant dense<0.000000e+00> : vector<64xf32>
    %reduce_sum3A_129 = vector.multi_reduction <add>, %slice3A_125, %reduce_sum3A_128 [0] : vector<128x64xf32> to vector<64xf32>
    %broadcast_in_dim3A_130 = vector.shape_cast %reduce_sum3A_129 : vector<64xf32> to vector<1x64xf32>
    %slice3A_131 = vector.extract_strided_slice %concatenate3A_49 {offsets = [1664, 0], sizes = [128, 64], strides = [1, 1]} : vector<4096x64xf32> to vector<128x64xf32>
    %dot_general3A_132 = arith.constant dense<0.000000e+00> : vector<128x64xf32>
    %dot_general3A_133 = tpu.matmul %convert_element_type3A_53, %slice3A_131, %dot_general3A_132 {dimension_numbers = #tpu.dot_dimension_numbers<[1], [0], [0], [1], [0, 0, 1, 1], [], []>, transpose_lhs_hint = false} : vector<128x128xf32>, vector<128x64xf32>, vector<128x64xf32> -> vector<128x64xf32>
    %reduce_sum3A_134 = arith.constant dense<0.000000e+00> : vector<64xf32>
    %reduce_sum3A_135 = vector.multi_reduction <add>, %slice3A_131, %reduce_sum3A_134 [0] : vector<128x64xf32> to vector<64xf32>
    %broadcast_in_dim3A_136 = vector.shape_cast %reduce_sum3A_135 : vector<64xf32> to vector<1x64xf32>
    %slice3A_137 = vector.extract_strided_slice %concatenate3A_49 {offsets = [1792, 0], sizes = [128, 64], strides = [1, 1]} : vector<4096x64xf32> to vector<128x64xf32>
    %dot_general3A_138 = arith.constant dense<0.000000e+00> : vector<128x64xf32>
    %dot_general3A_139 = tpu.matmul %convert_element_type3A_53, %slice3A_137, %dot_general3A_138 {dimension_numbers = #tpu.dot_dimension_numbers<[1], [0], [0], [1], [0, 0, 1, 1], [], []>, transpose_lhs_hint = false} : vector<128x128xf32>, vector<128x64xf32>, vector<128x64xf32> -> vector<128x64xf32>
    %reduce_sum3A_140 = arith.constant dense<0.000000e+00> : vector<64xf32>
    %reduce_sum3A_141 = vector.multi_reduction <add>, %slice3A_137, %reduce_sum3A_140 [0] : vector<128x64xf32> to vector<64xf32>
    %broadcast_in_dim3A_142 = vector.shape_cast %reduce_sum3A_141 : vector<64xf32> to vector<1x64xf32>
    %slice3A_143 = vector.extract_strided_slice %concatenate3A_49 {offsets = [1920, 0], sizes = [128, 64], strides = [1, 1]} : vector<4096x64xf32> to vector<128x64xf32>
    %dot_general3A_144 = arith.constant dense<0.000000e+00> : vector<128x64xf32>
    %dot_general3A_145 = tpu.matmul %convert_element_type3A_53, %slice3A_143, %dot_general3A_144 {dimension_numbers = #tpu.dot_dimension_numbers<[1], [0], [0], [1], [0, 0, 1, 1], [], []>, transpose_lhs_hint = false} : vector<128x128xf32>, vector<128x64xf32>, vector<128x64xf32> -> vector<128x64xf32>
    %reduce_sum3A_146 = arith.constant dense<0.000000e+00> : vector<64xf32>
    %reduce_sum3A_147 = vector.multi_reduction <add>, %slice3A_143, %reduce_sum3A_146 [0] : vector<128x64xf32> to vector<64xf32>
    %broadcast_in_dim3A_148 = vector.shape_cast %reduce_sum3A_147 : vector<64xf32> to vector<1x64xf32>
    %slice3A_149 = vector.extract_strided_slice %concatenate3A_49 {offsets = [2048, 0], sizes = [128, 64], strides = [1, 1]} : vector<4096x64xf32> to vector<128x64xf32>
    %dot_general3A_150 = arith.constant dense<0.000000e+00> : vector<128x64xf32>
    %dot_general3A_151 = tpu.matmul %convert_element_type3A_53, %slice3A_149, %dot_general3A_150 {dimension_numbers = #tpu.dot_dimension_numbers<[1], [0], [0], [1], [0, 0, 1, 1], [], []>, transpose_lhs_hint = false} : vector<128x128xf32>, vector<128x64xf32>, vector<128x64xf32> -> vector<128x64xf32>
    %reduce_sum3A_152 = arith.constant dense<0.000000e+00> : vector<64xf32>
    %reduce_sum3A_153 = vector.multi_reduction <add>, %slice3A_149, %reduce_sum3A_152 [0] : vector<128x64xf32> to vector<64xf32>
    %broadcast_in_dim3A_154 = vector.shape_cast %reduce_sum3A_153 : vector<64xf32> to vector<1x64xf32>
    %slice3A_155 = vector.extract_strided_slice %concatenate3A_49 {offsets = [2176, 0], sizes = [128, 64], strides = [1, 1]} : vector<4096x64xf32> to vector<128x64xf32>
    %dot_general3A_156 = arith.constant dense<0.000000e+00> : vector<128x64xf32>
    %dot_general3A_157 = tpu.matmul %convert_element_type3A_53, %slice3A_155, %dot_general3A_156 {dimension_numbers = #tpu.dot_dimension_numbers<[1], [0], [0], [1], [0, 0, 1, 1], [], []>, transpose_lhs_hint = false} : vector<128x128xf32>, vector<128x64xf32>, vector<128x64xf32> -> vector<128x64xf32>
    %reduce_sum3A_158 = arith.constant dense<0.000000e+00> : vector<64xf32>
    %reduce_sum3A_159 = vector.multi_reduction <add>, %slice3A_155, %reduce_sum3A_158 [0] : vector<128x64xf32> to vector<64xf32>
    %broadcast_in_dim3A_160 = vector.shape_cast %reduce_sum3A_159 : vector<64xf32> to vector<1x64xf32>
    %slice3A_161 = vector.extract_strided_slice %concatenate3A_49 {offsets = [2304, 0], sizes = [128, 64], strides = [1, 1]} : vector<4096x64xf32> to vector<128x64xf32>
    %dot_general3A_162 = arith.constant dense<0.000000e+00> : vector<128x64xf32>
    %dot_general3A_163 = tpu.matmul %convert_element_type3A_53, %slice3A_161, %dot_general3A_162 {dimension_numbers = #tpu.dot_dimension_numbers<[1], [0], [0], [1], [0, 0, 1, 1], [], []>, transpose_lhs_hint = false} : vector<128x128xf32>, vector<128x64xf32>, vector<128x64xf32> -> vector<128x64xf32>
    %reduce_sum3A_164 = arith.constant dense<0.000000e+00> : vector<64xf32>
    %reduce_sum3A_165 = vector.multi_reduction <add>, %slice3A_161, %reduce_sum3A_164 [0] : vector<128x64xf32> to vector<64xf32>
    %broadcast_in_dim3A_166 = vector.shape_cast %reduce_sum3A_165 : vector<64xf32> to vector<1x64xf32>
    %slice3A_167 = vector.extract_strided_slice %concatenate3A_49 {offsets = [2432, 0], sizes = [128, 64], strides = [1, 1]} : vector<4096x64xf32> to vector<128x64xf32>
    %dot_general3A_168 = arith.constant dense<0.000000e+00> : vector<128x64xf32>
    %dot_general3A_169 = tpu.matmul %convert_element_type3A_53, %slice3A_167, %dot_general3A_168 {dimension_numbers = #tpu.dot_dimension_numbers<[1], [0], [0], [1], [0, 0, 1, 1], [], []>, transpose_lhs_hint = false} : vector<128x128xf32>, vector<128x64xf32>, vector<128x64xf32> -> vector<128x64xf32>
    %reduce_sum3A_170 = arith.constant dense<0.000000e+00> : vector<64xf32>
    %reduce_sum3A_171 = vector.multi_reduction <add>, %slice3A_167, %reduce_sum3A_170 [0] : vector<128x64xf32> to vector<64xf32>
    %broadcast_in_dim3A_172 = vector.shape_cast %reduce_sum3A_171 : vector<64xf32> to vector<1x64xf32>
    %slice3A_173 = vector.extract_strided_slice %concatenate3A_49 {offsets = [2560, 0], sizes = [128, 64], strides = [1, 1]} : vector<4096x64xf32> to vector<128x64xf32>
    %dot_general3A_174 = arith.constant dense<0.000000e+00> : vector<128x64xf32>
    %dot_general3A_175 = tpu.matmul %convert_element_type3A_53, %slice3A_173, %dot_general3A_174 {dimension_numbers = #tpu.dot_dimension_numbers<[1], [0], [0], [1], [0, 0, 1, 1], [], []>, transpose_lhs_hint = false} : vector<128x128xf32>, vector<128x64xf32>, vector<128x64xf32> -> vector<128x64xf32>
    %reduce_sum3A_176 = arith.constant dense<0.000000e+00> : vector<64xf32>
    %reduce_sum3A_177 = vector.multi_reduction <add>, %slice3A_173, %reduce_sum3A_176 [0] : vector<128x64xf32> to vector<64xf32>
    %broadcast_in_dim3A_178 = vector.shape_cast %reduce_sum3A_177 : vector<64xf32> to vector<1x64xf32>
    %slice3A_179 = vector.extract_strided_slice %concatenate3A_49 {offsets = [2688, 0], sizes = [128, 64], strides = [1, 1]} : vector<4096x64xf32> to vector<128x64xf32>
    %dot_general3A_180 = arith.constant dense<0.000000e+00> : vector<128x64xf32>
    %dot_general3A_181 = tpu.matmul %convert_element_type3A_53, %slice3A_179, %dot_general3A_180 {dimension_numbers = #tpu.dot_dimension_numbers<[1], [0], [0], [1], [0, 0, 1, 1], [], []>, transpose_lhs_hint = false} : vector<128x128xf32>, vector<128x64xf32>, vector<128x64xf32> -> vector<128x64xf32>
    %reduce_sum3A_182 = arith.constant dense<0.000000e+00> : vector<64xf32>
    %reduce_sum3A_183 = vector.multi_reduction <add>, %slice3A_179, %reduce_sum3A_182 [0] : vector<128x64xf32> to vector<64xf32>
    %broadcast_in_dim3A_184 = vector.shape_cast %reduce_sum3A_183 : vector<64xf32> to vector<1x64xf32>
    %slice3A_185 = vector.extract_strided_slice %concatenate3A_49 {offsets = [2816, 0], sizes = [128, 64], strides = [1, 1]} : vector<4096x64xf32> to vector<128x64xf32>
    %dot_general3A_186 = arith.constant dense<0.000000e+00> : vector<128x64xf32>
    %dot_general3A_187 = tpu.matmul %convert_element_type3A_53, %slice3A_185, %dot_general3A_186 {dimension_numbers = #tpu.dot_dimension_numbers<[1], [0], [0], [1], [0, 0, 1, 1], [], []>, transpose_lhs_hint = false} : vector<128x128xf32>, vector<128x64xf32>, vector<128x64xf32> -> vector<128x64xf32>
    %reduce_sum3A_188 = arith.constant dense<0.000000e+00> : vector<64xf32>
    %reduce_sum3A_189 = vector.multi_reduction <add>, %slice3A_185, %reduce_sum3A_188 [0] : vector<128x64xf32> to vector<64xf32>
    %broadcast_in_dim3A_190 = vector.shape_cast %reduce_sum3A_189 : vector<64xf32> to vector<1x64xf32>
    %slice3A_191 = vector.extract_strided_slice %concatenate3A_49 {offsets = [2944, 0], sizes = [128, 64], strides = [1, 1]} : vector<4096x64xf32> to vector<128x64xf32>
    %dot_general3A_192 = arith.constant dense<0.000000e+00> : vector<128x64xf32>
    %dot_general3A_193 = tpu.matmul %convert_element_type3A_53, %slice3A_191, %dot_general3A_192 {dimension_numbers = #tpu.dot_dimension_numbers<[1], [0], [0], [1], [0, 0, 1, 1], [], []>, transpose_lhs_hint = false} : vector<128x128xf32>, vector<128x64xf32>, vector<128x64xf32> -> vector<128x64xf32>
    %reduce_sum3A_194 = arith.constant dense<0.000000e+00> : vector<64xf32>
    %reduce_sum3A_195 = vector.multi_reduction <add>, %slice3A_191, %reduce_sum3A_194 [0] : vector<128x64xf32> to vector<64xf32>
    %broadcast_in_dim3A_196 = vector.shape_cast %reduce_sum3A_195 : vector<64xf32> to vector<1x64xf32>
    %slice3A_197 = vector.extract_strided_slice %concatenate3A_49 {offsets = [3072, 0], sizes = [128, 64], strides = [1, 1]} : vector<4096x64xf32> to vector<128x64xf32>
    %dot_general3A_198 = arith.constant dense<0.000000e+00> : vector<128x64xf32>
    %dot_general3A_199 = tpu.matmul %convert_element_type3A_53, %slice3A_197, %dot_general3A_198 {dimension_numbers = #tpu.dot_dimension_numbers<[1], [0], [0], [1], [0, 0, 1, 1], [], []>, transpose_lhs_hint = false} : vector<128x128xf32>, vector<128x64xf32>, vector<128x64xf32> -> vector<128x64xf32>
    %reduce_sum3A_200 = arith.constant dense<0.000000e+00> : vector<64xf32>
    %reduce_sum3A_201 = vector.multi_reduction <add>, %slice3A_197, %reduce_sum3A_200 [0] : vector<128x64xf32> to vector<64xf32>
    %broadcast_in_dim3A_202 = vector.shape_cast %reduce_sum3A_201 : vector<64xf32> to vector<1x64xf32>
    %slice3A_203 = vector.extract_strided_slice %concatenate3A_49 {offsets = [3200, 0], sizes = [128, 64], strides = [1, 1]} : vector<4096x64xf32> to vector<128x64xf32>
    %dot_general3A_204 = arith.constant dense<0.000000e+00> : vector<128x64xf32>
    %dot_general3A_205 = tpu.matmul %convert_element_type3A_53, %slice3A_203, %dot_general3A_204 {dimension_numbers = #tpu.dot_dimension_numbers<[1], [0], [0], [1], [0, 0, 1, 1], [], []>, transpose_lhs_hint = false} : vector<128x128xf32>, vector<128x64xf32>, vector<128x64xf32> -> vector<128x64xf32>
    %reduce_sum3A_206 = arith.constant dense<0.000000e+00> : vector<64xf32>
    %reduce_sum3A_207 = vector.multi_reduction <add>, %slice3A_203, %reduce_sum3A_206 [0] : vector<128x64xf32> to vector<64xf32>
    %broadcast_in_dim3A_208 = vector.shape_cast %reduce_sum3A_207 : vector<64xf32> to vector<1x64xf32>
    %slice3A_209 = vector.extract_strided_slice %concatenate3A_49 {offsets = [3328, 0], sizes = [128, 64], strides = [1, 1]} : vector<4096x64xf32> to vector<128x64xf32>
    %dot_general3A_210 = arith.constant dense<0.000000e+00> : vector<128x64xf32>
    %dot_general3A_211 = tpu.matmul %convert_element_type3A_53, %slice3A_209, %dot_general3A_210 {dimension_numbers = #tpu.dot_dimension_numbers<[1], [0], [0], [1], [0, 0, 1, 1], [], []>, transpose_lhs_hint = false} : vector<128x128xf32>, vector<128x64xf32>, vector<128x64xf32> -> vector<128x64xf32>
    %reduce_sum3A_212 = arith.constant dense<0.000000e+00> : vector<64xf32>
    %reduce_sum3A_213 = vector.multi_reduction <add>, %slice3A_209, %reduce_sum3A_212 [0] : vector<128x64xf32> to vector<64xf32>
    %broadcast_in_dim3A_214 = vector.shape_cast %reduce_sum3A_213 : vector<64xf32> to vector<1x64xf32>
    %slice3A_215 = vector.extract_strided_slice %concatenate3A_49 {offsets = [3456, 0], sizes = [128, 64], strides = [1, 1]} : vector<4096x64xf32> to vector<128x64xf32>
    %dot_general3A_216 = arith.constant dense<0.000000e+00> : vector<128x64xf32>
    %dot_general3A_217 = tpu.matmul %convert_element_type3A_53, %slice3A_215, %dot_general3A_216 {dimension_numbers = #tpu.dot_dimension_numbers<[1], [0], [0], [1], [0, 0, 1, 1], [], []>, transpose_lhs_hint = false} : vector<128x128xf32>, vector<128x64xf32>, vector<128x64xf32> -> vector<128x64xf32>
    %reduce_sum3A_218 = arith.constant dense<0.000000e+00> : vector<64xf32>
    %reduce_sum3A_219 = vector.multi_reduction <add>, %slice3A_215, %reduce_sum3A_218 [0] : vector<128x64xf32> to vector<64xf32>
    %broadcast_in_dim3A_220 = vector.shape_cast %reduce_sum3A_219 : vector<64xf32> to vector<1x64xf32>
    %slice3A_221 = vector.extract_strided_slice %concatenate3A_49 {offsets = [3584, 0], sizes = [128, 64], strides = [1, 1]} : vector<4096x64xf32> to vector<128x64xf32>
    %dot_general3A_222 = arith.constant dense<0.000000e+00> : vector<128x64xf32>
    %dot_general3A_223 = tpu.matmul %convert_element_type3A_53, %slice3A_221, %dot_general3A_222 {dimension_numbers = #tpu.dot_dimension_numbers<[1], [0], [0], [1], [0, 0, 1, 1], [], []>, transpose_lhs_hint = false} : vector<128x128xf32>, vector<128x64xf32>, vector<128x64xf32> -> vector<128x64xf32>
    %reduce_sum3A_224 = arith.constant dense<0.000000e+00> : vector<64xf32>
    %reduce_sum3A_225 = vector.multi_reduction <add>, %slice3A_221, %reduce_sum3A_224 [0] : vector<128x64xf32> to vector<64xf32>
    %broadcast_in_dim3A_226 = vector.shape_cast %reduce_sum3A_225 : vector<64xf32> to vector<1x64xf32>
    %slice3A_227 = vector.extract_strided_slice %concatenate3A_49 {offsets = [3712, 0], sizes = [128, 64], strides = [1, 1]} : vector<4096x64xf32> to vector<128x64xf32>
    %dot_general3A_228 = arith.constant dense<0.000000e+00> : vector<128x64xf32>
    %dot_general3A_229 = tpu.matmul %convert_element_type3A_53, %slice3A_227, %dot_general3A_228 {dimension_numbers = #tpu.dot_dimension_numbers<[1], [0], [0], [1], [0, 0, 1, 1], [], []>, transpose_lhs_hint = false} : vector<128x128xf32>, vector<128x64xf32>, vector<128x64xf32> -> vector<128x64xf32>
    %reduce_sum3A_230 = arith.constant dense<0.000000e+00> : vector<64xf32>
    %reduce_sum3A_231 = vector.multi_reduction <add>, %slice3A_227, %reduce_sum3A_230 [0] : vector<128x64xf32> to vector<64xf32>
    %broadcast_in_dim3A_232 = vector.shape_cast %reduce_sum3A_231 : vector<64xf32> to vector<1x64xf32>
    %slice3A_233 = vector.extract_strided_slice %concatenate3A_49 {offsets = [3840, 0], sizes = [128, 64], strides = [1, 1]} : vector<4096x64xf32> to vector<128x64xf32>
    %dot_general3A_234 = arith.constant dense<0.000000e+00> : vector<128x64xf32>
    %dot_general3A_235 = tpu.matmul %convert_element_type3A_53, %slice3A_233, %dot_general3A_234 {dimension_numbers = #tpu.dot_dimension_numbers<[1], [0], [0], [1], [0, 0, 1, 1], [], []>, transpose_lhs_hint = false} : vector<128x128xf32>, vector<128x64xf32>, vector<128x64xf32> -> vector<128x64xf32>
    %reduce_sum3A_236 = arith.constant dense<0.000000e+00> : vector<64xf32>
    %reduce_sum3A_237 = vector.multi_reduction <add>, %slice3A_233, %reduce_sum3A_236 [0] : vector<128x64xf32> to vector<64xf32>
    %broadcast_in_dim3A_238 = vector.shape_cast %reduce_sum3A_237 : vector<64xf32> to vector<1x64xf32>
    %slice3A_239 = vector.extract_strided_slice %concatenate3A_49 {offsets = [3968, 0], sizes = [128, 64], strides = [1, 1]} : vector<4096x64xf32> to vector<128x64xf32>
    %dot_general3A_240 = arith.constant dense<0.000000e+00> : vector<128x64xf32>
    %dot_general3A_241 = tpu.matmul %convert_element_type3A_53, %slice3A_239, %dot_general3A_240 {dimension_numbers = #tpu.dot_dimension_numbers<[1], [0], [0], [1], [0, 0, 1, 1], [], []>, transpose_lhs_hint = false} : vector<128x128xf32>, vector<128x64xf32>, vector<128x64xf32> -> vector<128x64xf32>
    %reduce_sum3A_242 = arith.constant dense<0.000000e+00> : vector<64xf32>
    %reduce_sum3A_243 = vector.multi_reduction <add>, %slice3A_239, %reduce_sum3A_242 [0] : vector<128x64xf32> to vector<64xf32>
    %broadcast_in_dim3A_244 = vector.shape_cast %reduce_sum3A_243 : vector<64xf32> to vector<1x64xf32>
    %concatenate3A_245 = tpu.concatenate %broadcast_in_dim3A_58, %broadcast_in_dim3A_64, %broadcast_in_dim3A_70, %broadcast_in_dim3A_76, %broadcast_in_dim3A_82, %broadcast_in_dim3A_88, %broadcast_in_dim3A_94, %broadcast_in_dim3A_100, %broadcast_in_dim3A_106, %broadcast_in_dim3A_112, %broadcast_in_dim3A_118, %broadcast_in_dim3A_124, %broadcast_in_dim3A_130, %broadcast_in_dim3A_136, %broadcast_in_dim3A_142, %broadcast_in_dim3A_148, %broadcast_in_dim3A_154, %broadcast_in_dim3A_160, %broadcast_in_dim3A_166, %broadcast_in_dim3A_172, %broadcast_in_dim3A_178, %broadcast_in_dim3A_184, %broadcast_in_dim3A_190, %broadcast_in_dim3A_196, %broadcast_in_dim3A_202, %broadcast_in_dim3A_208, %broadcast_in_dim3A_214, %broadcast_in_dim3A_220, %broadcast_in_dim3A_226, %broadcast_in_dim3A_232, %broadcast_in_dim3A_238, %broadcast_in_dim3A_244 in 0 : vector<1x64xf32>, vector<1x64xf32>, vector<1x64xf32>, vector<1x64xf32>, vector<1x64xf32>, vector<1x64xf32>, vector<1x64xf32>, vector<1x64xf32>, vector<1x64xf32>, vector<1x64xf32>, vector<1x64xf32>, vector<1x64xf32>, vector<1x64xf32>, vector<1x64xf32>, vector<1x64xf32>, vector<1x64xf32>, vector<1x64xf32>, vector<1x64xf32>, vector<1x64xf32>, vector<1x64xf32>, vector<1x64xf32>, vector<1x64xf32>, vector<1x64xf32>, vector<1x64xf32>, vector<1x64xf32>, vector<1x64xf32>, vector<1x64xf32>, vector<1x64xf32>, vector<1x64xf32>, vector<1x64xf32>, vector<1x64xf32>, vector<1x64xf32> -> vector<32x64xf32>
    %iota3A_246 = tpu.iota {dimensions = array<i32: 0>} : vector<32x32xi32>
    %iota3A_247 = tpu.iota {dimensions = array<i32: 1>} : vector<32x32xi32>
    %lt3A_248 = arith.cmpi slt, %iota3A_247, %iota3A_246 : vector<32x32xi32>
    %convert_element_type3A_249 = arith.extui %lt3A_248 : vector<32x32xi1> to vector<32x32xi32>
    %convert_element_type3A_250 = arith.sitofp %convert_element_type3A_249 : vector<32x32xi32> to vector<32x32xf32>
    %dot_general3A_251 = arith.constant dense<0.000000e+00> : vector<32x64xf32>
    %dot_general3A_252 = tpu.matmul %convert_element_type3A_250, %concatenate3A_245, %dot_general3A_251 {dimension_numbers = #tpu.dot_dimension_numbers<[1], [0], [0], [1], [0, 0, 1, 1], [], []>, transpose_lhs_hint = false} : vector<32x32xf32>, vector<32x64xf32>, vector<32x64xf32> -> vector<32x64xf32>
    %slice3A_253 = vector.extract_strided_slice %dot_general3A_252 {offsets = [0, 0], sizes = [1, 64], strides = [1, 1]} : vector<32x64xf32> to vector<1x64xf32>
    %add3A_254 = vector.broadcast %slice3A_253 : vector<1x64xf32> to vector<128x64xf32>
    %add3A_255 = arith.addf %dot_general3A_55, %add3A_254 : vector<128x64xf32>
    %slice3A_256 = vector.extract_strided_slice %dot_general3A_252 {offsets = [1, 0], sizes = [1, 64], strides = [1, 1]} : vector<32x64xf32> to vector<1x64xf32>
    %add3A_257 = vector.broadcast %slice3A_256 : vector<1x64xf32> to vector<128x64xf32>
    %add3A_258 = arith.addf %dot_general3A_61, %add3A_257 : vector<128x64xf32>
    %slice3A_259 = vector.extract_strided_slice %dot_general3A_252 {offsets = [2, 0], sizes = [1, 64], strides = [1, 1]} : vector<32x64xf32> to vector<1x64xf32>
    %add3A_260 = vector.broadcast %slice3A_259 : vector<1x64xf32> to vector<128x64xf32>
    %add3A_261 = arith.addf %dot_general3A_67, %add3A_260 : vector<128x64xf32>
    %slice3A_262 = vector.extract_strided_slice %dot_general3A_252 {offsets = [3, 0], sizes = [1, 64], strides = [1, 1]} : vector<32x64xf32> to vector<1x64xf32>
    %add3A_263 = vector.broadcast %slice3A_262 : vector<1x64xf32> to vector<128x64xf32>
    %add3A_264 = arith.addf %dot_general3A_73, %add3A_263 : vector<128x64xf32>
    %slice3A_265 = vector.extract_strided_slice %dot_general3A_252 {offsets = [4, 0], sizes = [1, 64], strides = [1, 1]} : vector<32x64xf32> to vector<1x64xf32>
    %add3A_266 = vector.broadcast %slice3A_265 : vector<1x64xf32> to vector<128x64xf32>
    %add3A_267 = arith.addf %dot_general3A_79, %add3A_266 : vector<128x64xf32>
    %slice3A_268 = vector.extract_strided_slice %dot_general3A_252 {offsets = [5, 0], sizes = [1, 64], strides = [1, 1]} : vector<32x64xf32> to vector<1x64xf32>
    %add3A_269 = vector.broadcast %slice3A_268 : vector<1x64xf32> to vector<128x64xf32>
    %add3A_270 = arith.addf %dot_general3A_85, %add3A_269 : vector<128x64xf32>
    %slice3A_271 = vector.extract_strided_slice %dot_general3A_252 {offsets = [6, 0], sizes = [1, 64], strides = [1, 1]} : vector<32x64xf32> to vector<1x64xf32>
    %add3A_272 = vector.broadcast %slice3A_271 : vector<1x64xf32> to vector<128x64xf32>
    %add3A_273 = arith.addf %dot_general3A_91, %add3A_272 : vector<128x64xf32>
    %slice3A_274 = vector.extract_strided_slice %dot_general3A_252 {offsets = [7, 0], sizes = [1, 64], strides = [1, 1]} : vector<32x64xf32> to vector<1x64xf32>
    %add3A_275 = vector.broadcast %slice3A_274 : vector<1x64xf32> to vector<128x64xf32>
    %add3A_276 = arith.addf %dot_general3A_97, %add3A_275 : vector<128x64xf32>
    %slice3A_277 = vector.extract_strided_slice %dot_general3A_252 {offsets = [8, 0], sizes = [1, 64], strides = [1, 1]} : vector<32x64xf32> to vector<1x64xf32>
    %add3A_278 = vector.broadcast %slice3A_277 : vector<1x64xf32> to vector<128x64xf32>
    %add3A_279 = arith.addf %dot_general3A_103, %add3A_278 : vector<128x64xf32>
    %slice3A_280 = vector.extract_strided_slice %dot_general3A_252 {offsets = [9, 0], sizes = [1, 64], strides = [1, 1]} : vector<32x64xf32> to vector<1x64xf32>
    %add3A_281 = vector.broadcast %slice3A_280 : vector<1x64xf32> to vector<128x64xf32>
    %add3A_282 = arith.addf %dot_general3A_109, %add3A_281 : vector<128x64xf32>
    %slice3A_283 = vector.extract_strided_slice %dot_general3A_252 {offsets = [10, 0], sizes = [1, 64], strides = [1, 1]} : vector<32x64xf32> to vector<1x64xf32>
    %add3A_284 = vector.broadcast %slice3A_283 : vector<1x64xf32> to vector<128x64xf32>
    %add3A_285 = arith.addf %dot_general3A_115, %add3A_284 : vector<128x64xf32>
    %slice3A_286 = vector.extract_strided_slice %dot_general3A_252 {offsets = [11, 0], sizes = [1, 64], strides = [1, 1]} : vector<32x64xf32> to vector<1x64xf32>
    %add3A_287 = vector.broadcast %slice3A_286 : vector<1x64xf32> to vector<128x64xf32>
    %add3A_288 = arith.addf %dot_general3A_121, %add3A_287 : vector<128x64xf32>
    %slice3A_289 = vector.extract_strided_slice %dot_general3A_252 {offsets = [12, 0], sizes = [1, 64], strides = [1, 1]} : vector<32x64xf32> to vector<1x64xf32>
    %add3A_290 = vector.broadcast %slice3A_289 : vector<1x64xf32> to vector<128x64xf32>
    %add3A_291 = arith.addf %dot_general3A_127, %add3A_290 : vector<128x64xf32>
    %slice3A_292 = vector.extract_strided_slice %dot_general3A_252 {offsets = [13, 0], sizes = [1, 64], strides = [1, 1]} : vector<32x64xf32> to vector<1x64xf32>
    %add3A_293 = vector.broadcast %slice3A_292 : vector<1x64xf32> to vector<128x64xf32>
    %add3A_294 = arith.addf %dot_general3A_133, %add3A_293 : vector<128x64xf32>
    %slice3A_295 = vector.extract_strided_slice %dot_general3A_252 {offsets = [14, 0], sizes = [1, 64], strides = [1, 1]} : vector<32x64xf32> to vector<1x64xf32>
    %add3A_296 = vector.broadcast %slice3A_295 : vector<1x64xf32> to vector<128x64xf32>
    %add3A_297 = arith.addf %dot_general3A_139, %add3A_296 : vector<128x64xf32>
    %slice3A_298 = vector.extract_strided_slice %dot_general3A_252 {offsets = [15, 0], sizes = [1, 64], strides = [1, 1]} : vector<32x64xf32> to vector<1x64xf32>
    %add3A_299 = vector.broadcast %slice3A_298 : vector<1x64xf32> to vector<128x64xf32>
    %add3A_300 = arith.addf %dot_general3A_145, %add3A_299 : vector<128x64xf32>
    %slice3A_301 = vector.extract_strided_slice %dot_general3A_252 {offsets = [16, 0], sizes = [1, 64], strides = [1, 1]} : vector<32x64xf32> to vector<1x64xf32>
    %add3A_302 = vector.broadcast %slice3A_301 : vector<1x64xf32> to vector<128x64xf32>
    %add3A_303 = arith.addf %dot_general3A_151, %add3A_302 : vector<128x64xf32>
    %slice3A_304 = vector.extract_strided_slice %dot_general3A_252 {offsets = [17, 0], sizes = [1, 64], strides = [1, 1]} : vector<32x64xf32> to vector<1x64xf32>
    %add3A_305 = vector.broadcast %slice3A_304 : vector<1x64xf32> to vector<128x64xf32>
    %add3A_306 = arith.addf %dot_general3A_157, %add3A_305 : vector<128x64xf32>
    %slice3A_307 = vector.extract_strided_slice %dot_general3A_252 {offsets = [18, 0], sizes = [1, 64], strides = [1, 1]} : vector<32x64xf32> to vector<1x64xf32>
    %add3A_308 = vector.broadcast %slice3A_307 : vector<1x64xf32> to vector<128x64xf32>
    %add3A_309 = arith.addf %dot_general3A_163, %add3A_308 : vector<128x64xf32>
    %slice3A_310 = vector.extract_strided_slice %dot_general3A_252 {offsets = [19, 0], sizes = [1, 64], strides = [1, 1]} : vector<32x64xf32> to vector<1x64xf32>
    %add3A_311 = vector.broadcast %slice3A_310 : vector<1x64xf32> to vector<128x64xf32>
    %add3A_312 = arith.addf %dot_general3A_169, %add3A_311 : vector<128x64xf32>
    %slice3A_313 = vector.extract_strided_slice %dot_general3A_252 {offsets = [20, 0], sizes = [1, 64], strides = [1, 1]} : vector<32x64xf32> to vector<1x64xf32>
    %add3A_314 = vector.broadcast %slice3A_313 : vector<1x64xf32> to vector<128x64xf32>
    %add3A_315 = arith.addf %dot_general3A_175, %add3A_314 : vector<128x64xf32>
    %slice3A_316 = vector.extract_strided_slice %dot_general3A_252 {offsets = [21, 0], sizes = [1, 64], strides = [1, 1]} : vector<32x64xf32> to vector<1x64xf32>
    %add3A_317 = vector.broadcast %slice3A_316 : vector<1x64xf32> to vector<128x64xf32>
    %add3A_318 = arith.addf %dot_general3A_181, %add3A_317 : vector<128x64xf32>
    %slice3A_319 = vector.extract_strided_slice %dot_general3A_252 {offsets = [22, 0], sizes = [1, 64], strides = [1, 1]} : vector<32x64xf32> to vector<1x64xf32>
    %add3A_320 = vector.broadcast %slice3A_319 : vector<1x64xf32> to vector<128x64xf32>
    %add3A_321 = arith.addf %dot_general3A_187, %add3A_320 : vector<128x64xf32>
    %slice3A_322 = vector.extract_strided_slice %dot_general3A_252 {offsets = [23, 0], sizes = [1, 64], strides = [1, 1]} : vector<32x64xf32> to vector<1x64xf32>
    %add3A_323 = vector.broadcast %slice3A_322 : vector<1x64xf32> to vector<128x64xf32>
    %add3A_324 = arith.addf %dot_general3A_193, %add3A_323 : vector<128x64xf32>
    %slice3A_325 = vector.extract_strided_slice %dot_general3A_252 {offsets = [24, 0], sizes = [1, 64], strides = [1, 1]} : vector<32x64xf32> to vector<1x64xf32>
    %add3A_326 = vector.broadcast %slice3A_325 : vector<1x64xf32> to vector<128x64xf32>
    %add3A_327 = arith.addf %dot_general3A_199, %add3A_326 : vector<128x64xf32>
    %slice3A_328 = vector.extract_strided_slice %dot_general3A_252 {offsets = [25, 0], sizes = [1, 64], strides = [1, 1]} : vector<32x64xf32> to vector<1x64xf32>
    %add3A_329 = vector.broadcast %slice3A_328 : vector<1x64xf32> to vector<128x64xf32>
    %add3A_330 = arith.addf %dot_general3A_205, %add3A_329 : vector<128x64xf32>
    %slice3A_331 = vector.extract_strided_slice %dot_general3A_252 {offsets = [26, 0], sizes = [1, 64], strides = [1, 1]} : vector<32x64xf32> to vector<1x64xf32>
    %add3A_332 = vector.broadcast %slice3A_331 : vector<1x64xf32> to vector<128x64xf32>
    %add3A_333 = arith.addf %dot_general3A_211, %add3A_332 : vector<128x64xf32>
    %slice3A_334 = vector.extract_strided_slice %dot_general3A_252 {offsets = [27, 0], sizes = [1, 64], strides = [1, 1]} : vector<32x64xf32> to vector<1x64xf32>
    %add3A_335 = vector.broadcast %slice3A_334 : vector<1x64xf32> to vector<128x64xf32>
    %add3A_336 = arith.addf %dot_general3A_217, %add3A_335 : vector<128x64xf32>
    %slice3A_337 = vector.extract_strided_slice %dot_general3A_252 {offsets = [28, 0], sizes = [1, 64], strides = [1, 1]} : vector<32x64xf32> to vector<1x64xf32>
    %add3A_338 = vector.broadcast %slice3A_337 : vector<1x64xf32> to vector<128x64xf32>
    %add3A_339 = arith.addf %dot_general3A_223, %add3A_338 : vector<128x64xf32>
    %slice3A_340 = vector.extract_strided_slice %dot_general3A_252 {offsets = [29, 0], sizes = [1, 64], strides = [1, 1]} : vector<32x64xf32> to vector<1x64xf32>
    %add3A_341 = vector.broadcast %slice3A_340 : vector<1x64xf32> to vector<128x64xf32>
    %add3A_342 = arith.addf %dot_general3A_229, %add3A_341 : vector<128x64xf32>
    %slice3A_343 = vector.extract_strided_slice %dot_general3A_252 {offsets = [30, 0], sizes = [1, 64], strides = [1, 1]} : vector<32x64xf32> to vector<1x64xf32>
    %add3A_344 = vector.broadcast %slice3A_343 : vector<1x64xf32> to vector<128x64xf32>
    %add3A_345 = arith.addf %dot_general3A_235, %add3A_344 : vector<128x64xf32>
    %slice3A_346 = vector.extract_strided_slice %dot_general3A_252 {offsets = [31, 0], sizes = [1, 64], strides = [1, 1]} : vector<32x64xf32> to vector<1x64xf32>
    %add3A_347 = vector.broadcast %slice3A_346 : vector<1x64xf32> to vector<128x64xf32>
    %add3A_348 = arith.addf %dot_general3A_241, %add3A_347 : vector<128x64xf32>
    %concatenate3A_349 = tpu.concatenate %add3A_255, %add3A_258, %add3A_261, %add3A_264, %add3A_267, %add3A_270, %add3A_273, %add3A_276, %add3A_279, %add3A_282, %add3A_285, %add3A_288, %add3A_291, %add3A_294, %add3A_297, %add3A_300, %add3A_303, %add3A_306, %add3A_309, %add3A_312, %add3A_315, %add3A_318, %add3A_321, %add3A_324, %add3A_327, %add3A_330, %add3A_333, %add3A_336, %add3A_339, %add3A_342, %add3A_345, %add3A_348 in 0 : vector<128x64xf32>, vector<128x64xf32>, vector<128x64xf32>, vector<128x64xf32>, vector<128x64xf32>, vector<128x64xf32>, vector<128x64xf32>, vector<128x64xf32>, vector<128x64xf32>, vector<128x64xf32>, vector<128x64xf32>, vector<128x64xf32>, vector<128x64xf32>, vector<128x64xf32>, vector<128x64xf32>, vector<128x64xf32>, vector<128x64xf32>, vector<128x64xf32>, vector<128x64xf32>, vector<128x64xf32>, vector<128x64xf32>, vector<128x64xf32>, vector<128x64xf32>, vector<128x64xf32>, vector<128x64xf32>, vector<128x64xf32>, vector<128x64xf32>, vector<128x64xf32>, vector<128x64xf32>, vector<128x64xf32>, vector<128x64xf32>, vector<128x64xf32> -> vector<4096x64xf32>
    %reduce_sum3A_350 = arith.constant dense<0.000000e+00> : vector<64xf32>
    %reduce_sum3A_351 = vector.multi_reduction <add>, %concatenate3A_245, %reduce_sum3A_350 [0] : vector<32x64xf32> to vector<64xf32>
    %broadcast_in_dim3A_352 = vector.shape_cast %reduce_sum3A_351 : vector<64xf32> to vector<1x64xf32>
    %div3A_353 = arith.constant 1.120000e+02 : f32
    %div3A_354 = vector.broadcast %div3A_353 : f32 to vector<1x64xf32>
    %div3A_355 = arith.divf %broadcast_in_dim3A_352, %div3A_354 : vector<1x64xf32>
    %ceil3A = math.ceil %div3A_355 : vector<1x64xf32>
    %mul3A = arith.constant 1.120000e+02 : f32
    %mul3A_356 = vector.broadcast %mul3A : f32 to vector<1x64xf32>
    %mul3A_357 = arith.mulf %ceil3A, %mul3A_356 : vector<1x64xf32>
    %iota3A_358 = tpu.iota {dimensions = array<i32: 0>} : vector<64x64xi32>
    %iota3A_359 = tpu.iota {dimensions = array<i32: 1>} : vector<64x64xi32>
    %lt3A_360 = arith.cmpi slt, %iota3A_359, %iota3A_358 : vector<64x64xi32>
    %convert_element_type3A_361 = arith.extui %lt3A_360 : vector<64x64xi1> to vector<64x64xi32>
    %convert_element_type3A_362 = arith.sitofp %convert_element_type3A_361 : vector<64x64xi32> to vector<64x64xf32>
    %reshape3A = vector.shape_cast %mul3A_357 : vector<1x64xf32> to vector<64x1xf32>
    %dot_general3A_363 = arith.constant dense<0.000000e+00> : vector<64x1xf32>
    %dot_general3A_364 = tpu.matmul %convert_element_type3A_362, %reshape3A, %dot_general3A_363 {dimension_numbers = #tpu.dot_dimension_numbers<[1], [0], [0], [1], [0, 0, 1, 1], [], []>, transpose_lhs_hint = false} : vector<64x64xf32>, vector<64x1xf32>, vector<64x1xf32> -> vector<64x1xf32>
    %reshape3A_365 = vector.shape_cast %dot_general3A_364 : vector<64x1xf32> to vector<1x64xf32>
    %add3A_366 = vector.broadcast %reshape3A_365 : vector<1x64xf32> to vector<4096x64xf32>
    %add3A_367 = arith.addf %concatenate3A_349, %add3A_366 : vector<4096x64xf32>
    %mul3A_368 = arith.mulf %concatenate3A_49, %add3A_367 : vector<4096x64xf32>
    %reduce_sum3A_369 = arith.constant dense<0.000000e+00> : vector<4096xf32>
    %reduce_sum3A_370 = vector.multi_reduction <add>, %mul3A_368, %reduce_sum3A_369 [1] : vector<4096x64xf32> to vector<4096xf32>
    %slice3A_371 = vector.extract_strided_slice %reduce_sum3A_370 {offsets = [0], sizes = [2048], strides = [1]} : vector<4096xf32> to vector<2048xf32>
    %convert_element_type3A_372 = arith.fptosi %slice3A_371 : vector<2048xf32> to vector<2048xi32>
    %swap3A_373 = arith.constant 0 : index
    %swap3A_374 = vector.load %arg4[%swap3A_373] : memref<2048xi32, #tpu.memory_space<vmem>>, vector<2048xi32>
    tpu.vector_store %arg4[%swap3A_373], %convert_element_type3A_372 {strides = array<i32>} : memref<2048xi32, #tpu.memory_space<vmem>>, vector<2048xi32>,
    %slice3A_375 = vector.extract_strided_slice %reduce_sum3A_370 {offsets = [2048], sizes = [2048], strides = [1]} : vector<4096xf32> to vector<2048xf32>
    %convert_element_type3A_376 = arith.fptosi %slice3A_375 : vector<2048xf32> to vector<2048xi32>
    %swap3A_377 = arith.constant 0 : index
    %swap3A_378 = vector.load %arg5[%swap3A_377] : memref<2048xi32, #tpu.memory_space<vmem>>, vector<2048xi32>
    tpu.vector_store %arg5[%swap3A_377], %convert_element_type3A_376 {strides = array<i32>} : memref<2048xi32, #tpu.memory_space<vmem>>, vector<2048xi32>,
    %reshape3A_379 = vector.shape_cast %dot_general3A_364 : vector<64x1xf32> to vector<1x64xf32>
    %div3A_380 = arith.constant 1.120000e+02 : f32
    %div3A_381 = vector.broadcast %div3A_380 : f32 to vector<1x64xf32>
    %div3A_382 = arith.divf %reshape3A_379, %div3A_381 : vector<1x64xf32>
    %iota3A_383 = tpu.iota {dimensions = array<i32: 0>} : vector<101x64xi32>
    %convert_element_type3A_384 = arith.sitofp %iota3A_383 : vector<101x64xi32> to vector<101x64xf32>
    %le3A = vector.broadcast %div3A_382 : vector<1x64xf32> to vector<101x64xf32>
    %le3A_385 = arith.cmpf ole, %le3A, %convert_element_type3A_384 : vector<101x64xf32>
    %convert_element_type3A_386 = arith.extui %le3A_385 : vector<101x64xi1> to vector<101x64xi32>
    %convert_element_type3A_387 = arith.sitofp %convert_element_type3A_386 : vector<101x64xi32> to vector<101x64xf32>
    %reduce_sum3A_388 = arith.constant dense<0.000000e+00> : vector<101xf32>
    %reduce_sum3A_389 = vector.multi_reduction <add>, %convert_element_type3A_387, %reduce_sum3A_388 [1] : vector<101x64xf32> to vector<101xf32>
    %broadcast_in_dim3A_390 = vector.shape_cast %reduce_sum3A_389 : vector<101xf32> to vector<101x1xf32>
    %sub3A_391 = arith.constant 1.000000e+00 : f32
    %sub3A_392 = vector.broadcast %sub3A_391 : f32 to vector<101x1xf32>
    %sub3A_393 = arith.subf %broadcast_in_dim3A_390, %sub3A_392 : vector<101x1xf32>
    %jit3A_394 = arith.constant 0 : i32
    %jit3A_395 = arith.constant 63 : i32
    %convert_element_type3A_396 = arith.sitofp %jit3A_394 : i32 to f32
    %max3A = vector.broadcast %convert_element_type3A_396 : f32 to vector<101x1xf32>
    %max3A_397 = arith.maximumf %max3A, %sub3A_393 : vector<101x1xf32>
    %convert_element_type3A_398 = arith.sitofp %jit3A_395 : i32 to f32
    %min3A = vector.broadcast %convert_element_type3A_398 : f32 to vector<101x1xf32>
    %min3A_399 = arith.minimumf %min3A, %max3A_397 : vector<101x1xf32>
    %reduce_sum3A_400 = vector.shape_cast %mul3A_357 : vector<1x64xf32> to vector<1x1x64xf32>
    %reduce_sum3A_401 = arith.constant dense<0.000000e+00> : vector<1xf32>
    %reduce_sum3A_402 = vector.multi_reduction <add>, %reduce_sum3A_400, %reduce_sum3A_401 [1, 2] : vector<1x1x64xf32> to vector<1xf32>
    %reduce_sum3A_403 = vector.shape_cast %reduce_sum3A_402 : vector<1xf32> to vector<1x1x1xf32>
    %reduce_sum3A_404 = vector.extract %reduce_sum3A_403[0, 0, 0] : f32 from vector<1x1x1xf32>
    %div3A_405 = arith.constant 1.120000e+02 : f32
    %div3A_406 = arith.divf %reduce_sum3A_404, %div3A_405 : f32
    %slice3A_407 = vector.extract_strided_slice %convert_element_type3A_384 {offsets = [0, 0], sizes = [101, 1], strides = [1, 1]} : vector<101x64xf32> to vector<101x1xf32>
    %eq3A_408 = arith.constant 1.000000e+02 : f32
    %eq3A_409 = vector.broadcast %eq3A_408 : f32 to vector<101x1xf32>
    %eq3A_410 = arith.cmpf oeq, %slice3A_407, %eq3A_409 : vector<101x1xf32>
    %broadcast_in_dim3A_411 = vector.broadcast %div3A_406 : f32 to vector<101x1xf32>
    %select_n3A_412 = arith.select %eq3A_410, %broadcast_in_dim3A_411, %min3A_399 : vector<101x1xi1>, vector<101x1xf32>
    %convert_element_type3A_413 = arith.fptosi %select_n3A_412 : vector<101x1xf32> to vector<101x1xi32>
    %reshape3A_414 = vector.shape_cast %convert_element_type3A_413 : vector<101x1xi32> to vector<1x101xi32>
    %swap3A_415 = arith.constant 0 : index
    %swap3A_416 = arith.constant 0 : index
    %swap3A_417 = vector.load %arg6[%swap3A_415, %swap3A_416] : memref<1x101xi32, #tpu.memory_space<vmem>>, vector<1x101xi32>
    tpu.vector_store %arg6[%swap3A_415, %swap3A_416], %reshape3A_414 {strides = array<i32>} : memref<1x101xi32, #tpu.memory_space<vmem>>, vector<1x101xi32>,
    return
  }
}

</mosaic_0001>

<sc_bundles>
// kernel: kernel.6.cloned.1.call-start
scs
__scs_entry_jumppad:
0x0: {  	(pc) =	sbr.rel $0x88, $3  }
0x1: {  	(tag) =	ssettag $0x0;
	lr =	simm.s32 $0x1  }
0x2: {  	[smem:$0x3F9C] =	sst lr;
	_ =	strace $0xD0000000  }
0x3: {  	_ = 	snop  }
0x4: {  	_ = 	snop  }
0x5: {  	_ = 	snop  }
0x6: {  	_ = 	snop  }
0x7: {  	_ = 	snop  }
__scs_overlays_trampoline_lowered:
0x8: {  	[smem:$0x3FAB] =	sst s0  }
0x9: {  	[smem:$0x3FAC] =	sst s1  }
0xa: {  	[smem:$0x3FAD] =	sst s2  }
0xb: {  	[smem:$0x3FAE] =	sst s3  }
0xc: {  	[smem:$0x3FAF] =	sst s4  }
0xd: {  	[smem:$0x3FB0] =	sst s5  }
0xe: {  	[smem:$0x3FB1] =	sst s6  }
0xf: {  	[smem:$0x3FB2] =	sst s7  }
0x10: {  	[smem:$0x3FB3] =	sst s8  }
0x11: {  	[smem:$0x3FB4] =	sst s9;
	s0 =	simm.s32 @!p0 $0x0  }
0x12: {  	s1 =	sld [smem:$0x3F9A];
	s0 =	simm.s32 @p0 $0x1  }
0x13: {  	[smem:$0x3FB5] =	sst s0;
	s0 =	simm.s32 @!p1 $0x0  }
0x14: {  	s2 =	sld [smem:$0x3F99];
	s0 =	simm.s32 @p1 $0x1  }
0x15: {  	[smem:$0x3FB6] =	sst s0;
	s0 =	simm.s32 @!p2 $0x0  }
0x16: {  	s3 =	sld [smem:$0x3FDB];
	s0 =	simm.s32 @p2 $0x1  }
0x17: {  	s4 =	simm.s32 $0x1BF5;
	[smem:$0x3FB8] =	sst s0  }
0x18: {  	s0 =	sld [smem:$0x3F9B];
	_ =	swait.ge [sflag:s4], $0x0  }
0x19: {  	s7 =	sld [smem:$0x3F9C]  }
0x1a: {  	s8 =	sadd.s32 $0xFFFFE003, lr  }
0x1b: {  	s9 =	sadd.s32 $0xFFFFFEF7, lr;
	s5 =	simm.s32 $0xFFFFFFFF;
	p2 =	slt.u32 s8, $0xFFFFF086  }
0x1c: {  	p1 =	slt.u32 s9, $0xF7A;
	s5 =	simm.s32 @!p2 $0x0  }
0x1d: {  	s5 =	simm.s32 @p1 $0x1;
	p0 =	seq.s32 s7, s2  }
0x1e: {  	s7 =	smul.u32 @!p0 $0xF7A, s2;
	p2 =	seq.s32 @!p0 s5, $0x0  }
0x1f: {  	s9 =	smul.u32 $0xF7A, s1;
	s8 =	simm.s32 @!p0 $0x1BF5;
	p2 =	por !p2, p0  }
0x20: {  	[sflag:s8] =	ssyncset.s32 @!p0 $0xFFFFF086;
	s6 =	sadd.s32 @!p0 s3, s7;
	s7 =	simm.s32 @!p0 $0x108  }
0x21: {  	s3 =	sadd.s32 s3, s9;
	s6 =	sadd.s32 @!p0 $0x88, s6;
	s7 =	simm.s32 @p2 $0x1082  }
0x22: {  	[simem:s7], [sflag:s8] =	dma.local @!p0 [hbm:s6], $0xF7A  }
0x23: {  	s9 =	sor.u32 $0xD0000000, s2;
	s6 =	simm.s32 $0x108;
	_ =	swait.ge @!p0 [sflag:s8], $0x0  }
0x24: {  	s3 =	sadd.s32 $0x88, s3;
	s6 =	simm.s32 @!p1 $0x1082;
	[sflag:s4] =	ssyncset.s32 $0xFFFFF086  }
0x25: {  	[simem:s6], [sflag:s4] =	dma.local [hbm:s3], $0xF7A  }
0x26: {  	[smem:$0x3F9C] =	sst s1;
	(tag) =	ssettag s2;
	_ =	strace s9  }
0x27: {  	s1 =	sld [smem:$0x3FAC]  }
0x28: {  	s2 =	sld [smem:$0x3FAD]  }
0x29: {  	s4 =	sld [smem:$0x3FAF]  }
0x2a: {  	p0 =	seq.s32 s5, $0x0;
	s5 =	sld [smem:$0x3FB0]  }
0x2b: {  	s6 =	sld [smem:$0x3FB1]  }
0x2c: {  	s7 =	sld [smem:$0x3FB2]  }
0x2d: {  	s3 =	simm.s32 $0x108;
	s8 =	sld [smem:$0x3FB3]  }
0x2e: {  	s3 =	simm.s32 @!p0 $0x1082;
	s9 =	sld [smem:$0x3FB4]  }
0x2f: {  	lr =	sadd.s32 s0, s3;
	s0 =	sld [smem:$0x3FAB]  }
0x30: {  	s3 =	sld [smem:$0x3FAE]  }
0x31: {  	[smem:$0x3FB7] =	sst s10  }
0x32: {  	s10 =	sld [smem:$0x3FB5];
	_ =	sdelay $0x3  }
0x33: {  	p0 =	seq.s32 s10, $0x1;
	s10 =	sld [smem:$0x3FB7];
	_ =	sdelay $0x3  }
0x34: {  	[smem:$0x3FB7] =	sst s10  }
0x35: {  	s10 =	sld [smem:$0x3FB6];
	_ =	sdelay $0x3  }
0x36: {  	p1 =	seq.s32 s10, $0x1;
	s10 =	sld [smem:$0x3FB7];
	_ =	sdelay $0x3  }
0x37: {  	[smem:$0x3FB7] =	sst s10  }
0x38: {  	s10 =	sld [smem:$0x3FB8]  }
0x39: {  	_ = 	snop;
	(pc) =	sbr.ind lr, $3  }
0x3a: {  	_ = 	snop  }
0x3b: {  	_ = 	snop  }
0x3c: {  	p2 =	seq.s32 s10, $0x1;
	s10 =	sld [smem:$0x3FB7]  }
0x3d: {  	_ =	shalt  }
0x3e: {  	_ =	shalt  }
0x3f: {  	_ =	shalt  }
0x40: {  	_ =	shalt  }
0x41: {  	_ =	shalt  }
0x42: {  	_ =	shalt  }
0x43: {  	_ =	shalt  }
0x44: {  	_ =	shalt  }
0x45: {  	_ =	shalt  }
0x46: {  	_ =	shalt  }
0x47: {  	_ =	shalt  }
0x48: {  	_ =	shalt  }
0x49: {  	_ =	shalt  }
0x4a: {  	_ =	shalt  }
0x4b: {  	_ =	shalt  }
0x4c: {  	_ =	shalt  }
0x4d: {  	_ =	shalt  }
0x4e: {  	_ =	shalt  }
0x4f: {  	_ =	shalt  }
0x50: {  	_ =	shalt  }
0x51: {  	_ =	shalt  }
0x52: {  	_ =	shalt  }
0x53: {  	_ =	shalt  }
0x54: {  	_ =	shalt  }
0x55: {  	_ =	shalt  }
0x56: {  	_ =	shalt  }
0x57: {  	_ =	shalt  }
0x58: {  	_ =	shalt  }
0x59: {  	_ =	shalt  }
0x5a: {  	_ =	shalt  }
0x5b: {  	_ =	shalt  }
0x5c: {  	_ =	shalt  }
0x5d: {  	_ =	shalt  }
0x5e: {  	_ =	shalt  }
0x5f: {  	_ =	shalt  }
0x60: {  	_ =	shalt  }
0x61: {  	_ =	shalt  }
0x62: {  	_ =	shalt  }
0x63: {  	_ =	shalt  }
0x64: {  	_ =	shalt  }
0x65: {  	_ =	shalt  }
0x66: {  	_ =	shalt  }
0x67: {  	_ =	shalt  }
0x68: {  	_ =	shalt  }
0x69: {  	_ =	shalt  }
0x6a: {  	_ =	shalt  }
0x6b: {  	_ =	shalt  }
0x6c: {  	_ =	shalt  }
0x6d: {  	_ =	shalt  }
0x6e: {  	_ =	shalt  }
0x6f: {  	_ =	shalt  }
0x70: {  	_ =	shalt  }
0x71: {  	_ =	shalt  }
0x72: {  	_ =	shalt  }
0x73: {  	_ =	shalt  }
0x74: {  	_ =	shalt  }
0x75: {  	_ =	shalt  }
0x76: {  	_ =	shalt  }
0x77: {  	_ =	shalt  }
0x78: {  	_ =	shalt  }
0x79: {  	_ =	shalt  }
0x7a: {  	_ =	shalt  }
0x7b: {  	_ =	shalt  }
0x7c: {  	_ =	shalt  }
0x7d: {  	_ =	shalt  }
0x7e: {  	_ =	shalt  }
0x7f: {  	_ =	shalt  }
0x80: {  	_ =	shalt  }
0x81: {  	_ =	shalt  }
0x82: {  	_ =	shalt  }
0x83: {  	_ =	shalt  }
0x84: {  	_ =	shalt  }
0x85: {  	_ =	shalt  }
0x86: {  	_ =	shalt  }
0x87: {  	_ =	shalt  }
.Lfunc_end0:
.L_simem_size_0:
called_computation_lowered:
.L_overlay_start_0:
0x88: {  	s2 =	sld [smem:$0x3FD9]  }
0x89: {  	s3 =	sld [smem:$0x3FFE];
	_ =	sdelay $0x1  }
0x8a: {  	s1 =	srdreg.scid  }
0x8b: {  	s0 =	sand.u32 $0x1, s1  }
0x8c: {  	s17 =	sshll.u32 s0, $0xA;
	s2 =	sadd.s32 s3, s2  }
0x8d: {  	s2 =	sadd.s32 s2, s17  }
0x8e: {  	[smem:$0x3FC3] =	sst s2  }
0x8f: {  	_ = 	snop  }
0x90: {  	s2 =	sld [smem:$0x3FC9];
	(tm) =	ssettm $0x1  }
0x91: {  	s18 =	sld [smem:$0x3FFB];
	_ =	sdelay $0x3  }
0x92: {  	_ =	strace s18  }
0x93: {  	s3 =	sld [smem:$0x3FFC];
	_ =	sdelay $0x3  }
0x94: {  	_ =	strace s3  }
0x95: {  	s3 =	sld [smem:$0x3FFD];
	_ =	sdelay $0x3  }
0x96: {  	_ =	strace s3  }
0x97: {  	_ =	strace $0x8FFFFFFF  }
0x98: {  	s19 =	sld [smem:$0x3FDB];
	_ =	sdelay $0x1  }
0x99: {  	s4 =	simm.s32 $_scs_section_size  }
0x9a: {  	s5 =	simm.s32 $_size__tile_overlayer_lowered;
	s6 =	simm.s32 $_tile_overlayer_lowered  }
0x9b: {  	s22 =	simm.s32 $0x1BFF;
	s21 =	sshll.u32 s6, $0x1;
	s3 =	sadd.s32 s4, s19  }
0x9c: {  	s7 =	simm.s32 $0x0;
	s20 =	sshll.u32 s5, $0x1;
	s5 =	sadd.s32 s21, s3  }
0x9d: {  	[timem:s7], [sflag:s22] =	dma.local [hbm:s5], s20  }
0x9e: {  	_ =	swait.ge [sflag:s22], s20  }
0x9f: {  	s4 =	ssub.s32 $0x0, s20;
	[sflag:s22] =	ssyncset.done $0x0  }
0xa0: {  	[sflag:s22] =	ssyncadd.s32 s4;
	_ =	sdelay $0x1  }
0xa1: {  	s23 =	simm.s32 $0x1B8B  }
0xa2: {  	_ =	swait.ge [sflag:s23], $0x1  }
0xa3: {  	[sflag:s23] =	ssyncset.done $0x0  }
0xa4: {  	s25 =	simm.s32 $0x1B8E;
	s24 =	sld [smem:$0x3FFE];
	[sflag:s23] =	ssyncadd.s32 $0xFFFFFFFF  }
0xa5: {  	s26 =	simm.s32 $execute0_lowered;
	[smem:$0x3FD2] =	sst s25  }
0xa6: {  	s5 =	sshll.u32 s26, $0x1;
	_ =	strace $0x80000046;
	[dreg:$0x1] =	wrdreg $0xFFFFFFFF  }
0xa7: {  	s28 =	simm.s32 $_size_execute0_lowered;
	s3 =	sadd.s32 s3, s5;
	[dreg:$0x0] =	wrdreg $0x0  }
0xa8: {  	s5 =	sshll.u32 s28, $0x1;
	[dreg:$0x2] =	wrdreg s3  }
0xa9: {  	[dreg:$0x3] =	wrdreg s5  }
0xaa: {  	[dreg:$0x4] =	wrdreg $0xC0  }
0xab: {  	_ =	task [dreg:s7], $0x5FFFF  }
0xac: {  	[dreg:$0x1] =	wrdreg $0xFFFFFFFF  }
0xad: {  	[dreg:$0x0] =	wrdreg $0x60  }
0xae: {  	[dreg:$0x2] =	wrdreg s2  }
0xaf: {  	[dreg:$0x3] =	wrdreg s24  }
0xb0: {  	[dreg:$0x4] =	wrdreg $0x9  }
0xb1: {  	_ =	task.clear_ibuf [dreg:s7], $0x5FFFF;
	_ =	strace $0x90000046  }
0xb2: {  	s29 =	simm.s32 $0x9;
	_ =	strace $0x80000048  }
0xb3: {  	_ =	swait.ge [sflag:s29], $0x1  }
0xb4: {  	[sflag:s29] =	ssyncadd.s32 $0xFFFFFFFF  }
0xb5: {  	_ =	strace $0x90000048  }
0xb6: {  	_ =	sfence  }
0xb7: {  	s30 =	sld [smem:$0x0];
	_ =	sdelay $0x2  }
0xb8: {  	s31 =	sshll.u32 s1, $0xD;
	s1 =	sshrl.u32 s1, $0x2  }
0xb9: {  	s3 =	sand.u32 $0x4000, s31;
	s1 =	sadd.s32 s1, s30  }
0xba: {  	s0 =	sor.u32 s3, s0;
	s1 =	sshll.u32 s1, $0x11  }
0xbb: {  	s0 =	sor.u32 s1, s0  }
0xbc: {  	s0 =	sadd.s32 $0x8F2B, s0  }
0xbd: {  	[sflag:s0] =	ssyncadd.remote.s32 $0x1  }
0xbe: {  	_ =	sfence.sel $0xFFFF  }
0xbf: {  	[dreg:$0x0] =	wrdreg $0xFFFFFFFF;
	(pc) =	sbr.abs _section_cstart, $3  }
0xc0: {  	[dreg:$0x1] =	wrdreg $0xFFFFFFFF  }
0xc1: {  	_ =	task.clear_ibuf [dreg:s7], $0x2FFFF;
	_ =	strace $0x9FFFFFFF  }
0xc2: {  	(tm) =	ssettm $0x7FFFFFFF  }
0xc3: {  	_ =	shalt  }
tec
execute0_lowered:
.L_overlay_start_1:
0x0: {  	(tag) =	ssettag $0x1  }
0x1: {  	s1 =	srdreg.scid  }
0x2: {  	s4 =	rddreg [dreg:$0x0];
	s0 =	stileid.u32  }
0x3: {  	s5 =	rddreg [dreg:$0x1];
	s2 =	simm.s32 $0x0;
	s26 =	simm.s32 $0xC000  }
0x4: {  	s8 =	simm.s32 $0xC080;
	s9 =	simm.s32 $0x1000;
	s10 =	simm.s32 $0x1800  }
0x5: {  	s11 =	simm.s32 $0x2000;
	s12 =	simm.s32 $0x2800;
	s13 =	simm.s32 $0x3000  }
0x6: {  	s14 =	simm.s32 $0x3800;
	s15 =	simm.s32 $0x4000;
	s16 =	simm.s32 $0x4800  }
0x7: {  	s17 =	simm.s32 $0x5000;
	s18 =	simm.s32 $0x5800;
	s19 =	simm.s32 $0x6000  }
0x8: {  	s20 =	simm.s32 $0x6800;
	s21 =	simm.s32 $0x7000;
	s22 =	simm.s32 $0x7800  }
0x9: {  	s28 =	simm.s32 $0xA000;
	s29 =	simm.s32 $0xA800;
	s30 =	simm.s32 $0xB000  }
0xa: {  	s31 =	simm.s32 $0xB800;
	s1 =	sand.u32 $0x1, s1;
	[smem:$0x7FF] =	sst s2  }
0xb: {  	s6 =	sshll.u32 s0, $0x3;
	_ =	strace $0x80000047;
	[dreg:$0x6] =	wrdreg s26  }
0xc: {  	s3 =	sshll.u32 s1, $0x7;
	s1 =	ssub.s32 $0x2, s1;
	[dreg:$0x7] =	wrdreg s8  }
0xd: {  	s26 =	simm.s32 $0x9800;
	s3 =	sor.u32 s6, s3;
	s23 =	sshrl.u32 s1, $0x1  }
0xe: {  	s6 =	smul.u32 $0x300, s3;
	s7 =	sadd.s32 s3, s5;
	s3 =	sadd.s32 $0x9600, s5  }
0xf: {  	s1 =	ssub.s32 s1, s23;
	s23 =	simm.s32 $0x8000;
	s24 =	sadd.s32 $0x1200, s7  }
0x10: {  	s25 =	sadd.s32 $0x1400, s7;
	s7 =	simm.s32 $0x2;
	[dreg:$0x4] =	wrdreg s24  }
0x11: {  	v2 =	vlaneseq.u32;
	s4 =	sadd.s32 s4, s6;
	[dreg:$0x5] =	wrdreg s25;
	s6 =	smax.u32 s1, $0x1  }
0x12: {  	vm0 =	vmmov $0xffff;
	v1 =	vshrl.u32 v2, $0x3;
	s24 =	simm.s32 $0x8800;
	s25 =	simm.s32 $0x9000;
	s1 =	simm.s32 $0x1  }
0x13: {  	v0 =	vand.u32 $0x7, v2;
	v2 =	vor.u32 $0x8, v2;
	v1 =	vmul.u32 $0x8, v1;
	[dreg:$0x3] =	wrdreg s4;
	s4 =	sadd.s32 $0x9700, s5;
	s5 =	sadd.s32 $0x9800, s5  }
.LBB2_1:
0x14: {  	s0 =	rddreg [dreg:$0x3]  }
0x15: {  	[tilespmem:s2], [sflag:$0x2] =	stream.linear.gather [hbm4b:s0+s2], $0xC000, $0x38;
	[tilespmem:$0xC100] =	vst v63  }
0x16: {  	_ =	swait.ge [sflag:s7], $0xC000  }
0x17: {  	s0 =	rddreg [dreg:$0x4];
	[sflag:s7] =	ssyncset.done $0x0  }
0x18: {  	s8 =	rddreg [dreg:$0x6];
	[sflag:s7] =	ssyncadd.s32 $0xFFFF4000  }
0x19: {  	[tilespmem:s8], [sflag:$0x2] =	stream.linear.gather [hbm4b:s0+s2], $0x40, $0x38;
	[tilespmem:$0xC100] =	vst v63  }
0x1a: {  	_ =	swait.ge [sflag:s7], $0x40  }
0x1b: {  	s0 =	rddreg [dreg:$0x5];
	[sflag:s7] =	ssyncset.done $0x0  }
0x1c: {  	s8 =	rddreg [dreg:$0x7];
	[sflag:s7] =	ssyncadd.s32 $0xFFFFFFC0  }
0x1d: {  	[tilespmem:s8], [sflag:$0x2] =	stream.linear.gather [hbm4b:s0+s2], $0x40, $0x38;
	[tilespmem:$0xC100] =	vst v63  }
0x1e: {  	_ =	swait.ge [sflag:s7], $0x40  }
0x1f: {  	[sflag:s7] =	ssyncset.done $0x0  }
0x20: {  	[sflag:s7] =	ssyncadd.s32 $0xFFFFFFC0  }
0x21: {  	v3 =	vld [tilespmem:$0xC000];
	_ =	sdelay $0x4  }
0x22: {  	v4 =	vshrl.u32 v3, $0x3  }
0x23: {  	v4 =	vmul.u32 $0x30, v4  }
0x24: {  	v3 =	vand.u32 $0x7, v3  }
0x25: {  	v3 =	vor.u32 v3, v4  }
0x26: {  	v4 =	vperm.xlane v3, v0;
	_ =	sdelay $0x1  }
0x27: {  	v4 =	vadd.s32 v1, v4;
	_ =	sdelay $0x3  }
0x28: {  	v3 =	vperm.xlane v3, v2  }
0x29: {  	[hbm4b:s3+s2] =	stream.indirect_vreg.scatter [tilespmem:s2], [sflag:$0x1], $0x80, v4, vm0, $0xb8;
	[tilespmem:$0xC100] =	vst v63  }
0x2a: {  	s8 =	simm.s32 $0x800;
	v3 =	vadd.s32 v1, v3  }
0x2b: {  	[hbm4b:s4+s2] =	stream.indirect_vreg.scatter [tilespmem:s8], [sflag:$0x1], $0x80, v4, vm0, $0xb8;
	[tilespmem:$0xC100] =	vst v63  }
0x2c: {  	_ = 	snop  }
0x2d: {  	[hbm4b:s5+s2] =	stream.indirect_vreg.scatter [tilespmem:s9], [sflag:$0x1], $0x80, v4, vm0, $0xb8;
	[tilespmem:$0xC100] =	vst v63  }
0x2e: {  	_ = 	snop  }
0x2f: {  	[hbm4b:s3+s2] =	stream.indirect_vreg.scatter [tilespmem:s10], [sflag:$0x1], $0x80, v3, vm0, $0xb8;
	[tilespmem:$0xC100] =	vst v63  }
0x30: {  	_ = 	snop  }
0x31: {  	[hbm4b:s4+s2] =	stream.indirect_vreg.scatter [tilespmem:s11], [sflag:$0x1], $0x80, v3, vm0, $0xb8;
	[tilespmem:$0xC100] =	vst v63  }
0x32: {  	_ = 	snop  }
0x33: {  	[hbm4b:s5+s2] =	stream.indirect_vreg.scatter [tilespmem:s12], [sflag:$0x1], $0x80, v3, vm0, $0xb8;
	[tilespmem:$0xC100] =	vst v63  }
0x34: {  	v3 =	vld [tilespmem:$0xC010];
	_ =	sdelay $0x4  }
0x35: {  	v57 =	vshrl.u32 v3, $0x3  }
0x36: {  	v4 =	vmul.u32 $0x30, v57  }
0x37: {  	v3 =	vand.u32 $0x7, v3  }
0x38: {  	v3 =	vor.u32 v3, v4  }
0x39: {  	v4 =	vperm.xlane v3, v0;
	_ =	sdelay $0x1  }
0x3a: {  	v4 =	vadd.s32 v1, v4;
	_ =	sdelay $0x3  }
0x3b: {  	v3 =	vperm.xlane v3, v2  }
0x3c: {  	[hbm4b:s3+s2] =	stream.indirect_vreg.scatter [tilespmem:s13], [sflag:$0x1], $0x80, v4, vm0, $0xb8;
	[tilespmem:$0xC100] =	vst v63  }
0x3d: {  	v3 =	vadd.s32 v1, v3  }
0x3e: {  	[hbm4b:s4+s2] =	stream.indirect_vreg.scatter [tilespmem:s14], [sflag:$0x1], $0x80, v4, vm0, $0xb8;
	[tilespmem:$0xC100] =	vst v63  }
0x3f: {  	_ = 	snop  }
0x40: {  	[hbm4b:s5+s2] =	stream.indirect_vreg.scatter [tilespmem:s15], [sflag:$0x1], $0x80, v4, vm0, $0xb8;
	[tilespmem:$0xC100] =	vst v63  }
0x41: {  	_ = 	snop  }
0x42: {  	[hbm4b:s3+s2] =	stream.indirect_vreg.scatter [tilespmem:s16], [sflag:$0x1], $0x80, v3, vm0, $0xb8;
	[tilespmem:$0xC100] =	vst v63  }
0x43: {  	_ = 	snop  }
0x44: {  	[hbm4b:s4+s2] =	stream.indirect_vreg.scatter [tilespmem:s17], [sflag:$0x1], $0x80, v3, vm0, $0xb8;
	[tilespmem:$0xC100] =	vst v63  }
0x45: {  	_ = 	snop  }
0x46: {  	[hbm4b:s5+s2] =	stream.indirect_vreg.scatter [tilespmem:s18], [sflag:$0x1], $0x80, v3, vm0, $0xb8;
	[tilespmem:$0xC100] =	vst v63  }
0x47: {  	v3 =	vld [tilespmem:$0xC020];
	_ =	sdelay $0x4  }
0x48: {  	v58 =	vshrl.u32 v3, $0x3  }
0x49: {  	v4 =	vmul.u32 $0x30, v58  }
0x4a: {  	v3 =	vand.u32 $0x7, v3  }
0x4b: {  	v3 =	vor.u32 v3, v4  }
0x4c: {  	v4 =	vperm.xlane v3, v0;
	_ =	sdelay $0x1  }
0x4d: {  	v4 =	vadd.s32 v1, v4;
	_ =	sdelay $0x3  }
0x4e: {  	v3 =	vperm.xlane v3, v2  }
0x4f: {  	[hbm4b:s3+s2] =	stream.indirect_vreg.scatter [tilespmem:s19], [sflag:$0x1], $0x80, v4, vm0, $0xb8;
	[tilespmem:$0xC100] =	vst v63  }
0x50: {  	v3 =	vadd.s32 v1, v3  }
0x51: {  	[hbm4b:s4+s2] =	stream.indirect_vreg.scatter [tilespmem:s20], [sflag:$0x1], $0x80, v4, vm0, $0xb8;
	[tilespmem:$0xC100] =	vst v63  }
0x52: {  	_ = 	snop  }
0x53: {  	[hbm4b:s5+s2] =	stream.indirect_vreg.scatter [tilespmem:s21], [sflag:$0x1], $0x80, v4, vm0, $0xb8;
	[tilespmem:$0xC100] =	vst v63  }
0x54: {  	_ = 	snop  }
0x55: {  	[hbm4b:s3+s2] =	stream.indirect_vreg.scatter [tilespmem:s22], [sflag:$0x1], $0x80, v3, vm0, $0xb8;
	[tilespmem:$0xC100] =	vst v63  }
0x56: {  	_ = 	snop  }
0x57: {  	[hbm4b:s4+s2] =	stream.indirect_vreg.scatter [tilespmem:s23], [sflag:$0x1], $0x80, v3, vm0, $0xb8;
	[tilespmem:$0xC100] =	vst v63  }
0x58: {  	_ = 	snop  }
0x59: {  	[hbm4b:s5+s2] =	stream.indirect_vreg.scatter [tilespmem:s24], [sflag:$0x1], $0x80, v3, vm0, $0xb8;
	[tilespmem:$0xC100] =	vst v63  }
0x5a: {  	v3 =	vld [tilespmem:$0xC030];
	_ =	sdelay $0x4  }
0x5b: {  	v59 =	vshrl.u32 v3, $0x3  }
0x5c: {  	v4 =	vmul.u32 $0x30, v59  }
0x5d: {  	v3 =	vand.u32 $0x7, v3  }
0x5e: {  	v3 =	vor.u32 v3, v4  }
0x5f: {  	v4 =	vperm.xlane v3, v0;
	_ =	sdelay $0x1  }
0x60: {  	v4 =	vadd.s32 v1, v4;
	_ =	sdelay $0x3  }
0x61: {  	v3 =	vperm.xlane v3, v2  }
0x62: {  	[hbm4b:s3+s2] =	stream.indirect_vreg.scatter [tilespmem:s25], [sflag:$0x1], $0x80, v4, vm0, $0xb8;
	[tilespmem:$0xC100] =	vst v63  }
0x63: {  	v3 =	vadd.s32 v1, v3  }
0x64: {  	[hbm4b:s4+s2] =	stream.indirect_vreg.scatter [tilespmem:s26], [sflag:$0x1], $0x80, v4, vm0, $0xb8;
	[tilespmem:$0xC100] =	vst v63  }
0x65: {  	_ = 	snop  }
0x66: {  	[hbm4b:s5+s2] =	stream.indirect_vreg.scatter [tilespmem:s28], [sflag:$0x1], $0x80, v4, vm0, $0xb8;
	[tilespmem:$0xC100] =	vst v63  }
0x67: {  	_ = 	snop  }
0x68: {  	[hbm4b:s3+s2] =	stream.indirect_vreg.scatter [tilespmem:s29], [sflag:$0x1], $0x80, v3, vm0, $0xb8;
	[tilespmem:$0xC100] =	vst v63  }
0x69: {  	_ = 	snop  }
0x6a: {  	[hbm4b:s4+s2] =	stream.indirect_vreg.scatter [tilespmem:s30], [sflag:$0x1], $0x80, v3, vm0, $0xb8;
	[tilespmem:$0xC100] =	vst v63  }
0x6b: {  	_ = 	snop  }
0x6c: {  	[hbm4b:s5+s2] =	stream.indirect_vreg.scatter [tilespmem:s31], [sflag:$0x1], $0x80, v3, vm0, $0xb8;
	[tilespmem:$0xC100] =	vst v63  }
0x6d: {  	v3 =	vld [tilespmem:$0xC080];
	_ =	sdelay $0x4  }
0x6e: {  	v60 =	vshrl.u32 v3, $0x3  }
0x6f: {  	v4 =	vmul.u32 $0x30, v60  }
0x70: {  	v3 =	vand.u32 $0x7, v3  }
0x71: {  	v3 =	vor.u32 v3, v4  }
0x72: {  	v4 =	vperm.xlane v3, v0;
	_ =	sdelay $0x1  }
0x73: {  	v4 =	vadd.s32 v1, v4;
	_ =	sdelay $0x3  }
0x74: {  	v3 =	vperm.xlane v3, v2  }
0x75: {  	[hbm4b:s3+s2] =	stream.indirect_vreg.scatter [tilespmem:s2], [sflag:$0x1], $0x80, v4, vm0, $0xb8;
	[tilespmem:$0xC100] =	vst v63  }
0x76: {  	v3 =	vadd.s32 v1, v3  }
0x77: {  	[hbm4b:s4+s2] =	stream.indirect_vreg.scatter [tilespmem:s8], [sflag:$0x1], $0x80, v4, vm0, $0xb8;
	[tilespmem:$0xC100] =	vst v63  }
0x78: {  	_ = 	snop  }
0x79: {  	[hbm4b:s5+s2] =	stream.indirect_vreg.scatter [tilespmem:s9], [sflag:$0x1], $0x80, v4, vm0, $0xb8;
	[tilespmem:$0xC100] =	vst v63  }
0x7a: {  	_ = 	snop  }
0x7b: {  	[hbm4b:s3+s2] =	stream.indirect_vreg.scatter [tilespmem:s10], [sflag:$0x1], $0x80, v3, vm0, $0xb8;
	[tilespmem:$0xC100] =	vst v63  }
0x7c: {  	_ = 	snop  }
0x7d: {  	[hbm4b:s4+s2] =	stream.indirect_vreg.scatter [tilespmem:s11], [sflag:$0x1], $0x80, v3, vm0, $0xb8;
	[tilespmem:$0xC100] =	vst v63  }
0x7e: {  	_ = 	snop  }
0x7f: {  	[hbm4b:s5+s2] =	stream.indirect_vreg.scatter [tilespmem:s12], [sflag:$0x1], $0x80, v3, vm0, $0xb8;
	[tilespmem:$0xC100] =	vst v63  }
0x80: {  	v3 =	vld [tilespmem:$0xC090];
	_ =	sdelay $0x4  }
0x81: {  	v61 =	vshrl.u32 v3, $0x3  }
0x82: {  	v4 =	vmul.u32 $0x30, v61  }
0x83: {  	v3 =	vand.u32 $0x7, v3  }
0x84: {  	v3 =	vor.u32 v3, v4  }
0x85: {  	v4 =	vperm.xlane v3, v0;
	_ =	sdelay $0x1  }
0x86: {  	v4 =	vadd.s32 v1, v4;
	_ =	sdelay $0x3  }
0x87: {  	v3 =	vperm.xlane v3, v2  }
0x88: {  	[hbm4b:s3+s2] =	stream.indirect_vreg.scatter [tilespmem:s13], [sflag:$0x1], $0x80, v4, vm0, $0xb8;
	[tilespmem:$0xC100] =	vst v63  }
0x89: {  	v3 =	vadd.s32 v1, v3  }
0x8a: {  	[hbm4b:s4+s2] =	stream.indirect_vreg.scatter [tilespmem:s14], [sflag:$0x1], $0x80, v4, vm0, $0xb8;
	[tilespmem:$0xC100] =	vst v63  }
0x8b: {  	_ = 	snop  }
0x8c: {  	[hbm4b:s5+s2] =	stream.indirect_vreg.scatter [tilespmem:s15], [sflag:$0x1], $0x80, v4, vm0, $0xb8;
	[tilespmem:$0xC100] =	vst v63  }
0x8d: {  	_ = 	snop  }
0x8e: {  	[hbm4b:s3+s2] =	stream.indirect_vreg.scatter [tilespmem:s16], [sflag:$0x1], $0x80, v3, vm0, $0xb8;
	[tilespmem:$0xC100] =	vst v63  }
0x8f: {  	_ = 	snop  }
0x90: {  	[hbm4b:s4+s2] =	stream.indirect_vreg.scatter [tilespmem:s17], [sflag:$0x1], $0x80, v3, vm0, $0xb8;
	[tilespmem:$0xC100] =	vst v63  }
0x91: {  	_ = 	snop  }
0x92: {  	[hbm4b:s5+s2] =	stream.indirect_vreg.scatter [tilespmem:s18], [sflag:$0x1], $0x80, v3, vm0, $0xb8;
	[tilespmem:$0xC100] =	vst v63  }
0x93: {  	v3 =	vld [tilespmem:$0xC0A0];
	_ =	sdelay $0x4  }
0x94: {  	v62 =	vshrl.u32 v3, $0x3  }
0x95: {  	v4 =	vmul.u32 $0x30, v62  }
0x96: {  	v3 =	vand.u32 $0x7, v3  }
0x97: {  	v3 =	vor.u32 v3, v4  }
0x98: {  	v4 =	vperm.xlane v3, v0;
	_ =	sdelay $0x1  }
0x99: {  	v4 =	vadd.s32 v1, v4;
	_ =	sdelay $0x3  }
0x9a: {  	v3 =	vperm.xlane v3, v2  }
0x9b: {  	[hbm4b:s3+s2] =	stream.indirect_vreg.scatter [tilespmem:s19], [sflag:$0x1], $0x80, v4, vm0, $0xb8;
	[tilespmem:$0xC100] =	vst v63  }
0x9c: {  	v3 =	vadd.s32 v1, v3  }
0x9d: {  	[hbm4b:s4+s2] =	stream.indirect_vreg.scatter [tilespmem:s20], [sflag:$0x1], $0x80, v4, vm0, $0xb8;
	[tilespmem:$0xC100] =	vst v63  }
0x9e: {  	_ = 	snop  }
0x9f: {  	[hbm4b:s5+s2] =	stream.indirect_vreg.scatter [tilespmem:s21], [sflag:$0x1], $0x80, v4, vm0, $0xb8;
	[tilespmem:$0xC100] =	vst v63  }
0xa0: {  	_ = 	snop  }
0xa1: {  	[hbm4b:s3+s2] =	stream.indirect_vreg.scatter [tilespmem:s22], [sflag:$0x1], $0x80, v3, vm0, $0xb8;
	[tilespmem:$0xC100] =	vst v63  }
0xa2: {  	_ = 	snop  }
0xa3: {  	[hbm4b:s4+s2] =	stream.indirect_vreg.scatter [tilespmem:s23], [sflag:$0x1], $0x80, v3, vm0, $0xb8;
	[tilespmem:$0xC100] =	vst v63  }
0xa4: {  	_ = 	snop  }
0xa5: {  	[hbm4b:s5+s2] =	stream.indirect_vreg.scatter [tilespmem:s24], [sflag:$0x1], $0x80, v3, vm0, $0xb8;
	[tilespmem:$0xC100] =	vst v63  }
0xa6: {  	v3 =	vld [tilespmem:$0xC0B0];
	_ =	sdelay $0x4  }
0xa7: {  	v63 =	vshrl.u32 v3, $0x3  }
0xa8: {  	v4 =	vmul.u32 $0x30, v63  }
0xa9: {  	v3 =	vand.u32 $0x7, v3  }
0xaa: {  	v3 =	vor.u32 v3, v4  }
0xab: {  	v4 =	vperm.xlane v3, v0;
	_ =	sdelay $0x1  }
0xac: {  	v4 =	vadd.s32 v1, v4;
	_ =	sdelay $0x3  }
0xad: {  	v3 =	vperm.xlane v3, v2  }
0xae: {  	[hbm4b:s3+s2] =	stream.indirect_vreg.scatter [tilespmem:s25], [sflag:$0x1], $0x80, v4, vm0, $0xb8;
	[tilespmem:$0xC100] =	vst v63  }
0xaf: {  	v3 =	vadd.s32 v1, v3  }
0xb0: {  	[hbm4b:s4+s2] =	stream.indirect_vreg.scatter [tilespmem:s26], [sflag:$0x1], $0x80, v4, vm0, $0xb8;
	[tilespmem:$0xC100] =	vst v63  }
0xb1: {  	_ = 	snop  }
0xb2: {  	[hbm4b:s5+s2] =	stream.indirect_vreg.scatter [tilespmem:s28], [sflag:$0x1], $0x80, v4, vm0, $0xb8;
	[tilespmem:$0xC100] =	vst v63  }
0xb3: {  	_ = 	snop  }
0xb4: {  	[hbm4b:s3+s2] =	stream.indirect_vreg.scatter [tilespmem:s29], [sflag:$0x1], $0x80, v3, vm0, $0xb8;
	[tilespmem:$0xC100] =	vst v63  }
0xb5: {  	_ = 	snop  }
0xb6: {  	[hbm4b:s4+s2] =	stream.indirect_vreg.scatter [tilespmem:s30], [sflag:$0x1], $0x80, v3, vm0, $0xb8;
	[tilespmem:$0xC100] =	vst v63  }
0xb7: {  	_ = 	snop  }
0xb8: {  	[hbm4b:s5+s2] =	stream.indirect_vreg.scatter [tilespmem:s31], [sflag:$0x1], $0x80, v3, vm0, $0xb8;
	[tilespmem:$0xC100] =	vst v63  }
0xb9: {  	p0 =	sne.s32 s6, $0x1;
	_ =	swait.ge [sflag:s1], $0xC000  }
.Ltmp0:
0xba: {  	[sflag:s1] =	ssyncset.done $0x0;
	(pc) =	sbr.rel @p0 .LBB2_1-.Ltmp0, $4  }
0xbb: {  	[sflag:s1] =	ssyncadd.s32 $0xFFFF4000  }
0xbc: {  	_ =	swait.ge [sflag:s1], $0xC000  }
0xbd: {  	[sflag:s1] =	ssyncset.done $0x0  }
0xbe: {  	s6 =	sadd.s32 $0xFFFFFFFF, s6;
	[sflag:s1] =	ssyncadd.s32 $0xFFFF4000  }
0xbf: {  	_ =	sfence.sel $0x180000  }
0xc0: {  	[bflag:$0x0] =	sbarrier.arrive $0xFFFF  }
0xc1: {  	_ =	strace $0x90000047  }
0xc2: {  	s0 =	stileid.u32;
	[bflag:$0x2] =	sbarrier.arrive $0xFFFF  }
0xc3: {  	p0 =	sne.s32 s0, $0x0;
	s0 =	rddreg [dreg:$0x2]  }
0xc4: {  	s0 =	sadd.s32 @!p0 $0x100000, s0  }
0xc5: {  	[sflag:s0] =	ssyncadd.tile.s32 @!p0 $0x1;
	_ =	shalt  }
.Lfunc_end2:
_tile_overlayer_lowered:
.L_overlay_start_2:
0xc6: {  	(tag) =	ssettag $0x2  }
0xc7: {  	s0 =	rddreg [dreg:$0x0];
	s2 =	stileid.u32  }
0xc8: {  	s1 =	rddreg [dreg:$0x1];
	p0 =	sne.s32 s2, $0x0  }
0xc9: {  	s3 =	rddreg [dreg:$0x2];
	[bflag:$0x3] =	sbarrier.arrive $0xFFFF;
	s2 =	simm.s32 @!p0 $0x1C02  }
0xca: {  	[timem:s3], [sflag:s2] =	dma.local @!p0 [hbm:s0], s1  }
0xcb: {  	s0 =	simm.s32 @!p0 $0x2  }
0xcc: {  	_ =	swait.ge @!p0 [sflag:s0], s1  }
0xcd: {  	s1 =	ssub.s32 @!p0 $0x0, s1;
	[sflag:s0] =	ssyncset.done @!p0 $0x0  }
0xce: {  	[sflag:s0] =	ssyncadd.s32 @!p0 s1  }
0xcf: {  	[bflag:$0x3] =	sbarrier.arrive $0xFFFF  }
0xd0: {  	_ =	shalt  }

// kernel: kernel.9.cloned.1.call-start
scs
__scs_entry_jumppad:
0x0: {  	(pc) =	sbr.rel $0x88, $3  }
0x1: {  	(tag) =	ssettag $0x0;
	lr =	simm.s32 $0x1  }
0x2: {  	[smem:$0x3F9C] =	sst lr;
	_ =	strace $0xD0000000  }
0x3: {  	_ = 	snop  }
0x4: {  	_ = 	snop  }
0x5: {  	_ = 	snop  }
0x6: {  	_ = 	snop  }
0x7: {  	_ = 	snop  }
__scs_overlays_trampoline_lowered:
0x8: {  	[smem:$0x3FAB] =	sst s0  }
0x9: {  	[smem:$0x3FAC] =	sst s1  }
0xa: {  	[smem:$0x3FAD] =	sst s2  }
0xb: {  	[smem:$0x3FAE] =	sst s3  }
0xc: {  	[smem:$0x3FAF] =	sst s4  }
0xd: {  	[smem:$0x3FB0] =	sst s5  }
0xe: {  	[smem:$0x3FB1] =	sst s6  }
0xf: {  	[smem:$0x3FB2] =	sst s7  }
0x10: {  	[smem:$0x3FB3] =	sst s8  }
0x11: {  	[smem:$0x3FB4] =	sst s9;
	s0 =	simm.s32 @!p0 $0x0  }
0x12: {  	s1 =	sld [smem:$0x3F9A];
	s0 =	simm.s32 @p0 $0x1  }
0x13: {  	[smem:$0x3FB5] =	sst s0;
	s0 =	simm.s32 @!p1 $0x0  }
0x14: {  	s2 =	sld [smem:$0x3F99];
	s0 =	simm.s32 @p1 $0x1  }
0x15: {  	[smem:$0x3FB6] =	sst s0;
	s0 =	simm.s32 @!p2 $0x0  }
0x16: {  	s3 =	sld [smem:$0x3FDB];
	s0 =	simm.s32 @p2 $0x1  }
0x17: {  	s4 =	simm.s32 $0x1BF5;
	[smem:$0x3FB8] =	sst s0  }
0x18: {  	s0 =	sld [smem:$0x3F9B];
	_ =	swait.ge [sflag:s4], $0x0  }
0x19: {  	s7 =	sld [smem:$0x3F9C]  }
0x1a: {  	s8 =	sadd.s32 $0xFFFFE003, lr  }
0x1b: {  	s9 =	sadd.s32 $0xFFFFFEF7, lr;
	s5 =	simm.s32 $0xFFFFFFFF;
	p2 =	slt.u32 s8, $0xFFFFF086  }
0x1c: {  	p1 =	slt.u32 s9, $0xF7A;
	s5 =	simm.s32 @!p2 $0x0  }
0x1d: {  	s5 =	simm.s32 @p1 $0x1;
	p0 =	seq.s32 s7, s2  }
0x1e: {  	s7 =	smul.u32 @!p0 $0xF7A, s2;
	p2 =	seq.s32 @!p0 s5, $0x0  }
0x1f: {  	s9 =	smul.u32 $0xF7A, s1;
	s8 =	simm.s32 @!p0 $0x1BF5;
	p2 =	por !p2, p0  }
0x20: {  	[sflag:s8] =	ssyncset.s32 @!p0 $0xFFFFF086;
	s6 =	sadd.s32 @!p0 s3, s7;
	s7 =	simm.s32 @!p0 $0x108  }
0x21: {  	s3 =	sadd.s32 s3, s9;
	s6 =	sadd.s32 @!p0 $0x88, s6;
	s7 =	simm.s32 @p2 $0x1082  }
0x22: {  	[simem:s7], [sflag:s8] =	dma.local @!p0 [hbm:s6], $0xF7A  }
0x23: {  	s9 =	sor.u32 $0xD0000000, s2;
	s6 =	simm.s32 $0x108;
	_ =	swait.ge @!p0 [sflag:s8], $0x0  }
0x24: {  	s3 =	sadd.s32 $0x88, s3;
	s6 =	simm.s32 @!p1 $0x1082;
	[sflag:s4] =	ssyncset.s32 $0xFFFFF086  }
0x25: {  	[simem:s6], [sflag:s4] =	dma.local [hbm:s3], $0xF7A  }
0x26: {  	[smem:$0x3F9C] =	sst s1;
	(tag) =	ssettag s2;
	_ =	strace s9  }
0x27: {  	s1 =	sld [smem:$0x3FAC]  }
0x28: {  	s2 =	sld [smem:$0x3FAD]  }
0x29: {  	s4 =	sld [smem:$0x3FAF]  }
0x2a: {  	p0 =	seq.s32 s5, $0x0;
	s5 =	sld [smem:$0x3FB0]  }
0x2b: {  	s6 =	sld [smem:$0x3FB1]  }
0x2c: {  	s7 =	sld [smem:$0x3FB2]  }
0x2d: {  	s3 =	simm.s32 $0x108;
	s8 =	sld [smem:$0x3FB3]  }
0x2e: {  	s3 =	simm.s32 @!p0 $0x1082;
	s9 =	sld [smem:$0x3FB4]  }
0x2f: {  	lr =	sadd.s32 s0, s3;
	s0 =	sld [smem:$0x3FAB]  }
0x30: {  	s3 =	sld [smem:$0x3FAE]  }
0x31: {  	[smem:$0x3FB7] =	sst s10  }
0x32: {  	s10 =	sld [smem:$0x3FB5];
	_ =	sdelay $0x3  }
0x33: {  	p0 =	seq.s32 s10, $0x1;
	s10 =	sld [smem:$0x3FB7];
	_ =	sdelay $0x3  }
0x34: {  	[smem:$0x3FB7] =	sst s10  }
0x35: {  	s10 =	sld [smem:$0x3FB6];
	_ =	sdelay $0x3  }
0x36: {  	p1 =	seq.s32 s10, $0x1;
	s10 =	sld [smem:$0x3FB7];
	_ =	sdelay $0x3  }
0x37: {  	[smem:$0x3FB7] =	sst s10  }
0x38: {  	s10 =	sld [smem:$0x3FB8]  }
0x39: {  	_ = 	snop;
	(pc) =	sbr.ind lr, $3  }
0x3a: {  	_ = 	snop  }
0x3b: {  	_ = 	snop  }
0x3c: {  	p2 =	seq.s32 s10, $0x1;
	s10 =	sld [smem:$0x3FB7]  }
0x3d: {  	_ =	shalt  }
0x3e: {  	_ =	shalt  }
0x3f: {  	_ =	shalt  }
0x40: {  	_ =	shalt  }
0x41: {  	_ =	shalt  }
0x42: {  	_ =	shalt  }
0x43: {  	_ =	shalt  }
0x44: {  	_ =	shalt  }
0x45: {  	_ =	shalt  }
0x46: {  	_ =	shalt  }
0x47: {  	_ =	shalt  }
0x48: {  	_ =	shalt  }
0x49: {  	_ =	shalt  }
0x4a: {  	_ =	shalt  }
0x4b: {  	_ =	shalt  }
0x4c: {  	_ =	shalt  }
0x4d: {  	_ =	shalt  }
0x4e: {  	_ =	shalt  }
0x4f: {  	_ =	shalt  }
0x50: {  	_ =	shalt  }
0x51: {  	_ =	shalt  }
0x52: {  	_ =	shalt  }
0x53: {  	_ =	shalt  }
0x54: {  	_ =	shalt  }
0x55: {  	_ =	shalt  }
0x56: {  	_ =	shalt  }
0x57: {  	_ =	shalt  }
0x58: {  	_ =	shalt  }
0x59: {  	_ =	shalt  }
0x5a: {  	_ =	shalt  }
0x5b: {  	_ =	shalt  }
0x5c: {  	_ =	shalt  }
0x5d: {  	_ =	shalt  }
0x5e: {  	_ =	shalt  }
0x5f: {  	_ =	shalt  }
0x60: {  	_ =	shalt  }
0x61: {  	_ =	shalt  }
0x62: {  	_ =	shalt  }
0x63: {  	_ =	shalt  }
0x64: {  	_ =	shalt  }
0x65: {  	_ =	shalt  }
0x66: {  	_ =	shalt  }
0x67: {  	_ =	shalt  }
0x68: {  	_ =	shalt  }
0x69: {  	_ =	shalt  }
0x6a: {  	_ =	shalt  }
0x6b: {  	_ =	shalt  }
0x6c: {  	_ =	shalt  }
0x6d: {  	_ =	shalt  }
0x6e: {  	_ =	shalt  }
0x6f: {  	_ =	shalt  }
0x70: {  	_ =	shalt  }
0x71: {  	_ =	shalt  }
0x72: {  	_ =	shalt  }
0x73: {  	_ =	shalt  }
0x74: {  	_ =	shalt  }
0x75: {  	_ =	shalt  }
0x76: {  	_ =	shalt  }
0x77: {  	_ =	shalt  }
0x78: {  	_ =	shalt  }
0x79: {  	_ =	shalt  }
0x7a: {  	_ =	shalt  }
0x7b: {  	_ =	shalt  }
0x7c: {  	_ =	shalt  }
0x7d: {  	_ =	shalt  }
0x7e: {  	_ =	shalt  }
0x7f: {  	_ =	shalt  }
0x80: {  	_ =	shalt  }
0x81: {  	_ =	shalt  }
0x82: {  	_ =	shalt  }
0x83: {  	_ =	shalt  }
0x84: {  	_ =	shalt  }
0x85: {  	_ =	shalt  }
0x86: {  	_ =	shalt  }
0x87: {  	_ =	shalt  }
.Lfunc_end0:
.L_simem_size_0:
called_computation.1_lowered:
.L_overlay_start_0:
0x88: {  	s2 =	sld [smem:$0x3FD9]  }
0x89: {  	s3 =	sld [smem:$0x3FFE];
	_ =	sdelay $0x1  }
0x8a: {  	s1 =	srdreg.scid  }
0x8b: {  	s0 =	sand.u32 $0x1, s1  }
0x8c: {  	s14 =	sshll.u32 s0, $0xA;
	s2 =	sadd.s32 s3, s2  }
0x8d: {  	s2 =	sadd.s32 s2, s14  }
0x8e: {  	[smem:$0x3FC3] =	sst s2  }
0x8f: {  	_ = 	snop  }
0x90: {  	s2 =	sld [smem:$0x3FD0];
	_ =	sdelay $0x2  }
0x91: {  	s15 =	simm.s32 $0xA;
	s4 =	simm.s32 $0x10  }
0x92: {  	[smem:s4], [sflag:s15] =	dma.local [hbm:s2], $0x1  }
0x93: {  	_ =	swait.eq [sflag:s15], $0x1  }
0x94: {  	[sflag:s15] =	ssyncset.done $0x0  }
0x95: {  	[sflag:s15] =	ssyncadd.s32 $0xFFFFFFFF  }
0x96: {  	s16 =	sld [smem:$0x10];
	(tm) =	ssettm $0x1  }
0x97: {  	s17 =	sld [smem:$0x3FFB];
	_ =	sdelay $0x3  }
0x98: {  	_ =	strace s17  }
0x99: {  	s3 =	sld [smem:$0x3FFC];
	_ =	sdelay $0x3  }
0x9a: {  	_ =	strace s3  }
0x9b: {  	s3 =	sld [smem:$0x3FFD];
	_ =	sdelay $0x3  }
0x9c: {  	_ =	strace s3  }
0x9d: {  	_ =	strace $0x8FFFFFFF  }
0x9e: {  	s18 =	sld [smem:$0x3FDB];
	_ =	sdelay $0x1  }
0x9f: {  	s19 =	simm.s32 $_scs_section_size  }
0xa0: {  	s5 =	simm.s32 $_size__tile_overlayer_lowered;
	s6 =	simm.s32 $_tile_overlayer_lowered  }
0xa1: {  	s22 =	simm.s32 $0x1BFF;
	s21 =	sshll.u32 s6, $0x1;
	s3 =	sadd.s32 s19, s18  }
0xa2: {  	s7 =	simm.s32 $0x0;
	s20 =	sshll.u32 s5, $0x1;
	s5 =	sadd.s32 s21, s3  }
0xa3: {  	[timem:s7], [sflag:s22] =	dma.local [hbm:s5], s20  }
0xa4: {  	_ =	swait.ge [sflag:s22], s20  }
0xa5: {  	s4 =	ssub.s32 $0x0, s20;
	[sflag:s22] =	ssyncset.done $0x0  }
0xa6: {  	[sflag:s22] =	ssyncadd.s32 s4;
	_ =	sdelay $0x1  }
0xa7: {  	s23 =	simm.s32 $0x1B8B  }
0xa8: {  	_ =	swait.ge [sflag:s23], $0x1  }
0xa9: {  	[sflag:s23] =	ssyncset.done $0x0  }
0xaa: {  	s25 =	simm.s32 $0x1B8E;
	s24 =	sld [smem:$0x3FFE];
	[sflag:s23] =	ssyncadd.s32 $0xFFFFFFFF  }
0xab: {  	s26 =	simm.s32 $execute0_lowered;
	[smem:$0x3FD2] =	sst s25  }
0xac: {  	s5 =	sshll.u32 s26, $0x1;
	_ =	strace $0x80000049;
	[dreg:$0x1] =	wrdreg $0xFFFFFFFF  }
0xad: {  	s28 =	simm.s32 $_size_execute0_lowered;
	s3 =	sadd.s32 s3, s5;
	[dreg:$0x0] =	wrdreg $0x0  }
0xae: {  	s5 =	sshll.u32 s28, $0x1;
	[dreg:$0x2] =	wrdreg s3  }
0xaf: {  	[dreg:$0x3] =	wrdreg s5  }
0xb0: {  	[dreg:$0x4] =	wrdreg $0xC0  }
0xb1: {  	_ =	task [dreg:s7], $0x5FFFF  }
0xb2: {  	[dreg:$0x1] =	wrdreg $0xFFFFFFFF  }
0xb3: {  	[dreg:$0x0] =	wrdreg $0x60  }
0xb4: {  	[dreg:$0x2] =	wrdreg s24  }
0xb5: {  	[dreg:$0x3] =	wrdreg s16  }
0xb6: {  	[dreg:$0x4] =	wrdreg $0x9  }
0xb7: {  	_ =	task.clear_ibuf [dreg:s7], $0x5FFFF;
	_ =	strace $0x90000049  }
0xb8: {  	s29 =	simm.s32 $0x9;
	_ =	strace $0x8000004B  }
0xb9: {  	_ =	swait.ge [sflag:s29], $0x1  }
0xba: {  	[sflag:s29] =	ssyncadd.s32 $0xFFFFFFFF  }
0xbb: {  	_ =	strace $0x9000004B  }
0xbc: {  	_ =	sfence  }
0xbd: {  	s30 =	sld [smem:$0x0];
	_ =	sdelay $0x2  }
0xbe: {  	s31 =	sshll.u32 s1, $0xD;
	s1 =	sshrl.u32 s1, $0x2  }
0xbf: {  	s3 =	sand.u32 $0x4000, s31;
	s1 =	sadd.s32 s1, s30  }
0xc0: {  	s0 =	sor.u32 s3, s0;
	s1 =	sshll.u32 s1, $0x11  }
0xc1: {  	s0 =	sor.u32 s1, s0  }
0xc2: {  	s0 =	sadd.s32 $0x8F2B, s0  }
0xc3: {  	[sflag:s0] =	ssyncadd.remote.s32 $0x1  }
0xc4: {  	_ =	sfence.sel $0xFFFF  }
0xc5: {  	[dreg:$0x0] =	wrdreg $0xFFFFFFFF;
	(pc) =	sbr.abs _section_cstart, $3  }
0xc6: {  	[dreg:$0x1] =	wrdreg $0xFFFFFFFF  }
0xc7: {  	_ =	task.clear_ibuf [dreg:s7], $0x2FFFF;
	_ =	strace $0x9FFFFFFF  }
0xc8: {  	(tm) =	ssettm $0x7FFFFFFF  }
0xc9: {  	_ =	shalt  }
tec
execute0_lowered:
.L_overlay_start_1:
0x0: {  	(tag) =	ssettag $0x1  }
0x1: {  	s0 =	rddreg [dreg:$0x0]  }
0x2: {  	s1 =	rddreg [dreg:$0x1];
	s2 =	simm.s32 $0x0;
	s3 =	srdreg.scid  }
0x3: {  	s6 =	stileid.u32;
	s12 =	simm.s32 $0x2;
	s28 =	simm.s32 $0x11800  }
0x4: {  	s29 =	simm.s32 $0x12000;
	s30 =	simm.s32 $0x12800;
	s31 =	simm.s32 $0x13000  }
0x5: {  	s13 =	simm.s32 $0x15000;
	s14 =	simm.s32 $0x15800;
	s15 =	simm.s32 $0x16000  }
0x6: {  	s16 =	simm.s32 $0x16800;
	s17 =	simm.s32 $0x17000;
	s18 =	simm.s32 $0x17800  }
0x7: {  	s19 =	simm.s32 $0x1;
	s20 =	simm.s32 $0x0;
	s4 =	sand.u32 $0x1, s3  }
0x8: {  	[smem:$0x7FF] =	sst s2;
	s6 =	sshll.u32 s6, $0x6;
	s5 =	sshll.u32 s4, $0xA  }
0x9: {  	s3 =	sadd.s32 $0x10FE00, s0;
	s4 =	ssub.s32 $0x2, s4;
	s5 =	sor.u32 s6, s5  }
0xa: {  	_ =	strace $0x8000004A;
	s7 =	sshrl.u32 s4, $0x1;
	s6 =	sshrl.u32 s5, $0x3  }
0xb: {  	s5 =	sshll.u32 s5, $0x4;
	s10 =	ssub.s32 s4, s7;
	s7 =	sadd.s32 $0x10FF00, s0  }
0xc: {  	s8 =	sadd.s32 s6, s0;
	s9 =	sadd.s32 s5, s0;
	s11 =	smul.u32 $0x300, s6  }
0xd: {  	v2 =	vlaneseq.u32;
	s10 =	smax.u32 s10, $0x1;
	s4 =	sadd.s32 $0x1200, s8;
	s5 =	sadd.s32 $0x1400, s8  }
0xe: {  	vm0 =	vmmov $0xffff;
	v1 =	vshrl.u32 v2, $0x3;
	s6 =	sadd.s32 $0x1600, s9;
	s8 =	sadd.s32 $0x110000, s0;
	s0 =	simm.s32 $0x13800  }
0xf: {  	v0 =	vand.u32 $0x7, v2;
	v2 =	vor.u32 $0x8, v2;
	v1 =	vmul.u32 $0x8, v1;
	s9 =	sadd.s32 s1, s11;
	s1 =	simm.s32 $0x14000;
	s11 =	simm.s32 $0x14800  }
.LBB2_1:
0x10: {  	s21 =	simm.s32 $0x18000  }
0x11: {  	[tilespmem:s21], [sflag:$0x2] =	stream.linear.gather [hbm4b:s4+s2], $0x40, $0x38;
	[tilespmem:$0x1A100] =	vst v63  }
0x12: {  	_ =	swait.ge [sflag:s12], $0x40  }
0x13: {  	[sflag:s12] =	ssyncset.done $0x0  }
0x14: {  	s23 =	simm.s32 $0x18080;
	[sflag:s12] =	ssyncadd.s32 $0xFFFFFFC0  }
0x15: {  	[tilespmem:s23], [sflag:$0x2] =	stream.linear.gather [hbm4b:s5+s2], $0x40, $0x38;
	[tilespmem:$0x1A100] =	vst v63  }
0x16: {  	_ =	swait.ge [sflag:s12], $0x40  }
0x17: {  	[sflag:s12] =	ssyncset.done $0x0  }
0x18: {  	s21 =	simm.s32 $0x18100;
	[sflag:s12] =	ssyncadd.s32 $0xFFFFFFC0  }
0x19: {  	[tilespmem:s21], [sflag:$0x2] =	stream.linear.gather [hbm4b:s6+s2], $0x2000, $0x38;
	[tilespmem:$0x1A100] =	vst v63  }
0x1a: {  	_ =	swait.ge [sflag:s12], $0x2000  }
0x1b: {  	[sflag:s12] =	ssyncset.done $0x0  }
0x1c: {  	[sflag:s12] =	ssyncadd.s32 $0xFFFFE000  }
0x1d: {  	v3 =	vld [tilespmem:$0x18000];
	_ =	sdelay $0x4  }
0x1e: {  	v4 =	vshrl.u32 v3, $0x3  }
0x1f: {  	v4 =	vmul.u32 $0x30, v4  }
0x20: {  	v3 =	vand.u32 $0x7, v3  }
0x21: {  	v3 =	vor.u32 v3, v4  }
0x22: {  	v4 =	vperm.xlane v3, v0;
	_ =	sdelay $0x1  }
0x23: {  	v4 =	vadd.s32 v1, v4;
	_ =	sdelay $0x3  }
0x24: {  	v3 =	vperm.xlane v3, v2  }
0x25: {  	[tilespmem:s2], [sflag:$0x1] =	stream.indirect_vreg.gather [hbm4b:s3+s2], $0x80, v4, vm0, $0xb8;
	[tilespmem:$0x1A100] =	vst v63  }
0x26: {  	s22 =	simm.s32 $0x800;
	v3 =	vadd.s32 v1, v3  }
0x27: {  	[tilespmem:s22], [sflag:$0x1] =	stream.indirect_vreg.gather [hbm4b:s7+s2], $0x80, v4, vm0, $0xb8;
	[tilespmem:$0x1A100] =	vst v63  }
0x28: {  	s24 =	simm.s32 $0x1000  }
0x29: {  	[tilespmem:s24], [sflag:$0x1] =	stream.indirect_vreg.gather [hbm4b:s8+s2], $0x80, v4, vm0, $0xb8;
	[tilespmem:$0x1A100] =	vst v63  }
0x2a: {  	s25 =	simm.s32 $0x1800  }
0x2b: {  	[tilespmem:s25], [sflag:$0x1] =	stream.indirect_vreg.gather [hbm4b:s3+s2], $0x80, v3, vm0, $0xb8;
	[tilespmem:$0x1A100] =	vst v63  }
0x2c: {  	s26 =	simm.s32 $0x2000  }
0x2d: {  	[tilespmem:s26], [sflag:$0x1] =	stream.indirect_vreg.gather [hbm4b:s7+s2], $0x80, v3, vm0, $0xb8;
	[tilespmem:$0x1A100] =	vst v63  }
0x2e: {  	s23 =	simm.s32 $0x2800  }
0x2f: {  	[tilespmem:s23], [sflag:$0x1] =	stream.indirect_vreg.gather [hbm4b:s8+s2], $0x80, v3, vm0, $0xb8;
	[tilespmem:$0x1A100] =	vst v63  }
0x30: {  	v3 =	vld [tilespmem:$0x18010];
	_ =	sdelay $0x4  }
0x31: {  	v4 =	vshrl.u32 v3, $0x3  }
0x32: {  	v4 =	vmul.u32 $0x30, v4  }
0x33: {  	v3 =	vand.u32 $0x7, v3  }
0x34: {  	v3 =	vor.u32 v3, v4  }
0x35: {  	v4 =	vperm.xlane v3, v0;
	_ =	sdelay $0x1  }
0x36: {  	v4 =	vadd.s32 v1, v4;
	_ =	sdelay $0x3  }
0x37: {  	s24 =	simm.s32 $0x3000;
	v3 =	vperm.xlane v3, v2  }
0x38: {  	[tilespmem:s24], [sflag:$0x1] =	stream.indirect_vreg.gather [hbm4b:s3+s2], $0x80, v4, vm0, $0xb8;
	[tilespmem:$0x1A100] =	vst v63  }
0x39: {  	s25 =	simm.s32 $0x3800;
	v3 =	vadd.s32 v1, v3  }
0x3a: {  	[tilespmem:s25], [sflag:$0x1] =	stream.indirect_vreg.gather [hbm4b:s7+s2], $0x80, v4, vm0, $0xb8;
	[tilespmem:$0x1A100] =	vst v63  }
0x3b: {  	s26 =	simm.s32 $0x4000  }
0x3c: {  	[tilespmem:s26], [sflag:$0x1] =	stream.indirect_vreg.gather [hbm4b:s8+s2], $0x80, v4, vm0, $0xb8;
	[tilespmem:$0x1A100] =	vst v63  }
0x3d: {  	s23 =	simm.s32 $0x4800  }
0x3e: {  	[tilespmem:s23], [sflag:$0x1] =	stream.indirect_vreg.gather [hbm4b:s3+s2], $0x80, v3, vm0, $0xb8;
	[tilespmem:$0x1A100] =	vst v63  }
0x3f: {  	s24 =	simm.s32 $0x5000  }
0x40: {  	[tilespmem:s24], [sflag:$0x1] =	stream.indirect_vreg.gather [hbm4b:s7+s2], $0x80, v3, vm0, $0xb8;
	[tilespmem:$0x1A100] =	vst v63  }
0x41: {  	s25 =	simm.s32 $0x5800  }
0x42: {  	[tilespmem:s25], [sflag:$0x1] =	stream.indirect_vreg.gather [hbm4b:s8+s2], $0x80, v3, vm0, $0xb8;
	[tilespmem:$0x1A100] =	vst v63  }
0x43: {  	v3 =	vld [tilespmem:$0x18020];
	_ =	sdelay $0x4  }
0x44: {  	v4 =	vshrl.u32 v3, $0x3  }
0x45: {  	v4 =	vmul.u32 $0x30, v4  }
0x46: {  	v3 =	vand.u32 $0x7, v3  }
0x47: {  	v3 =	vor.u32 v3, v4  }
0x48: {  	v4 =	vperm.xlane v3, v0;
	_ =	sdelay $0x1  }
0x49: {  	v4 =	vadd.s32 v1, v4;
	_ =	sdelay $0x3  }
0x4a: {  	s26 =	simm.s32 $0x6000;
	v3 =	vperm.xlane v3, v2  }
0x4b: {  	[tilespmem:s26], [sflag:$0x1] =	stream.indirect_vreg.gather [hbm4b:s3+s2], $0x80, v4, vm0, $0xb8;
	[tilespmem:$0x1A100] =	vst v63  }
0x4c: {  	s23 =	simm.s32 $0x6800;
	v3 =	vadd.s32 v1, v3  }
0x4d: {  	[tilespmem:s23], [sflag:$0x1] =	stream.indirect_vreg.gather [hbm4b:s7+s2], $0x80, v4, vm0, $0xb8;
	[tilespmem:$0x1A100] =	vst v63  }
0x4e: {  	s24 =	simm.s32 $0x7000  }
0x4f: {  	[tilespmem:s24], [sflag:$0x1] =	stream.indirect_vreg.gather [hbm4b:s8+s2], $0x80, v4, vm0, $0xb8;
	[tilespmem:$0x1A100] =	vst v63  }
0x50: {  	s25 =	simm.s32 $0x7800  }
0x51: {  	[tilespmem:s25], [sflag:$0x1] =	stream.indirect_vreg.gather [hbm4b:s3+s2], $0x80, v3, vm0, $0xb8;
	[tilespmem:$0x1A100] =	vst v63  }
0x52: {  	s26 =	simm.s32 $0x8000  }
0x53: {  	[tilespmem:s26], [sflag:$0x1] =	stream.indirect_vreg.gather [hbm4b:s7+s2], $0x80, v3, vm0, $0xb8;
	[tilespmem:$0x1A100] =	vst v63  }
0x54: {  	s23 =	simm.s32 $0x8800  }
0x55: {  	[tilespmem:s23], [sflag:$0x1] =	stream.indirect_vreg.gather [hbm4b:s8+s2], $0x80, v3, vm0, $0xb8;
	[tilespmem:$0x1A100] =	vst v63  }
0x56: {  	v3 =	vld [tilespmem:$0x18030];
	_ =	sdelay $0x4  }
0x57: {  	v4 =	vshrl.u32 v3, $0x3  }
0x58: {  	v4 =	vmul.u32 $0x30, v4  }
0x59: {  	v3 =	vand.u32 $0x7, v3  }
0x5a: {  	v3 =	vor.u32 v3, v4  }
0x5b: {  	v4 =	vperm.xlane v3, v0;
	_ =	sdelay $0x1  }
0x5c: {  	v4 =	vadd.s32 v1, v4;
	_ =	sdelay $0x3  }
0x5d: {  	s24 =	simm.s32 $0x9000;
	v3 =	vperm.xlane v3, v2  }
0x5e: {  	[tilespmem:s24], [sflag:$0x1] =	stream.indirect_vreg.gather [hbm4b:s3+s2], $0x80, v4, vm0, $0xb8;
	[tilespmem:$0x1A100] =	vst v63  }
0x5f: {  	s25 =	simm.s32 $0x9800;
	v3 =	vadd.s32 v1, v3  }
0x60: {  	[tilespmem:s25], [sflag:$0x1] =	stream.indirect_vreg.gather [hbm4b:s7+s2], $0x80, v4, vm0, $0xb8;
	[tilespmem:$0x1A100] =	vst v63  }
0x61: {  	s26 =	simm.s32 $0xA000  }
0x62: {  	[tilespmem:s26], [sflag:$0x1] =	stream.indirect_vreg.gather [hbm4b:s8+s2], $0x80, v4, vm0, $0xb8;
	[tilespmem:$0x1A100] =	vst v63  }
0x63: {  	s23 =	simm.s32 $0xA800  }
0x64: {  	[tilespmem:s23], [sflag:$0x1] =	stream.indirect_vreg.gather [hbm4b:s3+s2], $0x80, v3, vm0, $0xb8;
	[tilespmem:$0x1A100] =	vst v63  }
0x65: {  	s24 =	simm.s32 $0xB000  }
0x66: {  	[tilespmem:s24], [sflag:$0x1] =	stream.indirect_vreg.gather [hbm4b:s7+s2], $0x80, v3, vm0, $0xb8;
	[tilespmem:$0x1A100] =	vst v63  }
0x67: {  	s25 =	simm.s32 $0xB800  }
0x68: {  	[tilespmem:s25], [sflag:$0x1] =	stream.indirect_vreg.gather [hbm4b:s8+s2], $0x80, v3, vm0, $0xb8;
	[tilespmem:$0x1A100] =	vst v63  }
0x69: {  	v3 =	vld [tilespmem:$0x18080];
	_ =	sdelay $0x4  }
0x6a: {  	v4 =	vshrl.u32 v3, $0x3  }
0x6b: {  	v4 =	vmul.u32 $0x30, v4  }
0x6c: {  	v3 =	vand.u32 $0x7, v3  }
0x6d: {  	v3 =	vor.u32 v3, v4  }
0x6e: {  	v4 =	vperm.xlane v3, v0;
	_ =	sdelay $0x1  }
0x6f: {  	v4 =	vadd.s32 v1, v4;
	_ =	sdelay $0x3  }
0x70: {  	s26 =	simm.s32 $0xC000;
	v3 =	vperm.xlane v3, v2  }
0x71: {  	[tilespmem:s26], [sflag:$0x1] =	stream.indirect_vreg.gather [hbm4b:s3+s2], $0x80, v4, vm0, $0xb8;
	[tilespmem:$0x1A100] =	vst v63  }
0x72: {  	s23 =	simm.s32 $0xC800;
	v3 =	vadd.s32 v1, v3  }
0x73: {  	[tilespmem:s23], [sflag:$0x1] =	stream.indirect_vreg.gather [hbm4b:s7+s2], $0x80, v4, vm0, $0xb8;
	[tilespmem:$0x1A100] =	vst v63  }
0x74: {  	s24 =	simm.s32 $0xD000  }
0x75: {  	[tilespmem:s24], [sflag:$0x1] =	stream.indirect_vreg.gather [hbm4b:s8+s2], $0x80, v4, vm0, $0xb8;
	[tilespmem:$0x1A100] =	vst v63  }
0x76: {  	s25 =	simm.s32 $0xD800  }
0x77: {  	[tilespmem:s25], [sflag:$0x1] =	stream.indirect_vreg.gather [hbm4b:s3+s2], $0x80, v3, vm0, $0xb8;
	[tilespmem:$0x1A100] =	vst v63  }
0x78: {  	s26 =	simm.s32 $0xE000  }
0x79: {  	[tilespmem:s26], [sflag:$0x1] =	stream.indirect_vreg.gather [hbm4b:s7+s2], $0x80, v3, vm0, $0xb8;
	[tilespmem:$0x1A100] =	vst v63  }
0x7a: {  	s23 =	simm.s32 $0xE800  }
0x7b: {  	[tilespmem:s23], [sflag:$0x1] =	stream.indirect_vreg.gather [hbm4b:s8+s2], $0x80, v3, vm0, $0xb8;
	[tilespmem:$0x1A100] =	vst v63  }
0x7c: {  	v3 =	vld [tilespmem:$0x18090];
	_ =	sdelay $0x4  }
0x7d: {  	v4 =	vshrl.u32 v3, $0x3  }
0x7e: {  	v4 =	vmul.u32 $0x30, v4  }
0x7f: {  	v3 =	vand.u32 $0x7, v3  }
0x80: {  	v3 =	vor.u32 v3, v4  }
0x81: {  	v4 =	vperm.xlane v3, v0;
	_ =	sdelay $0x1  }
0x82: {  	v4 =	vadd.s32 v1, v4;
	_ =	sdelay $0x3  }
0x83: {  	s24 =	simm.s32 $0xF000;
	v3 =	vperm.xlane v3, v2  }
0x84: {  	[tilespmem:s24], [sflag:$0x1] =	stream.indirect_vreg.gather [hbm4b:s3+s2], $0x80, v4, vm0, $0xb8;
	[tilespmem:$0x1A100] =	vst v63  }
0x85: {  	s25 =	simm.s32 $0xF800;
	v3 =	vadd.s32 v1, v3  }
0x86: {  	[tilespmem:s25], [sflag:$0x1] =	stream.indirect_vreg.gather [hbm4b:s7+s2], $0x80, v4, vm0, $0xb8;
	[tilespmem:$0x1A100] =	vst v63  }
0x87: {  	s26 =	simm.s32 $0x10000  }
0x88: {  	[tilespmem:s26], [sflag:$0x1] =	stream.indirect_vreg.gather [hbm4b:s8+s2], $0x80, v4, vm0, $0xb8;
	[tilespmem:$0x1A100] =	vst v63  }
0x89: {  	s23 =	simm.s32 $0x10800  }
0x8a: {  	[tilespmem:s23], [sflag:$0x1] =	stream.indirect_vreg.gather [hbm4b:s3+s2], $0x80, v3, vm0, $0xb8;
	[tilespmem:$0x1A100] =	vst v63  }
0x8b: {  	s24 =	simm.s32 $0x11000  }
0x8c: {  	[tilespmem:s24], [sflag:$0x1] =	stream.indirect_vreg.gather [hbm4b:s7+s2], $0x80, v3, vm0, $0xb8;
	[tilespmem:$0x1A100] =	vst v63  }
0x8d: {  	_ = 	snop  }
0x8e: {  	[tilespmem:s28], [sflag:$0x1] =	stream.indirect_vreg.gather [hbm4b:s8+s2], $0x80, v3, vm0, $0xb8;
	[tilespmem:$0x1A100] =	vst v63  }
0x8f: {  	v3 =	vld [tilespmem:$0x180A0];
	_ =	sdelay $0x4  }
0x90: {  	v4 =	vshrl.u32 v3, $0x3  }
0x91: {  	v4 =	vmul.u32 $0x30, v4  }
0x92: {  	v3 =	vand.u32 $0x7, v3  }
0x93: {  	v3 =	vor.u32 v3, v4  }
0x94: {  	v4 =	vperm.xlane v3, v0;
	_ =	sdelay $0x1  }
0x95: {  	v4 =	vadd.s32 v1, v4;
	_ =	sdelay $0x3  }
0x96: {  	v3 =	vperm.xlane v3, v2  }
0x97: {  	[tilespmem:s29], [sflag:$0x1] =	stream.indirect_vreg.gather [hbm4b:s3+s2], $0x80, v4, vm0, $0xb8;
	[tilespmem:$0x1A100] =	vst v63  }
0x98: {  	v3 =	vadd.s32 v1, v3  }
0x99: {  	[tilespmem:s30], [sflag:$0x1] =	stream.indirect_vreg.gather [hbm4b:s7+s2], $0x80, v4, vm0, $0xb8;
	[tilespmem:$0x1A100] =	vst v63  }
0x9a: {  	_ = 	snop  }
0x9b: {  	[tilespmem:s31], [sflag:$0x1] =	stream.indirect_vreg.gather [hbm4b:s8+s2], $0x80, v4, vm0, $0xb8;
	[tilespmem:$0x1A100] =	vst v63  }
0x9c: {  	_ = 	snop  }
0x9d: {  	[tilespmem:s0], [sflag:$0x1] =	stream.indirect_vreg.gather [hbm4b:s3+s2], $0x80, v3, vm0, $0xb8;
	[tilespmem:$0x1A100] =	vst v63  }
0x9e: {  	_ = 	snop  }
0x9f: {  	[tilespmem:s1], [sflag:$0x1] =	stream.indirect_vreg.gather [hbm4b:s7+s2], $0x80, v3, vm0, $0xb8;
	[tilespmem:$0x1A100] =	vst v63  }
0xa0: {  	_ = 	snop  }
0xa1: {  	[tilespmem:s11], [sflag:$0x1] =	stream.indirect_vreg.gather [hbm4b:s8+s2], $0x80, v3, vm0, $0xb8;
	[tilespmem:$0x1A100] =	vst v63  }
0xa2: {  	v3 =	vld [tilespmem:$0x180B0];
	_ =	sdelay $0x4  }
0xa3: {  	v4 =	vshrl.u32 v3, $0x3  }
0xa4: {  	v4 =	vmul.u32 $0x30, v4  }
0xa5: {  	v3 =	vand.u32 $0x7, v3  }
0xa6: {  	v3 =	vor.u32 v3, v4  }
0xa7: {  	v4 =	vperm.xlane v3, v0;
	_ =	sdelay $0x1  }
0xa8: {  	v4 =	vadd.s32 v1, v4;
	_ =	sdelay $0x3  }
0xa9: {  	v3 =	vperm.xlane v3, v2  }
0xaa: {  	[tilespmem:s13], [sflag:$0x1] =	stream.indirect_vreg.gather [hbm4b:s3+s2], $0x80, v4, vm0, $0xb8;
	[tilespmem:$0x1A100] =	vst v63  }
0xab: {  	v3 =	vadd.s32 v1, v3  }
0xac: {  	[tilespmem:s14], [sflag:$0x1] =	stream.indirect_vreg.gather [hbm4b:s7+s2], $0x80, v4, vm0, $0xb8;
	[tilespmem:$0x1A100] =	vst v63  }
0xad: {  	_ = 	snop  }
0xae: {  	[tilespmem:s15], [sflag:$0x1] =	stream.indirect_vreg.gather [hbm4b:s8+s2], $0x80, v4, vm0, $0xb8;
	[tilespmem:$0x1A100] =	vst v63  }
0xaf: {  	_ = 	snop  }
0xb0: {  	[tilespmem:s16], [sflag:$0x1] =	stream.indirect_vreg.gather [hbm4b:s3+s2], $0x80, v3, vm0, $0xb8;
	[tilespmem:$0x1A100] =	vst v63  }
0xb1: {  	_ = 	snop  }
0xb2: {  	[tilespmem:s17], [sflag:$0x1] =	stream.indirect_vreg.gather [hbm4b:s7+s2], $0x80, v3, vm0, $0xb8;
	[tilespmem:$0x1A100] =	vst v63  }
0xb3: {  	_ = 	snop  }
0xb4: {  	[tilespmem:s18], [sflag:$0x1] =	stream.indirect_vreg.gather [hbm4b:s8+s2], $0x80, v3, vm0, $0xb8;
	[tilespmem:$0x1A100] =	vst v63  }
0xb5: {  	_ =	swait.ge [sflag:s19], $0xC000  }
0xb6: {  	[sflag:s19] =	ssyncset.done $0x0  }
0xb7: {  	s25 =	simm.s32 $0x0;
	[sflag:s19] =	ssyncadd.s32 $0xFFFF4000  }
0xb8: {  	s22 =	smul.u32 $0x1800, s25;
	_ =	swait.ge [sflag:s19], $0xC000  }
0xb9: {  	s23 =	sand.u32 $0x380, s2;
	[sflag:s19] =	ssyncset.done $0x0  }
0xba: {  	s24 =	sor.u32 s23, s22;
	[sflag:s19] =	ssyncadd.s32 $0xFFFF4000  }
0xbb: {  	v29 =	vld [tilespmem:s24+$0xC000]  }
0xbc: {  	v30 =	vld [tilespmem:s24+$0xC010]  }
0xbd: {  	v31 =	vld [tilespmem:s24+$0xC020]  }
0xbe: {  	v32 =	vld [tilespmem:s24+$0xC030]  }
0xbf: {  	v33 =	vld [tilespmem:s24+$0xC040]  }
0xc0: {  	v34 =	vld [tilespmem:s24+$0xC050]  }
0xc1: {  	v35 =	vld [tilespmem:s24+$0xC060]  }
0xc2: {  	v36 =	vld [tilespmem:s24+$0xC070]  }
0xc3: {  	v37 =	vld [tilespmem:s24+$0xC400]  }
0xc4: {  	v38 =	vld [tilespmem:s24+$0xC410]  }
0xc5: {  	v39 =	vld [tilespmem:s24+$0xC420]  }
0xc6: {  	v40 =	vld [tilespmem:s24+$0xC430]  }
0xc7: {  	v41 =	vld [tilespmem:s24+$0xC440]  }
0xc8: {  	v42 =	vld [tilespmem:s24+$0xC450]  }
0xc9: {  	v43 =	vld [tilespmem:s24+$0xC460]  }
0xca: {  	v44 =	vld [tilespmem:s24+$0xC470]  }
0xcb: {  	v45 =	vld [tilespmem:s24+$0xC800]  }
0xcc: {  	v46 =	vld [tilespmem:s24+$0xC810]  }
0xcd: {  	v47 =	vld [tilespmem:s24+$0xC820]  }
0xce: {  	v48 =	vld [tilespmem:s24+$0xC830]  }
0xcf: {  	v28 =	vld [tilespmem:s24+$0xC840]  }
0xd0: {  	v27 =	vld [tilespmem:s24+$0xC850]  }
0xd1: {  	v26 =	vld [tilespmem:s24+$0xC860]  }
0xd2: {  	v25 =	vld [tilespmem:s24+$0xC870]  }
0xd3: {  	v24 =	vld [tilespmem:s24+$0xCC00]  }
0xd4: {  	v23 =	vld [tilespmem:s24+$0xCC10]  }
0xd5: {  	v22 =	vld [tilespmem:s24+$0xCC20]  }
0xd6: {  	v21 =	vld [tilespmem:s24+$0xCC30]  }
0xd7: {  	v20 =	vld [tilespmem:s24+$0xCC40]  }
0xd8: {  	v19 =	vld [tilespmem:s24+$0xCC50]  }
0xd9: {  	v18 =	vld [tilespmem:s24+$0xCC60]  }
0xda: {  	v17 =	vld [tilespmem:s24+$0xCC70]  }
0xdb: {  	v16 =	vld [tilespmem:s24+$0xD000]  }
0xdc: {  	v15 =	vld [tilespmem:s24+$0xD010]  }
0xdd: {  	v14 =	vld [tilespmem:s24+$0xD020]  }
0xde: {  	v13 =	vld [tilespmem:s24+$0xD030]  }
0xdf: {  	v12 =	vld [tilespmem:s24+$0xD040]  }
0xe0: {  	v11 =	vld [tilespmem:s24+$0xD050]  }
0xe1: {  	v10 =	vld [tilespmem:s24+$0xD060]  }
0xe2: {  	v9 =	vld [tilespmem:s24+$0xD070]  }
0xe3: {  	v8 =	vld [tilespmem:s24+$0xD400]  }
0xe4: {  	v7 =	vld [tilespmem:s24+$0xD410]  }
0xe5: {  	v6 =	vld [tilespmem:s24+$0xD420]  }
0xe6: {  	v4 =	vld [tilespmem:s21+$0x0]  }
0xe7: {  	v5 =	vld [tilespmem:s24+$0xD430]  }
0xe8: {  	v49 =	vld [tilespmem:s24+$0x0]  }
0xe9: {  	v50 =	vld [tilespmem:s24+$0x10]  }
0xea: {  	v51 =	vld [tilespmem:s24+$0x20]  }
0xeb: {  	v52 =	vld [tilespmem:s24+$0x30];
	v3 =	vbroadcast v4, $0x0;
	v4 =	vbroadcast v4, $0x1  }
0xec: {  	v53 =	vld [tilespmem:s24+$0x40]  }
0xed: {  	v54 =	vld [tilespmem:s24+$0x50];
	v49 =	vmul.f32 v3, v49;
	v29 =	vmul.f32 v29, v4  }
0xee: {  	v55 =	vld [tilespmem:s24+$0x60];
	v50 =	vmul.f32 v50, v3;
	v30 =	vmul.f32 v30, v4  }
0xef: {  	v61 =	vld [tilespmem:s24+$0x70];
	v60 =	vmul.f32 v51, v3;
	v31 =	vmul.f32 v31, v4;
	v29 =	vadd.f32 v29, v49  }
0xf0: {  	v63 =	vld [tilespmem:s24+$0x400];
	v62 =	vmul.f32 v52, v3;
	v32 =	vmul.f32 v32, v4;
	v30 =	vadd.f32 v30, v50  }
0xf1: {  	v33 =	vmul.f32 v33, v4;
	[tilespmem:s24+$0x0] =	vst v29;
	v29 =	vadd.f32 v31, v60;
	v31 =	vmul.f32 v53, v3;
	v53 =	vld [tilespmem:s24+$0x410]  }
0xf2: {  	v56 =	vld [tilespmem:s24+$0x420];
	v54 =	vmul.f32 v54, v3;
	v34 =	vmul.f32 v34, v4;
	[tilespmem:s24+$0x10] =	vst v30;
	v30 =	vadd.f32 v32, v62  }
0xf3: {  	v58 =	vld [tilespmem:s24+$0x430];
	v57 =	vmul.f32 v35, v4;
	[tilespmem:s24+$0x20] =	vst v29;
	v29 =	vadd.f32 v33, v31;
	v31 =	vmul.f32 v55, v3  }
0xf4: {  	v59 =	vmul.f32 v61, v3;
	v61 =	vld [tilespmem:s24+$0x440];
	v60 =	vmul.f32 v36, v4;
	[tilespmem:s24+$0x30] =	vst v30;
	v30 =	vadd.f32 v34, v54  }
0xf5: {  	v62 =	vmul.f32 v37, v4;
	[tilespmem:s24+$0x40] =	vst v29;
	v29 =	vadd.f32 v57, v31;
	v31 =	vmul.f32 v63, v3;
	v63 =	vld [tilespmem:s24+$0x450]  }
0xf6: {  	v51 =	vmul.f32 v38, v4;
	v52 =	vld [tilespmem:s24+$0x460];
	[tilespmem:s24+$0x50] =	vst v30;
	v30 =	vadd.f32 v60, v59;
	v49 =	vmul.f32 v53, v3  }
0xf7: {  	v54 =	vld [tilespmem:s24+$0x470];
	v53 =	vmul.f32 v39, v4;
	[tilespmem:s24+$0x60] =	vst v29;
	v29 =	vadd.f32 v62, v31;
	v31 =	vmul.f32 v56, v3  }
0xf8: {  	v55 =	vmul.f32 v58, v3;
	v57 =	vld [tilespmem:s24+$0x800];
	[tilespmem:s24+$0x70] =	vst v30;
	v56 =	vmul.f32 v40, v4;
	v30 =	vadd.f32 v51, v49  }
0xf9: {  	v58 =	vmul.f32 v41, v4;
	v59 =	vld [tilespmem:s24+$0x810];
	[tilespmem:s24+$0x400] =	vst v29;
	v29 =	vadd.f32 v53, v31;
	v31 =	vmul.f32 v61, v3  }
0xfa: {  	v62 =	vld [tilespmem:s24+$0x820];
	v61 =	vmul.f32 v42, v4;
	[tilespmem:s24+$0x410] =	vst v30;
	v30 =	vadd.f32 v56, v55;
	v60 =	vmul.f32 v63, v3  }
0xfb: {  	v42 =	vld [tilespmem:s24+$0x830];
	v63 =	vmul.f32 v43, v4;
	[tilespmem:s24+$0x420] =	vst v29;
	v29 =	vadd.f32 v58, v31;
	v31 =	vmul.f32 v52, v3  }
0xfc: {  	v44 =	vmul.f32 v44, v4;
	v49 =	vld [tilespmem:s24+$0x840];
	v43 =	vmul.f32 v54, v3;
	[tilespmem:s24+$0x430] =	vst v30;
	v30 =	vadd.f32 v61, v60  }
0xfd: {  	v50 =	vmul.f32 v45, v4;
	v51 =	vld [tilespmem:s24+$0x850];
	[tilespmem:s24+$0x440] =	vst v29;
	v29 =	vadd.f32 v63, v31;
	v31 =	vmul.f32 v57, v3  }
0xfe: {  	v53 =	vmul.f32 v46, v4;
	v54 =	vld [tilespmem:s24+$0x860];
	v52 =	vmul.f32 v59, v3;
	[tilespmem:s24+$0x450] =	vst v30;
	v30 =	vadd.f32 v44, v43  }
0xff: {  	v55 =	vmul.f32 v47, v4;
	v56 =	vld [tilespmem:s24+$0x870];
	[tilespmem:s24+$0x460] =	vst v29;
	v29 =	vadd.f32 v50, v31;
	v31 =	vmul.f32 v62, v3  }
0x100: {  	v58 =	vmul.f32 v48, v4;
	v59 =	vld [tilespmem:s24+$0xC00];
	v57 =	vmul.f32 v42, v3;
	[tilespmem:s24+$0x470] =	vst v30;
	v30 =	vadd.f32 v53, v52  }
0x101: {  	v28 =	vmul.f32 v28, v4;
	v60 =	vld [tilespmem:s24+$0xC10];
	[tilespmem:s24+$0x800] =	vst v29;
	v29 =	vadd.f32 v55, v31;
	v31 =	vmul.f32 v49, v3  }
0x102: {  	v27 =	vmul.f32 v27, v4;
	v61 =	vmul.f32 v51, v3;
	v62 =	vld [tilespmem:s24+$0xC20];
	[tilespmem:s24+$0x810] =	vst v30;
	v30 =	vadd.f32 v58, v57  }
0x103: {  	v26 =	vmul.f32 v26, v4;
	[tilespmem:s24+$0x820] =	vst v29;
	v28 =	vadd.f32 v28, v31;
	v29 =	vmul.f32 v54, v3;
	v31 =	vld [tilespmem:s24+$0xC30]  }
0x104: {  	v25 =	vmul.f32 v25, v4;
	v63 =	vld [tilespmem:s24+$0xC40];
	v27 =	vadd.f32 v27, v61;
	[tilespmem:s24+$0x830] =	vst v30;
	v30 =	vmul.f32 v56, v3  }
0x105: {  	v24 =	vmul.f32 v24, v4;
	[tilespmem:s24+$0x840] =	vst v28;
	v26 =	vadd.f32 v26, v29;
	v28 =	vmul.f32 v59, v3;
	v29 =	vld [tilespmem:s24+$0xC50]  }
0x106: {  	v23 =	vmul.f32 v23, v4;
	[tilespmem:s24+$0x850] =	vst v27;
	v27 =	vmul.f32 v60, v3;
	v25 =	vadd.f32 v25, v30;
	v30 =	vld [tilespmem:s24+$0xC60]  }
0x107: {  	v22 =	vmul.f32 v22, v4;
	[tilespmem:s24+$0x860] =	vst v26;
	v24 =	vadd.f32 v24, v28;
	v26 =	vmul.f32 v62, v3;
	v28 =	vld [tilespmem:s24+$0xC70]  }
0x108: {  	v21 =	vmul.f32 v21, v4;
	v23 =	vadd.f32 v23, v27;
	v27 =	vld [tilespmem:s24+$0x1000];
	[tilespmem:s24+$0x870] =	vst v25;
	v25 =	vmul.f32 v31, v3  }
0x109: {  	v20 =	vmul.f32 v20, v4;
	[tilespmem:s24+$0xC00] =	vst v24;
	v22 =	vadd.f32 v22, v26;
	v24 =	vmul.f32 v63, v3;
	v26 =	vld [tilespmem:s24+$0x1010]  }
0x10a: {  	v19 =	vmul.f32 v19, v4;
	[tilespmem:s24+$0xC10] =	vst v23;
	v21 =	vadd.f32 v21, v25;
	v23 =	vmul.f32 v29, v3;
	v25 =	vld [tilespmem:s24+$0x1020]  }
0x10b: {  	v18 =	vmul.f32 v18, v4;
	[tilespmem:s24+$0xC20] =	vst v22;
	v20 =	vadd.f32 v20, v24;
	v22 =	vmul.f32 v30, v3;
	v24 =	vld [tilespmem:s24+$0x1030]  }
0x10c: {  	v17 =	vmul.f32 v17, v4;
	[tilespmem:s24+$0xC30] =	vst v21;
	v19 =	vadd.f32 v19, v23;
	v21 =	vmul.f32 v28, v3;
	v23 =	vld [tilespmem:s24+$0x1040]  }
0x10d: {  	v18 =	vadd.f32 v18, v22;
	v22 =	vld [tilespmem:s24+$0x1050]  }
0x10e: {  	v16 =	vmul.f32 v16, v4;
	[tilespmem:s24+$0xC40] =	vst v20;
	v20 =	vmul.f32 v27, v3;
	v17 =	vadd.f32 v17, v21;
	v21 =	vld [tilespmem:s24+$0x1060]  }
0x10f: {  	v15 =	vmul.f32 v15, v4;
	[tilespmem:s24+$0xC50] =	vst v19;
	v19 =	vmul.f32 v26, v3;
	v26 =	vld [tilespmem:s24+$0xD440]  }
0x110: {  	v14 =	vmul.f32 v14, v4;
	[tilespmem:s24+$0xC60] =	vst v18;
	v16 =	vadd.f32 v16, v20;
	v18 =	vmul.f32 v25, v3;
	v20 =	vld [tilespmem:s24+$0x1070]  }
0x111: {  	v13 =	vmul.f32 v13, v4;
	[tilespmem:s24+$0xC70] =	vst v17;
	v15 =	vadd.f32 v15, v19;
	v17 =	vmul.f32 v24, v3;
	v19 =	vld [tilespmem:s24+$0xD450]  }
0x112: {  	v12 =	vmul.f32 v12, v4;
	[tilespmem:s24+$0x1000] =	vst v16;
	v14 =	vadd.f32 v14, v18;
	v16 =	vmul.f32 v23, v3;
	v18 =	vld [tilespmem:s24+$0x1400]  }
0x113: {  	v11 =	vmul.f32 v11, v4;
	[tilespmem:s24+$0x1010] =	vst v15;
	v13 =	vadd.f32 v13, v17;
	v15 =	vmul.f32 v22, v3;
	v17 =	vld [tilespmem:s24+$0xD460]  }
0x114: {  	v10 =	vmul.f32 v10, v4;
	[tilespmem:s24+$0x1020] =	vst v14;
	v12 =	vadd.f32 v12, v16;
	v14 =	vmul.f32 v21, v3;
	v16 =	vld [tilespmem:s24+$0x1410]  }
0x115: {  	s26 =	simm.s32 $0x0;
	[tilespmem:s24+$0x1030] =	vst v13;
	v11 =	vadd.f32 v11, v15;
	v13 =	vld [tilespmem:s24+$0xD470]  }
0x116: {  	s22 =	smul.u32 $0x1800, s26;
	s23 =	simm.s32 $0x80;
	v9 =	vmul.f32 v9, v4;
	v15 =	vmul.f32 v20, v3;
	[tilespmem:s24+$0x1040] =	vst v12;
	v10 =	vadd.f32 v10, v14;
	v12 =	vld [tilespmem:s24+$0x1420]  }
0x117: {  	s25 =	sand.u32 $0x380, s23;
	[tilespmem:s24+$0x1050] =	vst v11;
	v11 =	vld [tilespmem:s24+$0x1430]  }
0x118: {  	s22 =	sor.u32 s25, s22;
	v8 =	vmul.f32 v8, v4;
	v14 =	vmul.f32 v18, v3;
	v9 =	vadd.f32 v9, v15;
	[tilespmem:s24+$0x1060] =	vst v10;
	v10 =	vld [tilespmem:s24+$0x1440]  }
0x119: {  	v44 =	vld [tilespmem:s22+$0xC000]  }
0x11a: {  	v7 =	vmul.f32 v7, v4;
	v15 =	vmul.f32 v16, v3;
	v8 =	vadd.f32 v8, v14;
	[tilespmem:s24+$0x1070] =	vst v9;
	v9 =	vld [tilespmem:s24+$0x1450]  }
0x11b: {  	v46 =	vld [tilespmem:s22+$0xC010]  }
0x11c: {  	v7 =	vadd.f32 v7, v15;
	[tilespmem:s24+$0x1400] =	vst v8;
	v8 =	vld [tilespmem:s24+$0x1460]  }
0x11d: {  	v6 =	vmul.f32 v6, v4;
	v12 =	vmul.f32 v12, v3;
	v47 =	vld [tilespmem:s22+$0xC020]  }
0x11e: {  	v5 =	vmul.f32 v5, v4;
	v11 =	vmul.f32 v11, v3;
	[tilespmem:s24+$0x1410] =	vst v7;
	v7 =	vld [tilespmem:s24+$0x1470]  }
0x11f: {  	v6 =	vadd.f32 v6, v12  }
0x120: {  	v10 =	vmul.f32 v10, v3;
	v12 =	vmul.f32 v26, v4;
	v5 =	vadd.f32 v5, v11  }
0x121: {  	v49 =	vld [tilespmem:s22+$0xC030];
	[tilespmem:s24+$0x1420] =	vst v6;
	v6 =	vmul.f32 v9, v3;
	v9 =	vmul.f32 v19, v4  }
0x122: {  	v10 =	vadd.f32 v12, v10;
	v51 =	vld [tilespmem:s22+$0xC040];
	[tilespmem:s24+$0x1430] =	vst v5;
	v5 =	vmul.f32 v8, v3;
	v8 =	vmul.f32 v17, v4  }
0x123: {  	v4 =	vmul.f32 v13, v4;
	v6 =	vadd.f32 v9, v6;
	v3 =	vmul.f32 v7, v3  }
0x124: {  	v52 =	vld [tilespmem:s22+$0xC050];
	[tilespmem:s24+$0x1440] =	vst v10;
	v5 =	vadd.f32 v8, v5  }
0x125: {  	v50 =	vld [tilespmem:s22+$0xC060];
	[tilespmem:s24+$0x1450] =	vst v6;
	v3 =	vadd.f32 v4, v3  }
0x126: {  	v48 =	vld [tilespmem:s22+$0xC070];
	[tilespmem:s24+$0x1460] =	vst v5  }
0x127: {  	v45 =	vld [tilespmem:s22+$0xC400];
	[tilespmem:s24+$0x1470] =	vst v3  }
0x128: {  	v43 =	vld [tilespmem:s22+$0xC410]  }
0x129: {  	v42 =	vld [tilespmem:s22+$0xC420]  }
0x12a: {  	v41 =	vld [tilespmem:s22+$0xC430]  }
0x12b: {  	v40 =	vld [tilespmem:s22+$0xC440]  }
0x12c: {  	v39 =	vld [tilespmem:s22+$0xC450]  }
0x12d: {  	v38 =	vld [tilespmem:s22+$0xC460]  }
0x12e: {  	v35 =	vld [tilespmem:s22+$0xC470]  }
0x12f: {  	v32 =	vld [tilespmem:s22+$0xC800]  }
0x130: {  	v31 =	vld [tilespmem:s22+$0xC810]  }
0x131: {  	v30 =	vld [tilespmem:s22+$0xC820]  }
0x132: {  	v29 =	vld [tilespmem:s22+$0xC830]  }
0x133: {  	v28 =	vld [tilespmem:s22+$0xC840]  }
0x134: {  	v27 =	vld [tilespmem:s22+$0xC850]  }
0x135: {  	v26 =	vld [tilespmem:s22+$0xC860]  }
0x136: {  	v25 =	vld [tilespmem:s22+$0xC870]  }
0x137: {  	v24 =	vld [tilespmem:s22+$0xCC00]  }
0x138: {  	v23 =	vld [tilespmem:s22+$0xCC10]  }
0x139: {  	v22 =	vld [tilespmem:s22+$0xCC20]  }
0x13a: {  	v21 =	vld [tilespmem:s22+$0xCC30]  }
0x13b: {  	v20 =	vld [tilespmem:s22+$0xCC40]  }
0x13c: {  	v19 =	vld [tilespmem:s22+$0xCC50]  }
0x13d: {  	v18 =	vld [tilespmem:s22+$0xCC60]  }
0x13e: {  	v17 =	vld [tilespmem:s22+$0xCC70]  }
0x13f: {  	v16 =	vld [tilespmem:s22+$0xD000]  }
0x140: {  	v15 =	vld [tilespmem:s22+$0xD010]  }
0x141: {  	v14 =	vld [tilespmem:s22+$0xD020]  }
0x142: {  	v13 =	vld [tilespmem:s22+$0xD030]  }
0x143: {  	v12 =	vld [tilespmem:s22+$0xD040]  }
0x144: {  	v11 =	vld [tilespmem:s22+$0xD050]  }
0x145: {  	v10 =	vld [tilespmem:s22+$0xD060]  }
0x146: {  	v9 =	vld [tilespmem:s22+$0xD070]  }
0x147: {  	v8 =	vld [tilespmem:s22+$0xD400]  }
0x148: {  	v7 =	vld [tilespmem:s22+$0xD410]  }
0x149: {  	v6 =	vld [tilespmem:s22+$0xD420]  }
0x14a: {  	v5 =	vld [tilespmem:s22+$0xD430]  }
0x14b: {  	v4 =	vld [tilespmem:s22+$0xD440]  }
0x14c: {  	s24 =	simm.s32 $0x2;
	v3 =	vld [tilespmem:s22+$0xD450]  }
.LBB2_2:
0x14d: {  	p0 =	sne.s32 s24, $0x3F;
	v34 =	vld [tilespmem:s22+$0xD460];
	s21 =	sadd.s32 $0x80, s21  }
0x14e: {  	v37 =	vld [tilespmem:s21+$0x0]  }
0x14f: {  	v33 =	vld [tilespmem:s22+$0xD470]  }
0x150: {  	v53 =	vld [tilespmem:s22+$0x0]  }
0x151: {  	v54 =	vld [tilespmem:s22+$0x10]  }
0x152: {  	v55 =	vld [tilespmem:s22+$0x20]  }
0x153: {  	v36 =	vbroadcast v37, $0x0;
	v37 =	vbroadcast v37, $0x1;
	v56 =	vld [tilespmem:s22+$0x30]  }
0x154: {  	v57 =	vld [tilespmem:s22+$0x40]  }
0x155: {  	v53 =	vmul.f32 v36, v53;
	v44 =	vmul.f32 v44, v37;
	v58 =	vld [tilespmem:s22+$0x50]  }
0x156: {  	v46 =	vmul.f32 v46, v37;
	v54 =	vmul.f32 v54, v36;
	v59 =	vld [tilespmem:s22+$0x60]  }
0x157: {  	v47 =	vmul.f32 v47, v37;
	v44 =	vadd.f32 v44, v53;
	v53 =	vmul.f32 v55, v36;
	v55 =	vld [tilespmem:s22+$0x70]  }
0x158: {  	v49 =	vmul.f32 v49, v37;
	v46 =	vadd.f32 v46, v54;
	v54 =	vmul.f32 v56, v36;
	v56 =	vld [tilespmem:s22+$0x400]  }
0x159: {  	v51 =	vmul.f32 v51, v37;
	[tilespmem:s22+$0x0] =	vst v44;
	v44 =	vadd.f32 v47, v53;
	v47 =	vmul.f32 v57, v36;
	v53 =	vld [tilespmem:s22+$0x410]  }
0x15a: {  	v52 =	vmul.f32 v52, v37;
	[tilespmem:s22+$0x10] =	vst v46;
	v46 =	vadd.f32 v49, v54;
	v49 =	vmul.f32 v58, v36;
	v54 =	vld [tilespmem:s22+$0x420]  }
0x15b: {  	v50 =	vmul.f32 v50, v37;
	[tilespmem:s22+$0x20] =	vst v44;
	v44 =	vadd.f32 v51, v47;
	v47 =	vmul.f32 v59, v36;
	v51 =	vld [tilespmem:s22+$0x430]  }
0x15c: {  	v48 =	vmul.f32 v48, v37;
	[tilespmem:s22+$0x30] =	vst v46;
	v46 =	vadd.f32 v52, v49;
	v49 =	vmul.f32 v55, v36;
	v52 =	vld [tilespmem:s22+$0x440]  }
0x15d: {  	v45 =	vmul.f32 v45, v37;
	[tilespmem:s22+$0x40] =	vst v44;
	v44 =	vadd.f32 v50, v47;
	v47 =	vmul.f32 v56, v36;
	v50 =	vld [tilespmem:s22+$0x450]  }
0x15e: {  	v43 =	vmul.f32 v43, v37;
	[tilespmem:s22+$0x50] =	vst v46;
	v46 =	vadd.f32 v48, v49;
	v48 =	vmul.f32 v53, v36;
	v49 =	vld [tilespmem:s22+$0x460]  }
0x15f: {  	v42 =	vmul.f32 v42, v37;
	[tilespmem:s22+$0x60] =	vst v44;
	v44 =	vadd.f32 v45, v47;
	v45 =	vmul.f32 v54, v36;
	v47 =	vld [tilespmem:s22+$0x470]  }
0x160: {  	v41 =	vmul.f32 v41, v37;
	[tilespmem:s22+$0x70] =	vst v46;
	v43 =	vadd.f32 v43, v48;
	v46 =	vmul.f32 v51, v36;
	v48 =	vld [tilespmem:s22+$0x800]  }
0x161: {  	v40 =	vmul.f32 v40, v37;
	[tilespmem:s22+$0x400] =	vst v44;
	v42 =	vadd.f32 v42, v45;
	v44 =	vmul.f32 v52, v36;
	v45 =	vld [tilespmem:s22+$0x810]  }
0x162: {  	v39 =	vmul.f32 v39, v37;
	[tilespmem:s22+$0x410] =	vst v43;
	v41 =	vadd.f32 v41, v46;
	v43 =	vmul.f32 v50, v36;
	v46 =	vld [tilespmem:s22+$0x820]  }
0x163: {  	v38 =	vmul.f32 v38, v37;
	[tilespmem:s22+$0x420] =	vst v42;
	v40 =	vadd.f32 v40, v44;
	v42 =	vmul.f32 v49, v36;
	v44 =	vld [tilespmem:s22+$0x830]  }
0x164: {  	v35 =	vmul.f32 v35, v37;
	[tilespmem:s22+$0x430] =	vst v41;
	v39 =	vadd.f32 v39, v43;
	v41 =	vmul.f32 v47, v36;
	v43 =	vld [tilespmem:s22+$0x840]  }
0x165: {  	v32 =	vmul.f32 v32, v37;
	[tilespmem:s22+$0x440] =	vst v40;
	v38 =	vadd.f32 v38, v42;
	v40 =	vmul.f32 v48, v36;
	v42 =	vld [tilespmem:s22+$0x850]  }
0x166: {  	v31 =	vmul.f32 v31, v37;
	[tilespmem:s22+$0x450] =	vst v39;
	v35 =	vadd.f32 v35, v41;
	v39 =	vmul.f32 v45, v36;
	v41 =	vld [tilespmem:s22+$0x860]  }
0x167: {  	v30 =	vmul.f32 v30, v37;
	[tilespmem:s22+$0x460] =	vst v38;
	v32 =	vadd.f32 v32, v40;
	v38 =	vmul.f32 v46, v36;
	v40 =	vld [tilespmem:s22+$0x870]  }
0x168: {  	v29 =	vmul.f32 v29, v37;
	[tilespmem:s22+$0x470] =	vst v35;
	v31 =	vadd.f32 v31, v39;
	v35 =	vmul.f32 v44, v36;
	v39 =	vld [tilespmem:s22+$0xC00]  }
0x169: {  	v28 =	vmul.f32 v28, v37;
	[tilespmem:s22+$0x800] =	vst v32;
	v30 =	vadd.f32 v30, v38;
	v32 =	vmul.f32 v43, v36;
	v38 =	vld [tilespmem:s22+$0xC10]  }
0x16a: {  	v27 =	vmul.f32 v27, v37;
	[tilespmem:s22+$0x810] =	vst v31;
	v29 =	vadd.f32 v29, v35;
	v31 =	vmul.f32 v42, v36;
	v35 =	vld [tilespmem:s22+$0xC20]  }
0x16b: {  	v26 =	vmul.f32 v26, v37;
	[tilespmem:s22+$0x820] =	vst v30;
	v28 =	vadd.f32 v28, v32;
	v30 =	vmul.f32 v41, v36;
	v32 =	vld [tilespmem:s22+$0xC30]  }
0x16c: {  	v25 =	vmul.f32 v25, v37;
	[tilespmem:s22+$0x830] =	vst v29;
	v27 =	vadd.f32 v27, v31;
	v29 =	vmul.f32 v40, v36;
	v31 =	vld [tilespmem:s22+$0xC40]  }
0x16d: {  	v24 =	vmul.f32 v24, v37;
	[tilespmem:s22+$0x840] =	vst v28;
	v26 =	vadd.f32 v26, v30;
	v28 =	vmul.f32 v39, v36;
	v30 =	vld [tilespmem:s22+$0xC50]  }
0x16e: {  	v23 =	vmul.f32 v23, v37;
	[tilespmem:s22+$0x850] =	vst v27;
	v25 =	vadd.f32 v25, v29;
	v27 =	vmul.f32 v38, v36;
	v29 =	vld [tilespmem:s22+$0xC60]  }
0x16f: {  	v22 =	vmul.f32 v22, v37;
	[tilespmem:s22+$0x860] =	vst v26;
	v24 =	vadd.f32 v24, v28;
	v26 =	vmul.f32 v35, v36;
	v28 =	vld [tilespmem:s22+$0xC70]  }
0x170: {  	v21 =	vmul.f32 v21, v37;
	[tilespmem:s22+$0x870] =	vst v25;
	v23 =	vadd.f32 v23, v27;
	v25 =	vmul.f32 v32, v36;
	v27 =	vld [tilespmem:s22+$0x1000]  }
0x171: {  	v20 =	vmul.f32 v20, v37;
	[tilespmem:s22+$0xC00] =	vst v24;
	v22 =	vadd.f32 v22, v26;
	v24 =	vmul.f32 v31, v36;
	v26 =	vld [tilespmem:s22+$0x1010]  }
0x172: {  	v19 =	vmul.f32 v19, v37;
	[tilespmem:s22+$0xC10] =	vst v23;
	v21 =	vadd.f32 v21, v25;
	v23 =	vmul.f32 v30, v36;
	v25 =	vld [tilespmem:s22+$0x1020]  }
0x173: {  	v18 =	vmul.f32 v18, v37;
	[tilespmem:s22+$0xC20] =	vst v22;
	v20 =	vadd.f32 v20, v24;
	v22 =	vmul.f32 v29, v36;
	v24 =	vld [tilespmem:s22+$0x1030]  }
0x174: {  	v17 =	vmul.f32 v17, v37;
	[tilespmem:s22+$0xC30] =	vst v21;
	v19 =	vadd.f32 v19, v23;
	v21 =	vmul.f32 v28, v36;
	v23 =	vld [tilespmem:s22+$0x1040]  }
0x175: {  	v16 =	vmul.f32 v16, v37;
	[tilespmem:s22+$0xC40] =	vst v20;
	v18 =	vadd.f32 v18, v22;
	v20 =	vmul.f32 v27, v36;
	v22 =	vld [tilespmem:s22+$0x1050]  }
0x176: {  	v15 =	vmul.f32 v15, v37;
	[tilespmem:s22+$0xC50] =	vst v19;
	v17 =	vadd.f32 v17, v21;
	v19 =	vmul.f32 v26, v36;
	v21 =	vld [tilespmem:s22+$0x1060]  }
0x177: {  	v14 =	vmul.f32 v14, v37;
	[tilespmem:s22+$0xC60] =	vst v18;
	v16 =	vadd.f32 v16, v20;
	v18 =	vmul.f32 v25, v36;
	v20 =	vld [tilespmem:s22+$0x1070]  }
0x178: {  	v13 =	vmul.f32 v13, v37;
	[tilespmem:s22+$0xC70] =	vst v17;
	v15 =	vadd.f32 v15, v19;
	v17 =	vmul.f32 v24, v36;
	v19 =	vld [tilespmem:s22+$0x1400]  }
0x179: {  	v12 =	vmul.f32 v12, v37;
	[tilespmem:s22+$0x1000] =	vst v16;
	v14 =	vadd.f32 v14, v18;
	v16 =	vmul.f32 v23, v36;
	v18 =	vld [tilespmem:s22+$0x1410]  }
0x17a: {  	v11 =	vmul.f32 v11, v37;
	[tilespmem:s22+$0x1010] =	vst v15;
	v13 =	vadd.f32 v13, v17;
	v15 =	vmul.f32 v22, v36;
	v17 =	vld [tilespmem:s22+$0x1420]  }
0x17b: {  	v10 =	vmul.f32 v10, v37;
	[tilespmem:s22+$0x1020] =	vst v14;
	v12 =	vadd.f32 v12, v16;
	v14 =	vmul.f32 v21, v36;
	v16 =	vld [tilespmem:s22+$0x1430]  }
0x17c: {  	s25 =	sshrl.u32 s24, $0x3;
	v9 =	vmul.f32 v9, v37;
	[tilespmem:s22+$0x1030] =	vst v13;
	v11 =	vadd.f32 v11, v15;
	v13 =	vmul.f32 v20, v36;
	v15 =	vld [tilespmem:s22+$0x1440]  }
0x17d: {  	s23 =	sadd.s32 $0x80, s23;
	s25 =	smul.u32 $0x1800, s25;
	v8 =	vmul.f32 v8, v37;
	[tilespmem:s22+$0x1040] =	vst v12;
	v10 =	vadd.f32 v10, v14;
	v12 =	vmul.f32 v19, v36;
	v14 =	vld [tilespmem:s22+$0x1450]  }
0x17e: {  	s26 =	sand.u32 $0x380, s23;
	v7 =	vmul.f32 v7, v37;
	[tilespmem:s22+$0x1050] =	vst v11;
	v9 =	vadd.f32 v9, v13;
	v11 =	vmul.f32 v18, v36;
	v13 =	vld [tilespmem:s22+$0x1460]  }
0x17f: {  	s25 =	sor.u32 s26, s25;
	v6 =	vmul.f32 v6, v37;
	[tilespmem:s22+$0x1060] =	vst v10;
	v8 =	vadd.f32 v8, v12;
	v10 =	vmul.f32 v17, v36;
	v12 =	vld [tilespmem:s22+$0x1470]  }
0x180: {  	v5 =	vmul.f32 v5, v37;
	v44 =	vld [tilespmem:s25+$0xC000];
	[tilespmem:s22+$0x1070] =	vst v9;
	v7 =	vadd.f32 v7, v11;
	v9 =	vmul.f32 v16, v36  }
0x181: {  	v4 =	vmul.f32 v4, v37;
	v46 =	vld [tilespmem:s25+$0xC010];
	[tilespmem:s22+$0x1400] =	vst v8;
	v6 =	vadd.f32 v6, v10;
	v8 =	vmul.f32 v15, v36  }
0x182: {  	v3 =	vmul.f32 v3, v37;
	v47 =	vld [tilespmem:s25+$0xC020];
	[tilespmem:s22+$0x1410] =	vst v7;
	v5 =	vadd.f32 v5, v9;
	v7 =	vmul.f32 v14, v36  }
0x183: {  	v49 =	vld [tilespmem:s25+$0xC030];
	[tilespmem:s22+$0x1420] =	vst v6;
	v4 =	vadd.f32 v4, v8;
	v6 =	vmul.f32 v13, v36;
	v8 =	vmul.f32 v34, v37  }
0x184: {  	v51 =	vld [tilespmem:s25+$0xC040];
	[tilespmem:s22+$0x1430] =	vst v5;
	v3 =	vadd.f32 v3, v7;
	v5 =	vmul.f32 v12, v36;
	v7 =	vmul.f32 v33, v37  }
0x185: {  	v52 =	vld [tilespmem:s25+$0xC050];
	[tilespmem:s22+$0x1440] =	vst v4;
	v4 =	vadd.f32 v8, v6  }
0x186: {  	v50 =	vld [tilespmem:s25+$0xC060];
	[tilespmem:s22+$0x1450] =	vst v3;
	v3 =	vadd.f32 v7, v5  }
0x187: {  	v48 =	vld [tilespmem:s25+$0xC070];
	[tilespmem:s22+$0x1460] =	vst v4  }
0x188: {  	v45 =	vld [tilespmem:s25+$0xC400];
	[tilespmem:s22+$0x1470] =	vst v3;
	s22 =	smov.u32 s25  }
0x189: {  	v43 =	vld [tilespmem:s22+$0xC410]  }
0x18a: {  	v42 =	vld [tilespmem:s22+$0xC420]  }
0x18b: {  	v41 =	vld [tilespmem:s22+$0xC430]  }
0x18c: {  	v40 =	vld [tilespmem:s22+$0xC440]  }
0x18d: {  	v39 =	vld [tilespmem:s22+$0xC450]  }
0x18e: {  	v38 =	vld [tilespmem:s22+$0xC460]  }
0x18f: {  	v35 =	vld [tilespmem:s22+$0xC470]  }
0x190: {  	v32 =	vld [tilespmem:s22+$0xC800]  }
0x191: {  	v31 =	vld [tilespmem:s22+$0xC810]  }
0x192: {  	v30 =	vld [tilespmem:s22+$0xC820]  }
0x193: {  	v29 =	vld [tilespmem:s22+$0xC830]  }
0x194: {  	v28 =	vld [tilespmem:s22+$0xC840]  }
0x195: {  	v27 =	vld [tilespmem:s22+$0xC850]  }
0x196: {  	v26 =	vld [tilespmem:s22+$0xC860]  }
0x197: {  	v25 =	vld [tilespmem:s22+$0xC870]  }
0x198: {  	v24 =	vld [tilespmem:s22+$0xCC00]  }
0x199: {  	v23 =	vld [tilespmem:s22+$0xCC10]  }
0x19a: {  	v22 =	vld [tilespmem:s22+$0xCC20]  }
0x19b: {  	v21 =	vld [tilespmem:s22+$0xCC30]  }
0x19c: {  	v20 =	vld [tilespmem:s22+$0xCC40]  }
0x19d: {  	v19 =	vld [tilespmem:s22+$0xCC50]  }
0x19e: {  	v18 =	vld [tilespmem:s22+$0xCC60]  }
0x19f: {  	v17 =	vld [tilespmem:s22+$0xCC70]  }
0x1a0: {  	v16 =	vld [tilespmem:s22+$0xD000]  }
0x1a1: {  	v15 =	vld [tilespmem:s22+$0xD010]  }
0x1a2: {  	v14 =	vld [tilespmem:s22+$0xD020]  }
0x1a3: {  	v13 =	vld [tilespmem:s22+$0xD030]  }
0x1a4: {  	v12 =	vld [tilespmem:s22+$0xD040]  }
0x1a5: {  	v11 =	vld [tilespmem:s22+$0xD050]  }
0x1a6: {  	v10 =	vld [tilespmem:s22+$0xD060]  }
0x1a7: {  	v9 =	vld [tilespmem:s22+$0xD070]  }
0x1a8: {  	v8 =	vld [tilespmem:s22+$0xD400]  }
.Ltmp0:
0x1a9: {  	v7 =	vld [tilespmem:s22+$0xD410];
	(pc) =	sbr.rel @p0 .LBB2_2-.Ltmp0, $4  }
0x1aa: {  	v6 =	vld [tilespmem:s22+$0xD420]  }
0x1ab: {  	v5 =	vld [tilespmem:s22+$0xD430]  }
0x1ac: {  	v4 =	vld [tilespmem:s22+$0xD440]  }
0x1ad: {  	s24 =	sadd.s32 $0x1, s24;
	v3 =	vld [tilespmem:s22+$0xD450]  }
0x1ae: {  	s21 =	sadd.s32 $0x80, s21  }
0x1af: {  	v36 =	vld [tilespmem:s21+$0x0]  }
0x1b0: {  	v33 =	vld [tilespmem:s22+$0xD460]  }
0x1b1: {  	v37 =	vld [tilespmem:s22+$0x0]  }
0x1b2: {  	v53 =	vld [tilespmem:s22+$0x10]  }
0x1b3: {  	v54 =	vld [tilespmem:s22+$0x20]  }
0x1b4: {  	v55 =	vld [tilespmem:s22+$0x30];
	v34 =	vbroadcast v36, $0x0  }
0x1b5: {  	v56 =	vld [tilespmem:s22+$0x40];
	v36 =	vbroadcast v36, $0x1  }
0x1b6: {  	v57 =	vld [tilespmem:s22+$0x50];
	v37 =	vmul.f32 v34, v37  }
0x1b7: {  	v58 =	vld [tilespmem:s22+$0x60];
	v44 =	vmul.f32 v44, v36;
	v53 =	vmul.f32 v53, v34  }
0x1b8: {  	v59 =	vld [tilespmem:s22+$0x70];
	v46 =	vmul.f32 v46, v36;
	v54 =	vmul.f32 v54, v34  }
0x1b9: {  	v47 =	vmul.f32 v47, v36;
	v63 =	vmul.f32 v55, v34;
	v55 =	vld [tilespmem:s22+$0x400];
	v44 =	vadd.f32 v44, v37  }
0x1ba: {  	v49 =	vmul.f32 v49, v36;
	v37 =	vld [tilespmem:s22+$0xD470];
	v46 =	vadd.f32 v46, v53  }
0x1bb: {  	v61 =	vmul.f32 v56, v34;
	v51 =	vmul.f32 v51, v36;
	v60 =	vadd.f32 v47, v54;
	v53 =	vld [tilespmem:s22+$0x410];
	[tilespmem:s22+$0x0] =	vst v44  }
0x1bc: {  	v52 =	vmul.f32 v52, v36;
	v62 =	vadd.f32 v49, v63;
	v63 =	vmul.f32 v57, v34;
	v54 =	vld [tilespmem:s22+$0x440];
	[tilespmem:s22+$0x10] =	vst v46  }
0x1bd: {  	v50 =	vmul.f32 v50, v36;
	v56 =	vadd.f32 v51, v61;
	v57 =	vmul.f32 v58, v34;
	[tilespmem:s22+$0x20] =	vst v60;
	v60 =	vld [tilespmem:s22+$0x420]  }
0x1be: {  	v59 =	vmul.f32 v59, v34;
	v48 =	vmul.f32 v48, v36;
	[tilespmem:s22+$0x30] =	vst v62;
	v58 =	vadd.f32 v52, v63;
	v52 =	vld [tilespmem:s22+$0x430]  }
0x1bf: {  	v45 =	vmul.f32 v45, v36;
	[tilespmem:s22+$0x40] =	vst v56;
	v61 =	vadd.f32 v50, v57;
	v57 =	vld [tilespmem:s22+$0x450];
	v62 =	vmul.f32 v55, v34  }
0x1c0: {  	v43 =	vmul.f32 v43, v36;
	v63 =	vadd.f32 v48, v59;
	v56 =	vld [tilespmem:s22+$0x800];
	[tilespmem:s22+$0x50] =	vst v58;
	v55 =	vmul.f32 v53, v34  }
0x1c1: {  	v40 =	vmul.f32 v40, v36;
	v59 =	vld [tilespmem:s22+$0x810];
	[tilespmem:s22+$0x60] =	vst v61;
	v45 =	vadd.f32 v45, v62;
	v44 =	vmul.f32 v54, v34  }
0x1c2: {  	v42 =	vmul.f32 v42, v36;
	[tilespmem:s22+$0x70] =	vst v63;
	v61 =	vld [tilespmem:s22+$0x820];
	v58 =	vmul.f32 v60, v34;
	v43 =	vadd.f32 v43, v55  }
0x1c3: {  	v41 =	vmul.f32 v41, v36;
	v51 =	vld [tilespmem:s22+$0x850];
	[tilespmem:s22+$0x400] =	vst v45;
	v48 =	vmul.f32 v52, v34;
	v40 =	vadd.f32 v40, v44  }
0x1c4: {  	v39 =	vmul.f32 v39, v36;
	v62 =	vld [tilespmem:s22+$0x470];
	v47 =	vmul.f32 v57, v34;
	v42 =	vadd.f32 v42, v58;
	[tilespmem:s22+$0x410] =	vst v43  }
0x1c5: {  	v32 =	vmul.f32 v32, v36;
	v63 =	vld [tilespmem:s22+$0x830];
	v54 =	vmul.f32 v56, v34;
	v41 =	vadd.f32 v41, v48;
	[tilespmem:s22+$0x440] =	vst v40  }
0x1c6: {  	v31 =	vmul.f32 v31, v36;
	v53 =	vld [tilespmem:s22+$0x860];
	v45 =	vmul.f32 v59, v34;
	v39 =	vadd.f32 v39, v47;
	[tilespmem:s22+$0x420] =	vst v42  }
0x1c7: {  	v30 =	vmul.f32 v30, v36;
	v60 =	vld [tilespmem:s22+$0x460];
	v32 =	vadd.f32 v32, v54;
	v43 =	vmul.f32 v61, v34;
	[tilespmem:s22+$0x430] =	vst v41  }
0x1c8: {  	v27 =	vmul.f32 v27, v36;
	v57 =	vld [tilespmem:s22+$0xC10];
	v31 =	vadd.f32 v31, v45;
	v40 =	vmul.f32 v51, v34;
	[tilespmem:s22+$0x450] =	vst v39  }
0x1c9: {  	v35 =	vmul.f32 v35, v36;
	v46 =	vld [tilespmem:s22+$0x1400];
	v52 =	vmul.f32 v62, v34;
	[tilespmem:s22+$0x800] =	vst v32;
	v30 =	vadd.f32 v30, v43  }
0x1ca: {  	v29 =	vmul.f32 v29, v36;
	v50 =	vld [tilespmem:s22+$0x1440];
	v42 =	vmul.f32 v63, v34;
	[tilespmem:s22+$0x810] =	vst v31;
	v27 =	vadd.f32 v27, v40  }
0x1cb: {  	v26 =	vmul.f32 v26, v36;
	v59 =	vld [tilespmem:s22+$0xC30];
	v39 =	vmul.f32 v53, v34;
	v35 =	vadd.f32 v35, v52;
	[tilespmem:s22+$0x820] =	vst v30  }
0x1cc: {  	v38 =	vmul.f32 v38, v36;
	v48 =	vld [tilespmem:s22+$0x840];
	v49 =	vmul.f32 v60, v34;
	v29 =	vadd.f32 v29, v42;
	[tilespmem:s22+$0x850] =	vst v27  }
0x1cd: {  	v23 =	vmul.f32 v23, v36;
	v56 =	vld [tilespmem:s22+$0xC00];
	v32 =	vmul.f32 v57, v34;
	v26 =	vadd.f32 v26, v39;
	[tilespmem:s22+$0x470] =	vst v35  }
0x1ce: {  	v8 =	vmul.f32 v8, v36;
	v58 =	vld [tilespmem:s22+$0xC20];
	v52 =	vmul.f32 v46, v34;
	v38 =	vadd.f32 v38, v49;
	[tilespmem:s22+$0x830] =	vst v29  }
0x1cf: {  	v4 =	vmul.f32 v4, v36;
	v51 =	vld [tilespmem:s22+$0x1450];
	v57 =	vmul.f32 v50, v34;
	v23 =	vadd.f32 v23, v32;
	[tilespmem:s22+$0x860] =	vst v26  }
0x1d0: {  	v21 =	vmul.f32 v21, v36;
	v62 =	vld [tilespmem:s22+$0xC60];
	v30 =	vmul.f32 v59, v34;
	v8 =	vadd.f32 v8, v52;
	[tilespmem:s22+$0x460] =	vst v38  }
0x1d1: {  	v28 =	vmul.f32 v28, v36;
	v55 =	vld [tilespmem:s22+$0x870];
	v41 =	vmul.f32 v48, v34;
	v4 =	vadd.f32 v4, v57;
	[tilespmem:s22+$0xC10] =	vst v23  }
0x1d2: {  	v24 =	vmul.f32 v24, v36;
	v63 =	vld [tilespmem:s22+$0xC70];
	v35 =	vmul.f32 v56, v34;
	v21 =	vadd.f32 v21, v30;
	[tilespmem:s22+$0x1400] =	vst v8  }
0x1d3: {  	v22 =	vmul.f32 v22, v36;
	v40 =	vld [tilespmem:s22+$0x1020];
	v31 =	vmul.f32 v58, v34;
	v28 =	vadd.f32 v28, v41;
	[tilespmem:s22+$0x1440] =	vst v4  }
0x1d4: {  	v3 =	vmul.f32 v3, v36;
	v60 =	vld [tilespmem:s22+$0xC40];
	v58 =	vmul.f32 v51, v34;
	v24 =	vadd.f32 v24, v35;
	[tilespmem:s22+$0xC30] =	vst v21  }
0x1d5: {  	v18 =	vmul.f32 v18, v36;
	v53 =	vld [tilespmem:s22+$0x1460];
	v27 =	vmul.f32 v62, v34;
	v22 =	vadd.f32 v22, v31;
	[tilespmem:s22+$0x840] =	vst v28  }
0x1d6: {  	v25 =	vmul.f32 v25, v36;
	v61 =	vld [tilespmem:s22+$0xC50];
	v38 =	vmul.f32 v55, v34;
	v3 =	vadd.f32 v3, v58;
	[tilespmem:s22+$0xC00] =	vst v24  }
0x1d7: {  	v17 =	vmul.f32 v17, v36;
	v39 =	vld [tilespmem:s22+$0x1010];
	v26 =	vmul.f32 v63, v34;
	v18 =	vadd.f32 v18, v27;
	[tilespmem:s22+$0xC20] =	vst v22  }
0x1d8: {  	v14 =	vmul.f32 v14, v36;
	v42 =	vld [tilespmem:s22+$0x1040];
	v23 =	vmul.f32 v40, v34;
	v25 =	vadd.f32 v25, v38;
	[tilespmem:s22+$0x1450] =	vst v3  }
0x1d9: {  	v20 =	vmul.f32 v20, v36;
	v45 =	vld [tilespmem:s22+$0x1070];
	v29 =	vmul.f32 v60, v34;
	v17 =	vadd.f32 v17, v26;
	[tilespmem:s22+$0xC60] =	vst v18  }
0x1da: {  	v48 =	vld [tilespmem:s22+$0x1420];
	v59 =	vmul.f32 v53, v34;
	v60 =	vmul.f32 v33, v36;
	v14 =	vadd.f32 v14, v23;
	[tilespmem:s22+$0x870] =	vst v25  }
0x1db: {  	v19 =	vmul.f32 v19, v36;
	v49 =	vld [tilespmem:s22+$0x1430];
	v28 =	vmul.f32 v61, v34;
	v20 =	vadd.f32 v20, v29;
	[tilespmem:s22+$0xC70] =	vst v17  }
0x1dc: {  	v15 =	vmul.f32 v15, v36;
	v41 =	vld [tilespmem:s22+$0x1030];
	v24 =	vmul.f32 v39, v34;
	v63 =	vadd.f32 v60, v59;
	[tilespmem:s22+$0x1020] =	vst v14  }
0x1dd: {  	v12 =	vmul.f32 v12, v36;
	v38 =	vld [tilespmem:s22+$0x1000];
	v21 =	vmul.f32 v42, v34;
	v19 =	vadd.f32 v19, v28;
	[tilespmem:s22+$0xC40] =	vst v20  }
0x1de: {  	v9 =	vmul.f32 v9, v36;
	v43 =	vld [tilespmem:s22+$0x1050];
	v18 =	vmul.f32 v45, v34;
	v15 =	vadd.f32 v15, v24;
	[tilespmem:s22+$0x1460] =	vst v63  }
0x1df: {  	v6 =	vmul.f32 v6, v36;
	v55 =	vld [tilespmem:s22+$0x1470];
	v54 =	vmul.f32 v48, v34;
	v12 =	vadd.f32 v12, v21;
	[tilespmem:s22+$0xC50] =	vst v19  }
0x1e0: {  	v5 =	vmul.f32 v5, v36;
	v44 =	vld [tilespmem:s22+$0x1060];
	v56 =	vmul.f32 v49, v34;
	v9 =	vadd.f32 v9, v18;
	[tilespmem:s22+$0x1010] =	vst v15  }
0x1e1: {  	v13 =	vmul.f32 v13, v36;
	v47 =	vld [tilespmem:s22+$0x1410];
	v22 =	vmul.f32 v41, v34;
	v6 =	vadd.f32 v6, v54;
	[tilespmem:s22+$0x1040] =	vst v12  }
0x1e2: {  	v16 =	vmul.f32 v16, v36;
	v5 =	vadd.f32 v5, v56;
	v25 =	vmul.f32 v38, v34;
	[tilespmem:s22+$0x1070] =	vst v9  }
0x1e3: {  	v11 =	vmul.f32 v11, v36;
	v20 =	vmul.f32 v43, v34;
	v13 =	vadd.f32 v13, v22;
	[tilespmem:s22+$0x1420] =	vst v6  }
0x1e4: {  	v62 =	vmul.f32 v37, v36;
	v61 =	vmul.f32 v55, v34;
	[tilespmem:s22+$0x1430] =	vst v5;
	v16 =	vadd.f32 v16, v25  }
0x1e5: {  	v10 =	vmul.f32 v10, v36;
	v19 =	vmul.f32 v44, v34;
	v11 =	vadd.f32 v11, v20;
	[tilespmem:s22+$0x1030] =	vst v13  }
0x1e6: {  	v7 =	vmul.f32 v7, v36;
	v3 =	vadd.f32 v62, v61;
	[tilespmem:s22+$0x1000] =	vst v16;
	v16 =	vmul.f32 v47, v34  }
0x1e7: {  	v10 =	vadd.f32 v10, v19;
	[tilespmem:s22+$0x1050] =	vst v11  }
0x1e8: {  	s20 =	sadd.s32 $0x1, s20;
	[tilespmem:s22+$0x1470] =	vst v3;
	v7 =	vadd.f32 v7, v16  }
0x1e9: {  	p0 =	sne.s32 s20, s10;
	[tilespmem:s22+$0x1060] =	vst v10  }
.Ltmp1:
0x1ea: {  	[tilespmem:s22+$0x1410] =	vst v7;
	(pc) =	sbr.rel @p0 .LBB2_1-.Ltmp1, $4  }
0x1eb: {  	[hbm4b:s9+s2] =	stream.linear.scatter [tilespmem:s2], [sflag:$0x2], $0xC000, $0x38;
	[tilespmem:$0x1A100] =	vst v63  }
0x1ec: {  	_ =	swait.ge [sflag:s12], $0xC000  }
0x1ed: {  	[sflag:s12] =	ssyncset.done $0x0  }
0x1ee: {  	[sflag:s12] =	ssyncadd.s32 $0xFFFF4000  }
0x1ef: {  	_ =	sfence.sel $0x180000  }
0x1f0: {  	[bflag:$0x0] =	sbarrier.arrive $0xFFFF  }
0x1f1: {  	_ =	strace $0x9000004A  }
0x1f2: {  	s0 =	stileid.u32;
	[bflag:$0x2] =	sbarrier.arrive $0xFFFF  }
0x1f3: {  	p0 =	sne.s32 s0, $0x0;
	s0 =	rddreg [dreg:$0x2]  }
0x1f4: {  	s0 =	sadd.s32 @!p0 $0x100000, s0  }
0x1f5: {  	[sflag:s0] =	ssyncadd.tile.s32 @!p0 $0x1;
	_ =	shalt  }
.Lfunc_end2:
_tile_overlayer_lowered:
.L_overlay_start_2:
0x1f6: {  	(tag) =	ssettag $0x2  }
0x1f7: {  	s0 =	rddreg [dreg:$0x0];
	s2 =	stileid.u32  }
0x1f8: {  	s1 =	rddreg [dreg:$0x1];
	p0 =	sne.s32 s2, $0x0  }
0x1f9: {  	s3 =	rddreg [dreg:$0x2];
	[bflag:$0x3] =	sbarrier.arrive $0xFFFF;
	s2 =	simm.s32 @!p0 $0x1C02  }
0x1fa: {  	[timem:s3], [sflag:s2] =	dma.local @!p0 [hbm:s0], s1  }
0x1fb: {  	s0 =	simm.s32 @!p0 $0x2  }
0x1fc: {  	_ =	swait.ge @!p0 [sflag:s0], s1  }
0x1fd: {  	s1 =	ssub.s32 @!p0 $0x0, s1;
	[sflag:s0] =	ssyncset.done @!p0 $0x0  }
0x1fe: {  	[sflag:s0] =	ssyncadd.s32 @!p0 s1  }
0x1ff: {  	[bflag:$0x3] =	sbarrier.arrive $0xFFFF  }
0x200: {  	_ =	shalt  }

</sc_bundles>
